<compile_context>
chip_gen: v7x
topology: tpu7x:2x2x1
jax: 0.10.2.dev20260603
libtpu: 0.0.44.dev20260713+nightly
codegen_flags: <defaults>
</compile_context>

<pallas_src>
import jax
import jax.numpy as jnp
from jax import lax
from jax.experimental import pallas as pl
from jax.experimental.pallas import tpu as pltpu
from jax.experimental.pallas import tpu_sc as plsc

NUM_ENT = 100000
NUM_REL = 1000
ENT_DIM = 128
REL_DIM = 256
BATCH = 16384

NC = 2
NS = 16
NW = NC * NS
BPW = BATCH // NW
CW = 128
NCHUNK = BPW // CW
NBUF = 7
NTASK = 4 * NCHUNK


def _body(h_idx, t_idx, r_idx, ent, rel2, out_h, out_t, out_r,
          idx_h, idx_t, idx_r, idx_ra, idx_rb, bufs, gsem, wsem, isem):
    wid = lax.axis_index("s") * NC + lax.axis_index("c")
    blk = wid * NCHUNK
    base = wid * BPW
    c1 = pltpu.make_async_copy(h_idx.at[pl.ds(blk, NCHUNK)], idx_h, isem)
    c2 = pltpu.make_async_copy(t_idx.at[pl.ds(blk, NCHUNK)], idx_t, isem)
    c3 = pltpu.make_async_copy(r_idx.at[pl.ds(blk, NCHUNK)], idx_r, isem)
    c1.start(); c2.start(); c3.start()
    c1.wait(); c2.wait()
    def double_rel():
        for j in range(NCHUNK):
            for i in range(CW // 16):
                v = idx_r[j, pl.ds(i * 16, 16)]
                idx_ra[j, pl.ds(i * 16, 16)] = v * 2
                idx_rb[j, pl.ds(i * 16, 16)] = v * 2 + 1

    tasks = []
    for j in range(NCHUNK):
        off = base + j * CW
        tasks.append((ent, idx_h.at[j], out_h, off, 0))
        tasks.append((ent, idx_t.at[j], out_t, off, 0))
        tasks.append((rel2, idx_ra.at[j], out_r, off, 0))
        tasks.append((rel2, idx_rb.at[j], out_r, off, CW))

    def gather(k, b):
        tbl, idx, _, _, _ = tasks[k]
        return pltpu.make_async_copy(tbl.at[idx], bufs.at[b], gsem.at[b])

    def write(k, b):
        _, _, out, off, col = tasks[k]
        dst = out.at[pl.ds(off, CW), pl.ds(col, CW)]
        return pltpu.make_async_copy(bufs.at[b], dst, wsem.at[b])

    gather(0, 0).start()
    gather(1, 1).start()
    c3.wait()
    double_rel()
    for k in range(2, NBUF):
        gather(k, k).start()
    for k in range(NTASK):
        b = k % NBUF
        nk = k + NBUF - 1
        if k >= 1 and nk < NTASK:
            pb = (k - 1) % NBUF
            write(k - 1, pb).wait()
            gather(nk, pb).start()
        gather(k, b).wait()
        write(k, b).start()
    for k in range(NTASK - NBUF, NTASK):
        if k >= 0:
            write(k, k % NBUF).wait()


@jax.jit
def _gather3(h_idx, t_idx, r_idx, ent_table, rel2):
    mesh = plsc.VectorSubcoreMesh(core_axis_name="c", subcore_axis_name="s")
    k = pl.kernel(
        _body,
        out_type=(
            jax.ShapeDtypeStruct((BATCH, ENT_DIM), jnp.float32),
            jax.ShapeDtypeStruct((BATCH, ENT_DIM), jnp.float32),
            jax.ShapeDtypeStruct((BATCH, REL_DIM), jnp.float32),
        ),
        mesh=mesh,
        scratch_types=[
            pltpu.VMEM((NCHUNK, CW), jnp.int32),
            pltpu.VMEM((NCHUNK, CW), jnp.int32),
            pltpu.VMEM((NCHUNK, CW), jnp.int32),
            pltpu.VMEM((NCHUNK, CW), jnp.int32),
            pltpu.VMEM((NCHUNK, CW), jnp.int32),
            pltpu.VMEM((NBUF, CW, ENT_DIM), jnp.float32),
            pltpu.SemaphoreType.DMA((NBUF,)),
            pltpu.SemaphoreType.DMA((NBUF,)),
            pltpu.SemaphoreType.DMA,
        ],
    )
    return k(h_idx, t_idx, r_idx, ent_table, rel2)


def kernel(batch_h, batch_t, batch_r, mode, ent_table, rel_table):
    del mode
    h2 = batch_h.reshape(BATCH // CW, CW)
    t2 = batch_t.reshape(BATCH // CW, CW)
    r2 = batch_r.reshape(BATCH // CW, CW)
    rel2 = rel_table.reshape(NUM_REL * 2, ENT_DIM)
    return _gather3(h2, t2, r2, ent_table, rel2)

# --- scband reference (transcript-rebuilt; emitter-appended) ---
"""Pipeline reference for scband-adv-mix-rotat-e-10196252361274 (READ-ONLY COPY).

The authoritative reference and input builder live on the scoring server;
editing this copy changes nothing except your own understanding.
"""

import jax, jax.numpy as jnp
import numpy as np

NUM_ENT = 100000
NUM_REL = 1000
ENT_DIM = 128
REL_DIM = 256
BATCH = 16384


def setup_inputs(seed: int = 0) -> dict:
    key = jax.random.key(seed)
    k1, k2, k3, k4, k5 = jax.random.split(key, 5)
    batch_h = jax.random.randint(k1, (BATCH,), 0, NUM_ENT, dtype=jnp.int64 if jax.config.jax_enable_x64 else jnp.int32).astype(jnp.int32)
    batch_t = jax.random.randint(k2, (BATCH,), 0, NUM_ENT).astype(jnp.int32)
    batch_r = jax.random.randint(k3, (BATCH,), 0, NUM_REL).astype(jnp.int32)
    # Learned embedding tables (nn.Embedding default init ~ N(0,1))
    ent_table = jax.random.normal(k4, (NUM_ENT, ENT_DIM), dtype=jnp.float32)
    rel_table = jax.random.normal(k5, (NUM_REL, REL_DIM), dtype=jnp.float32)
    return {
        "batch_h": batch_h,
        "batch_t": batch_t,
        "batch_r": batch_r,
        "mode": 0,
        "ent_table": ent_table,
        "rel_table": rel_table,
    }


def reference(batch_h, batch_t, batch_r, mode, ent_table, rel_table):
    # Faithful translation of AdvMixRotatE.forward with args.add_noise == 0
    # (noise branch skipped; it also references self.img_proj which does not
    # exist, so the eval/no-noise path is the only runnable one).
    # The torch forward's effective computation is three embedding gathers.
    h_emb = jnp.take(ent_table, batch_h, axis=0)
    t_emb = jnp.take(ent_table, batch_t, axis=0)
    r_emb = jnp.take(rel_table, batch_r, axis=0)
    return (h_emb, t_emb, r_emb)

if __name__ == "__main__":
    import jax
    _d = setup_inputs()
    print(jax.jit(kernel)(*tuple(_d.values())))

</pallas_src>

<mosaic_0001>
#map = affine_map<(d0, d1) -> (0, 0)>
module attributes {stable_mosaic.version = 14 : i64} {
  func.func @_body(%arg0: i32, %arg1: i32, %arg2: memref<128x128xi32, #tpu.memory_space<hbm>>, %arg3: memref<128x128xi32, #tpu.memory_space<hbm>>, %arg4: memref<128x128xi32, #tpu.memory_space<hbm>>, %arg5: memref<100000x128xf32, #tpu.memory_space<hbm>>, %arg6: memref<2000x128xf32, #tpu.memory_space<hbm>>, %arg7: memref<16384x128xf32, #tpu.memory_space<hbm>>, %arg8: memref<16384x128xf32, #tpu.memory_space<hbm>>, %arg9: memref<16384x256xf32, #tpu.memory_space<hbm>>, %arg10: memref<4x128xi32, #tpu.memory_space<vmem>>, %arg11: memref<4x128xi32, #tpu.memory_space<vmem>>, %arg12: memref<4x128xi32, #tpu.memory_space<vmem>>, %arg13: memref<4x128xi32, #tpu.memory_space<vmem>>, %arg14: memref<4x128xi32, #tpu.memory_space<vmem>>, %arg15: memref<7x128x128xf32, #tpu.memory_space<vmem>>, %arg16: memref<7x!tpu.dma_semaphore, #tpu.memory_space<semaphore_mem>>, %arg17: memref<7x!tpu.dma_semaphore, #tpu.memory_space<semaphore_mem>>, %arg18: memref<!tpu.dma_semaphore, #tpu.memory_space<semaphore_mem>>) attributes {dimension_semantics = [#tpu.dimension_semantics<core_parallel>, #tpu.dimension_semantics<subcore_parallel>], iteration_bounds = array<i64: 2, 16>, scalar_prefetch = 0 : i64, scratch_operands = 9 : i64, tpu.core_type = #tpu.core_type<sc_vector_subcore>, window_params = [{transform_indices = #map}, {transform_indices = #map}, {transform_indices = #map}, {transform_indices = #map}, {transform_indices = #map}, {transform_indices = #map}, {transform_indices = #map}, {transform_indices = #map}]} {
    %mul3A = arith.constant 2 : i32
    %mul3A_0 = arith.muli %arg1, %mul3A : i32
    %add3A = arith.addi %mul3A_0, %arg0 : i32
    %mul3A_1 = arith.constant 4 : i32
    %mul3A_2 = arith.muli %add3A, %mul3A_1 : i32
    %mul3A_3 = arith.constant 512 : i32
    %mul3A_4 = arith.muli %add3A, %mul3A_3 : i32
    %dma_start3A = arith.constant 0 : i32
    %dma_start3A_5 = tpu.memref_slice %arg2[%mul3A_2, %dma_start3A] : memref<128x128xi32, #tpu.memory_space<hbm>> -> memref<4x128xi32, #tpu.memory_space<hbm>>
    %dma_start3A_6 = arith.constant 0 : i32
    %dma_start3A_7 = tpu.memref_slice %arg2[%mul3A_2, %dma_start3A_6] : memref<128x128xi32, #tpu.memory_space<hbm>> -> memref<4x128xi32, #tpu.memory_space<hbm>>
    tpu.enqueue_dma source(%dma_start3A_7 : memref<4x128xi32, #tpu.memory_space<hbm>>) target(%arg10 : memref<4x128xi32, #tpu.memory_space<vmem>>) target_semaphore(%arg18 : memref<!tpu.dma_semaphore, #tpu.memory_space<semaphore_mem>>)
    %dma_start3A_8 = arith.constant 0 : i32
    %dma_start3A_9 = tpu.memref_slice %arg3[%mul3A_2, %dma_start3A_8] : memref<128x128xi32, #tpu.memory_space<hbm>> -> memref<4x128xi32, #tpu.memory_space<hbm>>
    %dma_start3A_10 = arith.constant 0 : i32
    %dma_start3A_11 = tpu.memref_slice %arg3[%mul3A_2, %dma_start3A_10] : memref<128x128xi32, #tpu.memory_space<hbm>> -> memref<4x128xi32, #tpu.memory_space<hbm>>
    tpu.enqueue_dma source(%dma_start3A_11 : memref<4x128xi32, #tpu.memory_space<hbm>>) target(%arg11 : memref<4x128xi32, #tpu.memory_space<vmem>>) target_semaphore(%arg18 : memref<!tpu.dma_semaphore, #tpu.memory_space<semaphore_mem>>)
    %dma_start3A_12 = arith.constant 0 : i32
    %dma_start3A_13 = tpu.memref_slice %arg4[%mul3A_2, %dma_start3A_12] : memref<128x128xi32, #tpu.memory_space<hbm>> -> memref<4x128xi32, #tpu.memory_space<hbm>>
    %dma_start3A_14 = arith.constant 0 : i32
    %dma_start3A_15 = tpu.memref_slice %arg4[%mul3A_2, %dma_start3A_14] : memref<128x128xi32, #tpu.memory_space<hbm>> -> memref<4x128xi32, #tpu.memory_space<hbm>>
    tpu.enqueue_dma source(%dma_start3A_15 : memref<4x128xi32, #tpu.memory_space<hbm>>) target(%arg12 : memref<4x128xi32, #tpu.memory_space<vmem>>) target_semaphore(%arg18 : memref<!tpu.dma_semaphore, #tpu.memory_space<semaphore_mem>>)
    %dma_wait3A = arith.constant 0 : i32
    %dma_wait3A_16 = tpu.memref_slice %arg2[%mul3A_2, %dma_wait3A] : memref<128x128xi32, #tpu.memory_space<hbm>> -> memref<4x128xi32, #tpu.memory_space<hbm>>
    %dma_wait3A_17 = arith.constant 0 : i32
    %dma_wait3A_18 = tpu.memref_slice %arg2[%mul3A_2, %dma_wait3A_17] : memref<128x128xi32, #tpu.memory_space<hbm>> -> memref<4x128xi32, #tpu.memory_space<hbm>>
    tpu.wait_dma2 semaphore(%arg18 : memref<!tpu.dma_semaphore, #tpu.memory_space<semaphore_mem>>) src(%dma_wait3A_18 : memref<4x128xi32, #tpu.memory_space<hbm>>) dst(%arg10 : memref<4x128xi32, #tpu.memory_space<vmem>>)
    %dma_wait3A_19 = arith.constant 0 : i32
    %dma_wait3A_20 = tpu.memref_slice %arg3[%mul3A_2, %dma_wait3A_19] : memref<128x128xi32, #tpu.memory_space<hbm>> -> memref<4x128xi32, #tpu.memory_space<hbm>>
    %dma_wait3A_21 = arith.constant 0 : i32
    %dma_wait3A_22 = tpu.memref_slice %arg3[%mul3A_2, %dma_wait3A_21] : memref<128x128xi32, #tpu.memory_space<hbm>> -> memref<4x128xi32, #tpu.memory_space<hbm>>
    tpu.wait_dma2 semaphore(%arg18 : memref<!tpu.dma_semaphore, #tpu.memory_space<semaphore_mem>>) src(%dma_wait3A_22 : memref<4x128xi32, #tpu.memory_space<hbm>>) dst(%arg11 : memref<4x128xi32, #tpu.memory_space<vmem>>)
    %add3A_23 = arith.constant 0 : i32
    %add3A_24 = arith.addi %mul3A_4, %add3A_23 : i32
    %add3A_25 = arith.constant 128 : i32
    %add3A_26 = arith.addi %mul3A_4, %add3A_25 : i32
    %add3A_27 = arith.constant 256 : i32
    %add3A_28 = arith.addi %mul3A_4, %add3A_27 : i32
    %add3A_29 = arith.constant 384 : i32
    %add3A_30 = arith.addi %mul3A_4, %add3A_29 : i32
    %dma_start3A_31 = arith.constant 0 : i32
    %dma_start3A_32 = arith.constant 0 : i32
    %dma_start3A_33 = arith.constant 0 : i32
    %dma_start3A_34 = arith.constant 0 : i32
    %dma_start3A_35 = arith.constant 0 : i32
    %dma_start3A_36 = tpu.memref_slice %arg15[%dma_start3A_32, %dma_start3A_34, %dma_start3A_35] : memref<7x128x128xf32, #tpu.memory_space<vmem>> -> memref<1x128x128xf32, #tpu.memory_space<vmem>>
    %dma_start3A_37 = tpu.memref_squeeze %dma_start3A_36 : memref<1x128x128xf32, #tpu.memory_space<vmem>> -> memref<128x128xf32, #tpu.memory_space<vmem>>
    %dma_start3A_38 = arith.constant 0 : i32
    %dma_start3A_39 = tpu.memref_slice %arg10[%dma_start3A_31, %dma_start3A_38] : memref<4x128xi32, #tpu.memory_space<vmem>> -> memref<1x128xi32, #tpu.memory_space<vmem>>
    %dma_start3A_40 = tpu.memref_squeeze %dma_start3A_39 : memref<1x128xi32, #tpu.memory_space<vmem>> -> memref<128xi32, #tpu.memory_space<vmem>>
    %dma_start3A_41 = arith.constant 0 : i32
    %dma_start3A_42 = arith.constant 0 : i32
    %dma_start3A_43 = tpu.memref_slice %arg5[%dma_start3A_41, %dma_start3A_42] : memref<100000x128xf32, #tpu.memory_space<hbm>> -> memref<100000x128xf32, #tpu.memory_space<hbm>>
    %dma_start3A_44 = tpu.memref_slice %arg16[%dma_start3A_33] : memref<7x!tpu.dma_semaphore, #tpu.memory_space<semaphore_mem>> -> memref<1x!tpu.dma_semaphore, #tpu.memory_space<semaphore_mem>>
    %dma_start3A_45 = tpu.memref_squeeze %dma_start3A_44 : memref<1x!tpu.dma_semaphore, #tpu.memory_space<semaphore_mem>> -> memref<!tpu.dma_semaphore, #tpu.memory_space<semaphore_mem>>
    tpu.enqueue_indirect_dma source(%dma_start3A_43 : memref<100000x128xf32, #tpu.memory_space<hbm>>) target(%dma_start3A_37 : memref<128x128xf32, #tpu.memory_space<vmem>>) offsets(%dma_start3A_40 : memref<128xi32, #tpu.memory_space<vmem>>) semaphore(%dma_start3A_45 : memref<!tpu.dma_semaphore, #tpu.memory_space<semaphore_mem>>)
    %dma_start3A_46 = arith.constant 0 : i32
    %dma_start3A_47 = arith.constant 1 : i32
    %dma_start3A_48 = arith.constant 1 : i32
    %dma_start3A_49 = arith.constant 0 : i32
    %dma_start3A_50 = arith.constant 0 : i32
    %dma_start3A_51 = tpu.memref_slice %arg15[%dma_start3A_47, %dma_start3A_49, %dma_start3A_50] : memref<7x128x128xf32, #tpu.memory_space<vmem>> -> memref<1x128x128xf32, #tpu.memory_space<vmem>>
    %dma_start3A_52 = tpu.memref_squeeze %dma_start3A_51 : memref<1x128x128xf32, #tpu.memory_space<vmem>> -> memref<128x128xf32, #tpu.memory_space<vmem>>
    %dma_start3A_53 = arith.constant 0 : i32
    %dma_start3A_54 = tpu.memref_slice %arg11[%dma_start3A_46, %dma_start3A_53] : memref<4x128xi32, #tpu.memory_space<vmem>> -> memref<1x128xi32, #tpu.memory_space<vmem>>
    %dma_start3A_55 = tpu.memref_squeeze %dma_start3A_54 : memref<1x128xi32, #tpu.memory_space<vmem>> -> memref<128xi32, #tpu.memory_space<vmem>>
    %dma_start3A_56 = arith.constant 0 : i32
    %dma_start3A_57 = arith.constant 0 : i32
    %dma_start3A_58 = tpu.memref_slice %arg5[%dma_start3A_56, %dma_start3A_57] : memref<100000x128xf32, #tpu.memory_space<hbm>> -> memref<100000x128xf32, #tpu.memory_space<hbm>>
    %dma_start3A_59 = tpu.memref_slice %arg16[%dma_start3A_48] : memref<7x!tpu.dma_semaphore, #tpu.memory_space<semaphore_mem>> -> memref<1x!tpu.dma_semaphore, #tpu.memory_space<semaphore_mem>>
    %dma_start3A_60 = tpu.memref_squeeze %dma_start3A_59 : memref<1x!tpu.dma_semaphore, #tpu.memory_space<semaphore_mem>> -> memref<!tpu.dma_semaphore, #tpu.memory_space<semaphore_mem>>
    tpu.enqueue_indirect_dma source(%dma_start3A_58 : memref<100000x128xf32, #tpu.memory_space<hbm>>) target(%dma_start3A_52 : memref<128x128xf32, #tpu.memory_space<vmem>>) offsets(%dma_start3A_55 : memref<128xi32, #tpu.memory_space<vmem>>) semaphore(%dma_start3A_60 : memref<!tpu.dma_semaphore, #tpu.memory_space<semaphore_mem>>)
    %dma_wait3A_61 = arith.constant 0 : i32
    %dma_wait3A_62 = tpu.memref_slice %arg4[%mul3A_2, %dma_wait3A_61] : memref<128x128xi32, #tpu.memory_space<hbm>> -> memref<4x128xi32, #tpu.memory_space<hbm>>
    %dma_wait3A_63 = arith.constant 0 : i32
    %dma_wait3A_64 = tpu.memref_slice %arg4[%mul3A_2, %dma_wait3A_63] : memref<128x128xi32, #tpu.memory_space<hbm>> -> memref<4x128xi32, #tpu.memory_space<hbm>>
    tpu.wait_dma2 semaphore(%arg18 : memref<!tpu.dma_semaphore, #tpu.memory_space<semaphore_mem>>) src(%dma_wait3A_64 : memref<4x128xi32, #tpu.memory_space<hbm>>) dst(%arg12 : memref<4x128xi32, #tpu.memory_space<vmem>>)
    %get3A = arith.constant 0 : i32
    %get3A_65 = arith.index_cast %get3A : i32 to index
    %get3A_66 = arith.constant 0 : index
    %get3A_67 = tpu.vector_load %arg12[%get3A_65, %get3A_66] {strides = array<i32>} : memref<4x128xi32, #tpu.memory_space<vmem>>, vector<1x16xi32>,
    %get3A_68 = vector.shape_cast %get3A_67 : vector<1x16xi32> to vector<16xi32>
    %mul3A_69 = arith.constant 2 : i32
    %mul3A_70 = vector.broadcast %mul3A_69 : i32 to vector<16xi32>
    %mul3A_71 = arith.muli %get3A_68, %mul3A_70 : vector<16xi32>
    %swap3A = arith.constant 0 : i32
    %swap3A_72 = arith.index_cast %swap3A : i32 to index
    %swap3A_73 = arith.constant 0 : index
    %swap3A_74 = tpu.vector_load %arg13[%swap3A_72, %swap3A_73] {strides = array<i32>} : memref<4x128xi32, #tpu.memory_space<vmem>>, vector<1x16xi32>,
    %swap3A_75 = vector.shape_cast %swap3A_74 : vector<1x16xi32> to vector<16xi32>
    %swap3A_76 = vector.shape_cast %mul3A_71 : vector<16xi32> to vector<1x16xi32>
    tpu.vector_store %arg13[%swap3A_72, %swap3A_73], %swap3A_76 {strides = array<i32>} : memref<4x128xi32, #tpu.memory_space<vmem>>, vector<1x16xi32>,
    %mul3A_77 = arith.constant 2 : i32
    %mul3A_78 = vector.broadcast %mul3A_77 : i32 to vector<16xi32>
    %mul3A_79 = arith.muli %get3A_68, %mul3A_78 : vector<16xi32>
    %add3A_80 = arith.constant 1 : i32
    %add3A_81 = vector.broadcast %add3A_80 : i32 to vector<16xi32>
    %add3A_82 = arith.addi %mul3A_79, %add3A_81 : vector<16xi32>
    %swap3A_83 = arith.constant 0 : i32
    %swap3A_84 = arith.index_cast %swap3A_83 : i32 to index
    %swap3A_85 = arith.constant 0 : index
    %swap3A_86 = tpu.vector_load %arg14[%swap3A_84, %swap3A_85] {strides = array<i32>} : memref<4x128xi32, #tpu.memory_space<vmem>>, vector<1x16xi32>,
    %swap3A_87 = vector.shape_cast %swap3A_86 : vector<1x16xi32> to vector<16xi32>
    %swap3A_88 = vector.shape_cast %add3A_82 : vector<16xi32> to vector<1x16xi32>
    tpu.vector_store %arg14[%swap3A_84, %swap3A_85], %swap3A_88 {strides = array<i32>} : memref<4x128xi32, #tpu.memory_space<vmem>>, vector<1x16xi32>,
    %get3A_89 = arith.constant 0 : i32
    %get3A_90 = arith.index_cast %get3A_89 : i32 to index
    %get3A_91 = arith.constant 16 : index
    %get3A_92 = tpu.vector_load %arg12[%get3A_90, %get3A_91] {strides = array<i32>} : memref<4x128xi32, #tpu.memory_space<vmem>>, vector<1x16xi32>,
    %get3A_93 = vector.shape_cast %get3A_92 : vector<1x16xi32> to vector<16xi32>
    %mul3A_94 = arith.constant 2 : i32
    %mul3A_95 = vector.broadcast %mul3A_94 : i32 to vector<16xi32>
    %mul3A_96 = arith.muli %get3A_93, %mul3A_95 : vector<16xi32>
    %swap3A_97 = arith.constant 0 : i32
    %swap3A_98 = arith.index_cast %swap3A_97 : i32 to index
    %swap3A_99 = arith.constant 16 : index
    %swap3A_100 = tpu.vector_load %arg13[%swap3A_98, %swap3A_99] {strides = array<i32>} : memref<4x128xi32, #tpu.memory_space<vmem>>, vector<1x16xi32>,
    %swap3A_101 = vector.shape_cast %swap3A_100 : vector<1x16xi32> to vector<16xi32>
    %swap3A_102 = vector.shape_cast %mul3A_96 : vector<16xi32> to vector<1x16xi32>
    tpu.vector_store %arg13[%swap3A_98, %swap3A_99], %swap3A_102 {strides = array<i32>} : memref<4x128xi32, #tpu.memory_space<vmem>>, vector<1x16xi32>,
    %mul3A_103 = arith.constant 2 : i32
    %mul3A_104 = vector.broadcast %mul3A_103 : i32 to vector<16xi32>
    %mul3A_105 = arith.muli %get3A_93, %mul3A_104 : vector<16xi32>
    %add3A_106 = arith.constant 1 : i32
    %add3A_107 = vector.broadcast %add3A_106 : i32 to vector<16xi32>
    %add3A_108 = arith.addi %mul3A_105, %add3A_107 : vector<16xi32>
    %swap3A_109 = arith.constant 0 : i32
    %swap3A_110 = arith.index_cast %swap3A_109 : i32 to index
    %swap3A_111 = arith.constant 16 : index
    %swap3A_112 = tpu.vector_load %arg14[%swap3A_110, %swap3A_111] {strides = array<i32>} : memref<4x128xi32, #tpu.memory_space<vmem>>, vector<1x16xi32>,
    %swap3A_113 = vector.shape_cast %swap3A_112 : vector<1x16xi32> to vector<16xi32>
    %swap3A_114 = vector.shape_cast %add3A_108 : vector<16xi32> to vector<1x16xi32>
    tpu.vector_store %arg14[%swap3A_110, %swap3A_111], %swap3A_114 {strides = array<i32>} : memref<4x128xi32, #tpu.memory_space<vmem>>, vector<1x16xi32>,
    %get3A_115 = arith.constant 0 : i32
    %get3A_116 = arith.index_cast %get3A_115 : i32 to index
    %get3A_117 = arith.constant 32 : index
    %get3A_118 = tpu.vector_load %arg12[%get3A_116, %get3A_117] {strides = array<i32>} : memref<4x128xi32, #tpu.memory_space<vmem>>, vector<1x16xi32>,
    %get3A_119 = vector.shape_cast %get3A_118 : vector<1x16xi32> to vector<16xi32>
    %mul3A_120 = arith.constant 2 : i32
    %mul3A_121 = vector.broadcast %mul3A_120 : i32 to vector<16xi32>
    %mul3A_122 = arith.muli %get3A_119, %mul3A_121 : vector<16xi32>
    %swap3A_123 = arith.constant 0 : i32
    %swap3A_124 = arith.index_cast %swap3A_123 : i32 to index
    %swap3A_125 = arith.constant 32 : index
    %swap3A_126 = tpu.vector_load %arg13[%swap3A_124, %swap3A_125] {strides = array<i32>} : memref<4x128xi32, #tpu.memory_space<vmem>>, vector<1x16xi32>,
    %swap3A_127 = vector.shape_cast %swap3A_126 : vector<1x16xi32> to vector<16xi32>
    %swap3A_128 = vector.shape_cast %mul3A_122 : vector<16xi32> to vector<1x16xi32>
    tpu.vector_store %arg13[%swap3A_124, %swap3A_125], %swap3A_128 {strides = array<i32>} : memref<4x128xi32, #tpu.memory_space<vmem>>, vector<1x16xi32>,
    %mul3A_129 = arith.constant 2 : i32
    %mul3A_130 = vector.broadcast %mul3A_129 : i32 to vector<16xi32>
    %mul3A_131 = arith.muli %get3A_119, %mul3A_130 : vector<16xi32>
    %add3A_132 = arith.constant 1 : i32
    %add3A_133 = vector.broadcast %add3A_132 : i32 to vector<16xi32>
    %add3A_134 = arith.addi %mul3A_131, %add3A_133 : vector<16xi32>
    %swap3A_135 = arith.constant 0 : i32
    %swap3A_136 = arith.index_cast %swap3A_135 : i32 to index
    %swap3A_137 = arith.constant 32 : index
    %swap3A_138 = tpu.vector_load %arg14[%swap3A_136, %swap3A_137] {strides = array<i32>} : memref<4x128xi32, #tpu.memory_space<vmem>>, vector<1x16xi32>,
    %swap3A_139 = vector.shape_cast %swap3A_138 : vector<1x16xi32> to vector<16xi32>
    %swap3A_140 = vector.shape_cast %add3A_134 : vector<16xi32> to vector<1x16xi32>
    tpu.vector_store %arg14[%swap3A_136, %swap3A_137], %swap3A_140 {strides = array<i32>} : memref<4x128xi32, #tpu.memory_space<vmem>>, vector<1x16xi32>,
    %get3A_141 = arith.constant 0 : i32
    %get3A_142 = arith.index_cast %get3A_141 : i32 to index
    %get3A_143 = arith.constant 48 : index
    %get3A_144 = tpu.vector_load %arg12[%get3A_142, %get3A_143] {strides = array<i32>} : memref<4x128xi32, #tpu.memory_space<vmem>>, vector<1x16xi32>,
    %get3A_145 = vector.shape_cast %get3A_144 : vector<1x16xi32> to vector<16xi32>
    %mul3A_146 = arith.constant 2 : i32
    %mul3A_147 = vector.broadcast %mul3A_146 : i32 to vector<16xi32>
    %mul3A_148 = arith.muli %get3A_145, %mul3A_147 : vector<16xi32>
    %swap3A_149 = arith.constant 0 : i32
    %swap3A_150 = arith.index_cast %swap3A_149 : i32 to index
    %swap3A_151 = arith.constant 48 : index
    %swap3A_152 = tpu.vector_load %arg13[%swap3A_150, %swap3A_151] {strides = array<i32>} : memref<4x128xi32, #tpu.memory_space<vmem>>, vector<1x16xi32>,
    %swap3A_153 = vector.shape_cast %swap3A_152 : vector<1x16xi32> to vector<16xi32>
    %swap3A_154 = vector.shape_cast %mul3A_148 : vector<16xi32> to vector<1x16xi32>
    tpu.vector_store %arg13[%swap3A_150, %swap3A_151], %swap3A_154 {strides = array<i32>} : memref<4x128xi32, #tpu.memory_space<vmem>>, vector<1x16xi32>,
    %mul3A_155 = arith.constant 2 : i32
    %mul3A_156 = vector.broadcast %mul3A_155 : i32 to vector<16xi32>
    %mul3A_157 = arith.muli %get3A_145, %mul3A_156 : vector<16xi32>
    %add3A_158 = arith.constant 1 : i32
    %add3A_159 = vector.broadcast %add3A_158 : i32 to vector<16xi32>
    %add3A_160 = arith.addi %mul3A_157, %add3A_159 : vector<16xi32>
    %swap3A_161 = arith.constant 0 : i32
    %swap3A_162 = arith.index_cast %swap3A_161 : i32 to index
    %swap3A_163 = arith.constant 48 : index
    %swap3A_164 = tpu.vector_load %arg14[%swap3A_162, %swap3A_163] {strides = array<i32>} : memref<4x128xi32, #tpu.memory_space<vmem>>, vector<1x16xi32>,
    %swap3A_165 = vector.shape_cast %swap3A_164 : vector<1x16xi32> to vector<16xi32>
    %swap3A_166 = vector.shape_cast %add3A_160 : vector<16xi32> to vector<1x16xi32>
    tpu.vector_store %arg14[%swap3A_162, %swap3A_163], %swap3A_166 {strides = array<i32>} : memref<4x128xi32, #tpu.memory_space<vmem>>, vector<1x16xi32>,
    %get3A_167 = arith.constant 0 : i32
    %get3A_168 = arith.index_cast %get3A_167 : i32 to index
    %get3A_169 = arith.constant 64 : index
    %get3A_170 = tpu.vector_load %arg12[%get3A_168, %get3A_169] {strides = array<i32>} : memref<4x128xi32, #tpu.memory_space<vmem>>, vector<1x16xi32>,
    %get3A_171 = vector.shape_cast %get3A_170 : vector<1x16xi32> to vector<16xi32>
    %mul3A_172 = arith.constant 2 : i32
    %mul3A_173 = vector.broadcast %mul3A_172 : i32 to vector<16xi32>
    %mul3A_174 = arith.muli %get3A_171, %mul3A_173 : vector<16xi32>
    %swap3A_175 = arith.constant 0 : i32
    %swap3A_176 = arith.index_cast %swap3A_175 : i32 to index
    %swap3A_177 = arith.constant 64 : index
    %swap3A_178 = tpu.vector_load %arg13[%swap3A_176, %swap3A_177] {strides = array<i32>} : memref<4x128xi32, #tpu.memory_space<vmem>>, vector<1x16xi32>,
    %swap3A_179 = vector.shape_cast %swap3A_178 : vector<1x16xi32> to vector<16xi32>
    %swap3A_180 = vector.shape_cast %mul3A_174 : vector<16xi32> to vector<1x16xi32>
    tpu.vector_store %arg13[%swap3A_176, %swap3A_177], %swap3A_180 {strides = array<i32>} : memref<4x128xi32, #tpu.memory_space<vmem>>, vector<1x16xi32>,
    %mul3A_181 = arith.constant 2 : i32
    %mul3A_182 = vector.broadcast %mul3A_181 : i32 to vector<16xi32>
    %mul3A_183 = arith.muli %get3A_171, %mul3A_182 : vector<16xi32>
    %add3A_184 = arith.constant 1 : i32
    %add3A_185 = vector.broadcast %add3A_184 : i32 to vector<16xi32>
    %add3A_186 = arith.addi %mul3A_183, %add3A_185 : vector<16xi32>
    %swap3A_187 = arith.constant 0 : i32
    %swap3A_188 = arith.index_cast %swap3A_187 : i32 to index
    %swap3A_189 = arith.constant 64 : index
    %swap3A_190 = tpu.vector_load %arg14[%swap3A_188, %swap3A_189] {strides = array<i32>} : memref<4x128xi32, #tpu.memory_space<vmem>>, vector<1x16xi32>,
    %swap3A_191 = vector.shape_cast %swap3A_190 : vector<1x16xi32> to vector<16xi32>
    %swap3A_192 = vector.shape_cast %add3A_186 : vector<16xi32> to vector<1x16xi32>
    tpu.vector_store %arg14[%swap3A_188, %swap3A_189], %swap3A_192 {strides = array<i32>} : memref<4x128xi32, #tpu.memory_space<vmem>>, vector<1x16xi32>,
    %get3A_193 = arith.constant 0 : i32
    %get3A_194 = arith.index_cast %get3A_193 : i32 to index
    %get3A_195 = arith.constant 80 : index
    %get3A_196 = tpu.vector_load %arg12[%get3A_194, %get3A_195] {strides = array<i32>} : memref<4x128xi32, #tpu.memory_space<vmem>>, vector<1x16xi32>,
    %get3A_197 = vector.shape_cast %get3A_196 : vector<1x16xi32> to vector<16xi32>
    %mul3A_198 = arith.constant 2 : i32
    %mul3A_199 = vector.broadcast %mul3A_198 : i32 to vector<16xi32>
    %mul3A_200 = arith.muli %get3A_197, %mul3A_199 : vector<16xi32>
    %swap3A_201 = arith.constant 0 : i32
    %swap3A_202 = arith.index_cast %swap3A_201 : i32 to index
    %swap3A_203 = arith.constant 80 : index
    %swap3A_204 = tpu.vector_load %arg13[%swap3A_202, %swap3A_203] {strides = array<i32>} : memref<4x128xi32, #tpu.memory_space<vmem>>, vector<1x16xi32>,
    %swap3A_205 = vector.shape_cast %swap3A_204 : vector<1x16xi32> to vector<16xi32>
    %swap3A_206 = vector.shape_cast %mul3A_200 : vector<16xi32> to vector<1x16xi32>
    tpu.vector_store %arg13[%swap3A_202, %swap3A_203], %swap3A_206 {strides = array<i32>} : memref<4x128xi32, #tpu.memory_space<vmem>>, vector<1x16xi32>,
    %mul3A_207 = arith.constant 2 : i32
    %mul3A_208 = vector.broadcast %mul3A_207 : i32 to vector<16xi32>
    %mul3A_209 = arith.muli %get3A_197, %mul3A_208 : vector<16xi32>
    %add3A_210 = arith.constant 1 : i32
    %add3A_211 = vector.broadcast %add3A_210 : i32 to vector<16xi32>
    %add3A_212 = arith.addi %mul3A_209, %add3A_211 : vector<16xi32>
    %swap3A_213 = arith.constant 0 : i32
    %swap3A_214 = arith.index_cast %swap3A_213 : i32 to index
    %swap3A_215 = arith.constant 80 : index
    %swap3A_216 = tpu.vector_load %arg14[%swap3A_214, %swap3A_215] {strides = array<i32>} : memref<4x128xi32, #tpu.memory_space<vmem>>, vector<1x16xi32>,
    %swap3A_217 = vector.shape_cast %swap3A_216 : vector<1x16xi32> to vector<16xi32>
    %swap3A_218 = vector.shape_cast %add3A_212 : vector<16xi32> to vector<1x16xi32>
    tpu.vector_store %arg14[%swap3A_214, %swap3A_215], %swap3A_218 {strides = array<i32>} : memref<4x128xi32, #tpu.memory_space<vmem>>, vector<1x16xi32>,
    %get3A_219 = arith.constant 0 : i32
    %get3A_220 = arith.index_cast %get3A_219 : i32 to index
    %get3A_221 = arith.constant 96 : index
    %get3A_222 = tpu.vector_load %arg12[%get3A_220, %get3A_221] {strides = array<i32>} : memref<4x128xi32, #tpu.memory_space<vmem>>, vector<1x16xi32>,
    %get3A_223 = vector.shape_cast %get3A_222 : vector<1x16xi32> to vector<16xi32>
    %mul3A_224 = arith.constant 2 : i32
    %mul3A_225 = vector.broadcast %mul3A_224 : i32 to vector<16xi32>
    %mul3A_226 = arith.muli %get3A_223, %mul3A_225 : vector<16xi32>
    %swap3A_227 = arith.constant 0 : i32
    %swap3A_228 = arith.index_cast %swap3A_227 : i32 to index
    %swap3A_229 = arith.constant 96 : index
    %swap3A_230 = tpu.vector_load %arg13[%swap3A_228, %swap3A_229] {strides = array<i32>} : memref<4x128xi32, #tpu.memory_space<vmem>>, vector<1x16xi32>,
    %swap3A_231 = vector.shape_cast %swap3A_230 : vector<1x16xi32> to vector<16xi32>
    %swap3A_232 = vector.shape_cast %mul3A_226 : vector<16xi32> to vector<1x16xi32>
    tpu.vector_store %arg13[%swap3A_228, %swap3A_229], %swap3A_232 {strides = array<i32>} : memref<4x128xi32, #tpu.memory_space<vmem>>, vector<1x16xi32>,
    %mul3A_233 = arith.constant 2 : i32
    %mul3A_234 = vector.broadcast %mul3A_233 : i32 to vector<16xi32>
    %mul3A_235 = arith.muli %get3A_223, %mul3A_234 : vector<16xi32>
    %add3A_236 = arith.constant 1 : i32
    %add3A_237 = vector.broadcast %add3A_236 : i32 to vector<16xi32>
    %add3A_238 = arith.addi %mul3A_235, %add3A_237 : vector<16xi32>
    %swap3A_239 = arith.constant 0 : i32
    %swap3A_240 = arith.index_cast %swap3A_239 : i32 to index
    %swap3A_241 = arith.constant 96 : index
    %swap3A_242 = tpu.vector_load %arg14[%swap3A_240, %swap3A_241] {strides = array<i32>} : memref<4x128xi32, #tpu.memory_space<vmem>>, vector<1x16xi32>,
    %swap3A_243 = vector.shape_cast %swap3A_242 : vector<1x16xi32> to vector<16xi32>
    %swap3A_244 = vector.shape_cast %add3A_238 : vector<16xi32> to vector<1x16xi32>
    tpu.vector_store %arg14[%swap3A_240, %swap3A_241], %swap3A_244 {strides = array<i32>} : memref<4x128xi32, #tpu.memory_space<vmem>>, vector<1x16xi32>,
    %get3A_245 = arith.constant 0 : i32
    %get3A_246 = arith.index_cast %get3A_245 : i32 to index
    %get3A_247 = arith.constant 112 : index
    %get3A_248 = tpu.vector_load %arg12[%get3A_246, %get3A_247] {strides = array<i32>} : memref<4x128xi32, #tpu.memory_space<vmem>>, vector<1x16xi32>,
    %get3A_249 = vector.shape_cast %get3A_248 : vector<1x16xi32> to vector<16xi32>
    %mul3A_250 = arith.constant 2 : i32
    %mul3A_251 = vector.broadcast %mul3A_250 : i32 to vector<16xi32>
    %mul3A_252 = arith.muli %get3A_249, %mul3A_251 : vector<16xi32>
    %swap3A_253 = arith.constant 0 : i32
    %swap3A_254 = arith.index_cast %swap3A_253 : i32 to index
    %swap3A_255 = arith.constant 112 : index
    %swap3A_256 = tpu.vector_load %arg13[%swap3A_254, %swap3A_255] {strides = array<i32>} : memref<4x128xi32, #tpu.memory_space<vmem>>, vector<1x16xi32>,
    %swap3A_257 = vector.shape_cast %swap3A_256 : vector<1x16xi32> to vector<16xi32>
    %swap3A_258 = vector.shape_cast %mul3A_252 : vector<16xi32> to vector<1x16xi32>
    tpu.vector_store %arg13[%swap3A_254, %swap3A_255], %swap3A_258 {strides = array<i32>} : memref<4x128xi32, #tpu.memory_space<vmem>>, vector<1x16xi32>,
    %mul3A_259 = arith.constant 2 : i32
    %mul3A_260 = vector.broadcast %mul3A_259 : i32 to vector<16xi32>
    %mul3A_261 = arith.muli %get3A_249, %mul3A_260 : vector<16xi32>
    %add3A_262 = arith.constant 1 : i32
    %add3A_263 = vector.broadcast %add3A_262 : i32 to vector<16xi32>
    %add3A_264 = arith.addi %mul3A_261, %add3A_263 : vector<16xi32>
    %swap3A_265 = arith.constant 0 : i32
    %swap3A_266 = arith.index_cast %swap3A_265 : i32 to index
    %swap3A_267 = arith.constant 112 : index
    %swap3A_268 = tpu.vector_load %arg14[%swap3A_266, %swap3A_267] {strides = array<i32>} : memref<4x128xi32, #tpu.memory_space<vmem>>, vector<1x16xi32>,
    %swap3A_269 = vector.shape_cast %swap3A_268 : vector<1x16xi32> to vector<16xi32>
    %swap3A_270 = vector.shape_cast %add3A_264 : vector<16xi32> to vector<1x16xi32>
    tpu.vector_store %arg14[%swap3A_266, %swap3A_267], %swap3A_270 {strides = array<i32>} : memref<4x128xi32, #tpu.memory_space<vmem>>, vector<1x16xi32>,
    %get3A_271 = arith.constant 1 : i32
    %get3A_272 = arith.index_cast %get3A_271 : i32 to index
    %get3A_273 = arith.constant 0 : index
    %get3A_274 = tpu.vector_load %arg12[%get3A_272, %get3A_273] {strides = array<i32>} : memref<4x128xi32, #tpu.memory_space<vmem>>, vector<1x16xi32>,
    %get3A_275 = vector.shape_cast %get3A_274 : vector<1x16xi32> to vector<16xi32>
    %mul3A_276 = arith.constant 2 : i32
    %mul3A_277 = vector.broadcast %mul3A_276 : i32 to vector<16xi32>
    %mul3A_278 = arith.muli %get3A_275, %mul3A_277 : vector<16xi32>
    %swap3A_279 = arith.constant 1 : i32
    %swap3A_280 = arith.index_cast %swap3A_279 : i32 to index
    %swap3A_281 = arith.constant 0 : index
    %swap3A_282 = tpu.vector_load %arg13[%swap3A_280, %swap3A_281] {strides = array<i32>} : memref<4x128xi32, #tpu.memory_space<vmem>>, vector<1x16xi32>,
    %swap3A_283 = vector.shape_cast %swap3A_282 : vector<1x16xi32> to vector<16xi32>
    %swap3A_284 = vector.shape_cast %mul3A_278 : vector<16xi32> to vector<1x16xi32>
    tpu.vector_store %arg13[%swap3A_280, %swap3A_281], %swap3A_284 {strides = array<i32>} : memref<4x128xi32, #tpu.memory_space<vmem>>, vector<1x16xi32>,
    %mul3A_285 = arith.constant 2 : i32
    %mul3A_286 = vector.broadcast %mul3A_285 : i32 to vector<16xi32>
    %mul3A_287 = arith.muli %get3A_275, %mul3A_286 : vector<16xi32>
    %add3A_288 = arith.constant 1 : i32
    %add3A_289 = vector.broadcast %add3A_288 : i32 to vector<16xi32>
    %add3A_290 = arith.addi %mul3A_287, %add3A_289 : vector<16xi32>
    %swap3A_291 = arith.constant 1 : i32
    %swap3A_292 = arith.index_cast %swap3A_291 : i32 to index
    %swap3A_293 = arith.constant 0 : index
    %swap3A_294 = tpu.vector_load %arg14[%swap3A_292, %swap3A_293] {strides = array<i32>} : memref<4x128xi32, #tpu.memory_space<vmem>>, vector<1x16xi32>,
    %swap3A_295 = vector.shape_cast %swap3A_294 : vector<1x16xi32> to vector<16xi32>
    %swap3A_296 = vector.shape_cast %add3A_290 : vector<16xi32> to vector<1x16xi32>
    tpu.vector_store %arg14[%swap3A_292, %swap3A_293], %swap3A_296 {strides = array<i32>} : memref<4x128xi32, #tpu.memory_space<vmem>>, vector<1x16xi32>,
    %get3A_297 = arith.constant 1 : i32
    %get3A_298 = arith.index_cast %get3A_297 : i32 to index
    %get3A_299 = arith.constant 16 : index
    %get3A_300 = tpu.vector_load %arg12[%get3A_298, %get3A_299] {strides = array<i32>} : memref<4x128xi32, #tpu.memory_space<vmem>>, vector<1x16xi32>,
    %get3A_301 = vector.shape_cast %get3A_300 : vector<1x16xi32> to vector<16xi32>
    %mul3A_302 = arith.constant 2 : i32
    %mul3A_303 = vector.broadcast %mul3A_302 : i32 to vector<16xi32>
    %mul3A_304 = arith.muli %get3A_301, %mul3A_303 : vector<16xi32>
    %swap3A_305 = arith.constant 1 : i32
    %swap3A_306 = arith.index_cast %swap3A_305 : i32 to index
    %swap3A_307 = arith.constant 16 : index
    %swap3A_308 = tpu.vector_load %arg13[%swap3A_306, %swap3A_307] {strides = array<i32>} : memref<4x128xi32, #tpu.memory_space<vmem>>, vector<1x16xi32>,
    %swap3A_309 = vector.shape_cast %swap3A_308 : vector<1x16xi32> to vector<16xi32>
    %swap3A_310 = vector.shape_cast %mul3A_304 : vector<16xi32> to vector<1x16xi32>
    tpu.vector_store %arg13[%swap3A_306, %swap3A_307], %swap3A_310 {strides = array<i32>} : memref<4x128xi32, #tpu.memory_space<vmem>>, vector<1x16xi32>,
    %mul3A_311 = arith.constant 2 : i32
    %mul3A_312 = vector.broadcast %mul3A_311 : i32 to vector<16xi32>
    %mul3A_313 = arith.muli %get3A_301, %mul3A_312 : vector<16xi32>
    %add3A_314 = arith.constant 1 : i32
    %add3A_315 = vector.broadcast %add3A_314 : i32 to vector<16xi32>
    %add3A_316 = arith.addi %mul3A_313, %add3A_315 : vector<16xi32>
    %swap3A_317 = arith.constant 1 : i32
    %swap3A_318 = arith.index_cast %swap3A_317 : i32 to index
    %swap3A_319 = arith.constant 16 : index
    %swap3A_320 = tpu.vector_load %arg14[%swap3A_318, %swap3A_319] {strides = array<i32>} : memref<4x128xi32, #tpu.memory_space<vmem>>, vector<1x16xi32>,
    %swap3A_321 = vector.shape_cast %swap3A_320 : vector<1x16xi32> to vector<16xi32>
    %swap3A_322 = vector.shape_cast %add3A_316 : vector<16xi32> to vector<1x16xi32>
    tpu.vector_store %arg14[%swap3A_318, %swap3A_319], %swap3A_322 {strides = array<i32>} : memref<4x128xi32, #tpu.memory_space<vmem>>, vector<1x16xi32>,
    %get3A_323 = arith.constant 1 : i32
    %get3A_324 = arith.index_cast %get3A_323 : i32 to index
    %get3A_325 = arith.constant 32 : index
    %get3A_326 = tpu.vector_load %arg12[%get3A_324, %get3A_325] {strides = array<i32>} : memref<4x128xi32, #tpu.memory_space<vmem>>, vector<1x16xi32>,
    %get3A_327 = vector.shape_cast %get3A_326 : vector<1x16xi32> to vector<16xi32>
    %mul3A_328 = arith.constant 2 : i32
    %mul3A_329 = vector.broadcast %mul3A_328 : i32 to vector<16xi32>
    %mul3A_330 = arith.muli %get3A_327, %mul3A_329 : vector<16xi32>
    %swap3A_331 = arith.constant 1 : i32
    %swap3A_332 = arith.index_cast %swap3A_331 : i32 to index
    %swap3A_333 = arith.constant 32 : index
    %swap3A_334 = tpu.vector_load %arg13[%swap3A_332, %swap3A_333] {strides = array<i32>} : memref<4x128xi32, #tpu.memory_space<vmem>>, vector<1x16xi32>,
    %swap3A_335 = vector.shape_cast %swap3A_334 : vector<1x16xi32> to vector<16xi32>
    %swap3A_336 = vector.shape_cast %mul3A_330 : vector<16xi32> to vector<1x16xi32>
    tpu.vector_store %arg13[%swap3A_332, %swap3A_333], %swap3A_336 {strides = array<i32>} : memref<4x128xi32, #tpu.memory_space<vmem>>, vector<1x16xi32>,
    %mul3A_337 = arith.constant 2 : i32
    %mul3A_338 = vector.broadcast %mul3A_337 : i32 to vector<16xi32>
    %mul3A_339 = arith.muli %get3A_327, %mul3A_338 : vector<16xi32>
    %add3A_340 = arith.constant 1 : i32
    %add3A_341 = vector.broadcast %add3A_340 : i32 to vector<16xi32>
    %add3A_342 = arith.addi %mul3A_339, %add3A_341 : vector<16xi32>
    %swap3A_343 = arith.constant 1 : i32
    %swap3A_344 = arith.index_cast %swap3A_343 : i32 to index
    %swap3A_345 = arith.constant 32 : index
    %swap3A_346 = tpu.vector_load %arg14[%swap3A_344, %swap3A_345] {strides = array<i32>} : memref<4x128xi32, #tpu.memory_space<vmem>>, vector<1x16xi32>,
    %swap3A_347 = vector.shape_cast %swap3A_346 : vector<1x16xi32> to vector<16xi32>
    %swap3A_348 = vector.shape_cast %add3A_342 : vector<16xi32> to vector<1x16xi32>
    tpu.vector_store %arg14[%swap3A_344, %swap3A_345], %swap3A_348 {strides = array<i32>} : memref<4x128xi32, #tpu.memory_space<vmem>>, vector<1x16xi32>,
    %get3A_349 = arith.constant 1 : i32
    %get3A_350 = arith.index_cast %get3A_349 : i32 to index
    %get3A_351 = arith.constant 48 : index
    %get3A_352 = tpu.vector_load %arg12[%get3A_350, %get3A_351] {strides = array<i32>} : memref<4x128xi32, #tpu.memory_space<vmem>>, vector<1x16xi32>,
    %get3A_353 = vector.shape_cast %get3A_352 : vector<1x16xi32> to vector<16xi32>
    %mul3A_354 = arith.constant 2 : i32
    %mul3A_355 = vector.broadcast %mul3A_354 : i32 to vector<16xi32>
    %mul3A_356 = arith.muli %get3A_353, %mul3A_355 : vector<16xi32>
    %swap3A_357 = arith.constant 1 : i32
    %swap3A_358 = arith.index_cast %swap3A_357 : i32 to index
    %swap3A_359 = arith.constant 48 : index
    %swap3A_360 = tpu.vector_load %arg13[%swap3A_358, %swap3A_359] {strides = array<i32>} : memref<4x128xi32, #tpu.memory_space<vmem>>, vector<1x16xi32>,
    %swap3A_361 = vector.shape_cast %swap3A_360 : vector<1x16xi32> to vector<16xi32>
    %swap3A_362 = vector.shape_cast %mul3A_356 : vector<16xi32> to vector<1x16xi32>
    tpu.vector_store %arg13[%swap3A_358, %swap3A_359], %swap3A_362 {strides = array<i32>} : memref<4x128xi32, #tpu.memory_space<vmem>>, vector<1x16xi32>,
    %mul3A_363 = arith.constant 2 : i32
    %mul3A_364 = vector.broadcast %mul3A_363 : i32 to vector<16xi32>
    %mul3A_365 = arith.muli %get3A_353, %mul3A_364 : vector<16xi32>
    %add3A_366 = arith.constant 1 : i32
    %add3A_367 = vector.broadcast %add3A_366 : i32 to vector<16xi32>
    %add3A_368 = arith.addi %mul3A_365, %add3A_367 : vector<16xi32>
    %swap3A_369 = arith.constant 1 : i32
    %swap3A_370 = arith.index_cast %swap3A_369 : i32 to index
    %swap3A_371 = arith.constant 48 : index
    %swap3A_372 = tpu.vector_load %arg14[%swap3A_370, %swap3A_371] {strides = array<i32>} : memref<4x128xi32, #tpu.memory_space<vmem>>, vector<1x16xi32>,
    %swap3A_373 = vector.shape_cast %swap3A_372 : vector<1x16xi32> to vector<16xi32>
    %swap3A_374 = vector.shape_cast %add3A_368 : vector<16xi32> to vector<1x16xi32>
    tpu.vector_store %arg14[%swap3A_370, %swap3A_371], %swap3A_374 {strides = array<i32>} : memref<4x128xi32, #tpu.memory_space<vmem>>, vector<1x16xi32>,
    %get3A_375 = arith.constant 1 : i32
    %get3A_376 = arith.index_cast %get3A_375 : i32 to index
    %get3A_377 = arith.constant 64 : index
    %get3A_378 = tpu.vector_load %arg12[%get3A_376, %get3A_377] {strides = array<i32>} : memref<4x128xi32, #tpu.memory_space<vmem>>, vector<1x16xi32>,
    %get3A_379 = vector.shape_cast %get3A_378 : vector<1x16xi32> to vector<16xi32>
    %mul3A_380 = arith.constant 2 : i32
    %mul3A_381 = vector.broadcast %mul3A_380 : i32 to vector<16xi32>
    %mul3A_382 = arith.muli %get3A_379, %mul3A_381 : vector<16xi32>
    %swap3A_383 = arith.constant 1 : i32
    %swap3A_384 = arith.index_cast %swap3A_383 : i32 to index
    %swap3A_385 = arith.constant 64 : index
    %swap3A_386 = tpu.vector_load %arg13[%swap3A_384, %swap3A_385] {strides = array<i32>} : memref<4x128xi32, #tpu.memory_space<vmem>>, vector<1x16xi32>,
    %swap3A_387 = vector.shape_cast %swap3A_386 : vector<1x16xi32> to vector<16xi32>
    %swap3A_388 = vector.shape_cast %mul3A_382 : vector<16xi32> to vector<1x16xi32>
    tpu.vector_store %arg13[%swap3A_384, %swap3A_385], %swap3A_388 {strides = array<i32>} : memref<4x128xi32, #tpu.memory_space<vmem>>, vector<1x16xi32>,
    %mul3A_389 = arith.constant 2 : i32
    %mul3A_390 = vector.broadcast %mul3A_389 : i32 to vector<16xi32>
    %mul3A_391 = arith.muli %get3A_379, %mul3A_390 : vector<16xi32>
    %add3A_392 = arith.constant 1 : i32
    %add3A_393 = vector.broadcast %add3A_392 : i32 to vector<16xi32>
    %add3A_394 = arith.addi %mul3A_391, %add3A_393 : vector<16xi32>
    %swap3A_395 = arith.constant 1 : i32
    %swap3A_396 = arith.index_cast %swap3A_395 : i32 to index
    %swap3A_397 = arith.constant 64 : index
    %swap3A_398 = tpu.vector_load %arg14[%swap3A_396, %swap3A_397] {strides = array<i32>} : memref<4x128xi32, #tpu.memory_space<vmem>>, vector<1x16xi32>,
    %swap3A_399 = vector.shape_cast %swap3A_398 : vector<1x16xi32> to vector<16xi32>
    %swap3A_400 = vector.shape_cast %add3A_394 : vector<16xi32> to vector<1x16xi32>
    tpu.vector_store %arg14[%swap3A_396, %swap3A_397], %swap3A_400 {strides = array<i32>} : memref<4x128xi32, #tpu.memory_space<vmem>>, vector<1x16xi32>,
    %get3A_401 = arith.constant 1 : i32
    %get3A_402 = arith.index_cast %get3A_401 : i32 to index
    %get3A_403 = arith.constant 80 : index
    %get3A_404 = tpu.vector_load %arg12[%get3A_402, %get3A_403] {strides = array<i32>} : memref<4x128xi32, #tpu.memory_space<vmem>>, vector<1x16xi32>,
    %get3A_405 = vector.shape_cast %get3A_404 : vector<1x16xi32> to vector<16xi32>
    %mul3A_406 = arith.constant 2 : i32
    %mul3A_407 = vector.broadcast %mul3A_406 : i32 to vector<16xi32>
    %mul3A_408 = arith.muli %get3A_405, %mul3A_407 : vector<16xi32>
    %swap3A_409 = arith.constant 1 : i32
    %swap3A_410 = arith.index_cast %swap3A_409 : i32 to index
    %swap3A_411 = arith.constant 80 : index
    %swap3A_412 = tpu.vector_load %arg13[%swap3A_410, %swap3A_411] {strides = array<i32>} : memref<4x128xi32, #tpu.memory_space<vmem>>, vector<1x16xi32>,
    %swap3A_413 = vector.shape_cast %swap3A_412 : vector<1x16xi32> to vector<16xi32>
    %swap3A_414 = vector.shape_cast %mul3A_408 : vector<16xi32> to vector<1x16xi32>
    tpu.vector_store %arg13[%swap3A_410, %swap3A_411], %swap3A_414 {strides = array<i32>} : memref<4x128xi32, #tpu.memory_space<vmem>>, vector<1x16xi32>,
    %mul3A_415 = arith.constant 2 : i32
    %mul3A_416 = vector.broadcast %mul3A_415 : i32 to vector<16xi32>
    %mul3A_417 = arith.muli %get3A_405, %mul3A_416 : vector<16xi32>
    %add3A_418 = arith.constant 1 : i32
    %add3A_419 = vector.broadcast %add3A_418 : i32 to vector<16xi32>
    %add3A_420 = arith.addi %mul3A_417, %add3A_419 : vector<16xi32>
    %swap3A_421 = arith.constant 1 : i32
    %swap3A_422 = arith.index_cast %swap3A_421 : i32 to index
    %swap3A_423 = arith.constant 80 : index
    %swap3A_424 = tpu.vector_load %arg14[%swap3A_422, %swap3A_423] {strides = array<i32>} : memref<4x128xi32, #tpu.memory_space<vmem>>, vector<1x16xi32>,
    %swap3A_425 = vector.shape_cast %swap3A_424 : vector<1x16xi32> to vector<16xi32>
    %swap3A_426 = vector.shape_cast %add3A_420 : vector<16xi32> to vector<1x16xi32>
    tpu.vector_store %arg14[%swap3A_422, %swap3A_423], %swap3A_426 {strides = array<i32>} : memref<4x128xi32, #tpu.memory_space<vmem>>, vector<1x16xi32>,
    %get3A_427 = arith.constant 1 : i32
    %get3A_428 = arith.index_cast %get3A_427 : i32 to index
    %get3A_429 = arith.constant 96 : index
    %get3A_430 = tpu.vector_load %arg12[%get3A_428, %get3A_429] {strides = array<i32>} : memref<4x128xi32, #tpu.memory_space<vmem>>, vector<1x16xi32>,
    %get3A_431 = vector.shape_cast %get3A_430 : vector<1x16xi32> to vector<16xi32>
    %mul3A_432 = arith.constant 2 : i32
    %mul3A_433 = vector.broadcast %mul3A_432 : i32 to vector<16xi32>
    %mul3A_434 = arith.muli %get3A_431, %mul3A_433 : vector<16xi32>
    %swap3A_435 = arith.constant 1 : i32
    %swap3A_436 = arith.index_cast %swap3A_435 : i32 to index
    %swap3A_437 = arith.constant 96 : index
    %swap3A_438 = tpu.vector_load %arg13[%swap3A_436, %swap3A_437] {strides = array<i32>} : memref<4x128xi32, #tpu.memory_space<vmem>>, vector<1x16xi32>,
    %swap3A_439 = vector.shape_cast %swap3A_438 : vector<1x16xi32> to vector<16xi32>
    %swap3A_440 = vector.shape_cast %mul3A_434 : vector<16xi32> to vector<1x16xi32>
    tpu.vector_store %arg13[%swap3A_436, %swap3A_437], %swap3A_440 {strides = array<i32>} : memref<4x128xi32, #tpu.memory_space<vmem>>, vector<1x16xi32>,
    %mul3A_441 = arith.constant 2 : i32
    %mul3A_442 = vector.broadcast %mul3A_441 : i32 to vector<16xi32>
    %mul3A_443 = arith.muli %get3A_431, %mul3A_442 : vector<16xi32>
    %add3A_444 = arith.constant 1 : i32
    %add3A_445 = vector.broadcast %add3A_444 : i32 to vector<16xi32>
    %add3A_446 = arith.addi %mul3A_443, %add3A_445 : vector<16xi32>
    %swap3A_447 = arith.constant 1 : i32
    %swap3A_448 = arith.index_cast %swap3A_447 : i32 to index
    %swap3A_449 = arith.constant 96 : index
    %swap3A_450 = tpu.vector_load %arg14[%swap3A_448, %swap3A_449] {strides = array<i32>} : memref<4x128xi32, #tpu.memory_space<vmem>>, vector<1x16xi32>,
    %swap3A_451 = vector.shape_cast %swap3A_450 : vector<1x16xi32> to vector<16xi32>
    %swap3A_452 = vector.shape_cast %add3A_446 : vector<16xi32> to vector<1x16xi32>
    tpu.vector_store %arg14[%swap3A_448, %swap3A_449], %swap3A_452 {strides = array<i32>} : memref<4x128xi32, #tpu.memory_space<vmem>>, vector<1x16xi32>,
    %get3A_453 = arith.constant 1 : i32
    %get3A_454 = arith.index_cast %get3A_453 : i32 to index
    %get3A_455 = arith.constant 112 : index
    %get3A_456 = tpu.vector_load %arg12[%get3A_454, %get3A_455] {strides = array<i32>} : memref<4x128xi32, #tpu.memory_space<vmem>>, vector<1x16xi32>,
    %get3A_457 = vector.shape_cast %get3A_456 : vector<1x16xi32> to vector<16xi32>
    %mul3A_458 = arith.constant 2 : i32
    %mul3A_459 = vector.broadcast %mul3A_458 : i32 to vector<16xi32>
    %mul3A_460 = arith.muli %get3A_457, %mul3A_459 : vector<16xi32>
    %swap3A_461 = arith.constant 1 : i32
    %swap3A_462 = arith.index_cast %swap3A_461 : i32 to index
    %swap3A_463 = arith.constant 112 : index
    %swap3A_464 = tpu.vector_load %arg13[%swap3A_462, %swap3A_463] {strides = array<i32>} : memref<4x128xi32, #tpu.memory_space<vmem>>, vector<1x16xi32>,
    %swap3A_465 = vector.shape_cast %swap3A_464 : vector<1x16xi32> to vector<16xi32>
    %swap3A_466 = vector.shape_cast %mul3A_460 : vector<16xi32> to vector<1x16xi32>
    tpu.vector_store %arg13[%swap3A_462, %swap3A_463], %swap3A_466 {strides = array<i32>} : memref<4x128xi32, #tpu.memory_space<vmem>>, vector<1x16xi32>,
    %mul3A_467 = arith.constant 2 : i32
    %mul3A_468 = vector.broadcast %mul3A_467 : i32 to vector<16xi32>
    %mul3A_469 = arith.muli %get3A_457, %mul3A_468 : vector<16xi32>
    %add3A_470 = arith.constant 1 : i32
    %add3A_471 = vector.broadcast %add3A_470 : i32 to vector<16xi32>
    %add3A_472 = arith.addi %mul3A_469, %add3A_471 : vector<16xi32>
    %swap3A_473 = arith.constant 1 : i32
    %swap3A_474 = arith.index_cast %swap3A_473 : i32 to index
    %swap3A_475 = arith.constant 112 : index
    %swap3A_476 = tpu.vector_load %arg14[%swap3A_474, %swap3A_475] {strides = array<i32>} : memref<4x128xi32, #tpu.memory_space<vmem>>, vector<1x16xi32>,
    %swap3A_477 = vector.shape_cast %swap3A_476 : vector<1x16xi32> to vector<16xi32>
    %swap3A_478 = vector.shape_cast %add3A_472 : vector<16xi32> to vector<1x16xi32>
    tpu.vector_store %arg14[%swap3A_474, %swap3A_475], %swap3A_478 {strides = array<i32>} : memref<4x128xi32, #tpu.memory_space<vmem>>, vector<1x16xi32>,
    %get3A_479 = arith.constant 2 : i32
    %get3A_480 = arith.index_cast %get3A_479 : i32 to index
    %get3A_481 = arith.constant 0 : index
    %get3A_482 = tpu.vector_load %arg12[%get3A_480, %get3A_481] {strides = array<i32>} : memref<4x128xi32, #tpu.memory_space<vmem>>, vector<1x16xi32>,
    %get3A_483 = vector.shape_cast %get3A_482 : vector<1x16xi32> to vector<16xi32>
    %mul3A_484 = arith.constant 2 : i32
    %mul3A_485 = vector.broadcast %mul3A_484 : i32 to vector<16xi32>
    %mul3A_486 = arith.muli %get3A_483, %mul3A_485 : vector<16xi32>
    %swap3A_487 = arith.constant 2 : i32
    %swap3A_488 = arith.index_cast %swap3A_487 : i32 to index
    %swap3A_489 = arith.constant 0 : index
    %swap3A_490 = tpu.vector_load %arg13[%swap3A_488, %swap3A_489] {strides = array<i32>} : memref<4x128xi32, #tpu.memory_space<vmem>>, vector<1x16xi32>,
    %swap3A_491 = vector.shape_cast %swap3A_490 : vector<1x16xi32> to vector<16xi32>
    %swap3A_492 = vector.shape_cast %mul3A_486 : vector<16xi32> to vector<1x16xi32>
    tpu.vector_store %arg13[%swap3A_488, %swap3A_489], %swap3A_492 {strides = array<i32>} : memref<4x128xi32, #tpu.memory_space<vmem>>, vector<1x16xi32>,
    %mul3A_493 = arith.constant 2 : i32
    %mul3A_494 = vector.broadcast %mul3A_493 : i32 to vector<16xi32>
    %mul3A_495 = arith.muli %get3A_483, %mul3A_494 : vector<16xi32>
    %add3A_496 = arith.constant 1 : i32
    %add3A_497 = vector.broadcast %add3A_496 : i32 to vector<16xi32>
    %add3A_498 = arith.addi %mul3A_495, %add3A_497 : vector<16xi32>
    %swap3A_499 = arith.constant 2 : i32
    %swap3A_500 = arith.index_cast %swap3A_499 : i32 to index
    %swap3A_501 = arith.constant 0 : index
    %swap3A_502 = tpu.vector_load %arg14[%swap3A_500, %swap3A_501] {strides = array<i32>} : memref<4x128xi32, #tpu.memory_space<vmem>>, vector<1x16xi32>,
    %swap3A_503 = vector.shape_cast %swap3A_502 : vector<1x16xi32> to vector<16xi32>
    %swap3A_504 = vector.shape_cast %add3A_498 : vector<16xi32> to vector<1x16xi32>
    tpu.vector_store %arg14[%swap3A_500, %swap3A_501], %swap3A_504 {strides = array<i32>} : memref<4x128xi32, #tpu.memory_space<vmem>>, vector<1x16xi32>,
    %get3A_505 = arith.constant 2 : i32
    %get3A_506 = arith.index_cast %get3A_505 : i32 to index
    %get3A_507 = arith.constant 16 : index
    %get3A_508 = tpu.vector_load %arg12[%get3A_506, %get3A_507] {strides = array<i32>} : memref<4x128xi32, #tpu.memory_space<vmem>>, vector<1x16xi32>,
    %get3A_509 = vector.shape_cast %get3A_508 : vector<1x16xi32> to vector<16xi32>
    %mul3A_510 = arith.constant 2 : i32
    %mul3A_511 = vector.broadcast %mul3A_510 : i32 to vector<16xi32>
    %mul3A_512 = arith.muli %get3A_509, %mul3A_511 : vector<16xi32>
    %swap3A_513 = arith.constant 2 : i32
    %swap3A_514 = arith.index_cast %swap3A_513 : i32 to index
    %swap3A_515 = arith.constant 16 : index
    %swap3A_516 = tpu.vector_load %arg13[%swap3A_514, %swap3A_515] {strides = array<i32>} : memref<4x128xi32, #tpu.memory_space<vmem>>, vector<1x16xi32>,
    %swap3A_517 = vector.shape_cast %swap3A_516 : vector<1x16xi32> to vector<16xi32>
    %swap3A_518 = vector.shape_cast %mul3A_512 : vector<16xi32> to vector<1x16xi32>
    tpu.vector_store %arg13[%swap3A_514, %swap3A_515], %swap3A_518 {strides = array<i32>} : memref<4x128xi32, #tpu.memory_space<vmem>>, vector<1x16xi32>,
    %mul3A_519 = arith.constant 2 : i32
    %mul3A_520 = vector.broadcast %mul3A_519 : i32 to vector<16xi32>
    %mul3A_521 = arith.muli %get3A_509, %mul3A_520 : vector<16xi32>
    %add3A_522 = arith.constant 1 : i32
    %add3A_523 = vector.broadcast %add3A_522 : i32 to vector<16xi32>
    %add3A_524 = arith.addi %mul3A_521, %add3A_523 : vector<16xi32>
    %swap3A_525 = arith.constant 2 : i32
    %swap3A_526 = arith.index_cast %swap3A_525 : i32 to index
    %swap3A_527 = arith.constant 16 : index
    %swap3A_528 = tpu.vector_load %arg14[%swap3A_526, %swap3A_527] {strides = array<i32>} : memref<4x128xi32, #tpu.memory_space<vmem>>, vector<1x16xi32>,
    %swap3A_529 = vector.shape_cast %swap3A_528 : vector<1x16xi32> to vector<16xi32>
    %swap3A_530 = vector.shape_cast %add3A_524 : vector<16xi32> to vector<1x16xi32>
    tpu.vector_store %arg14[%swap3A_526, %swap3A_527], %swap3A_530 {strides = array<i32>} : memref<4x128xi32, #tpu.memory_space<vmem>>, vector<1x16xi32>,
    %get3A_531 = arith.constant 2 : i32
    %get3A_532 = arith.index_cast %get3A_531 : i32 to index
    %get3A_533 = arith.constant 32 : index
    %get3A_534 = tpu.vector_load %arg12[%get3A_532, %get3A_533] {strides = array<i32>} : memref<4x128xi32, #tpu.memory_space<vmem>>, vector<1x16xi32>,
    %get3A_535 = vector.shape_cast %get3A_534 : vector<1x16xi32> to vector<16xi32>
    %mul3A_536 = arith.constant 2 : i32
    %mul3A_537 = vector.broadcast %mul3A_536 : i32 to vector<16xi32>
    %mul3A_538 = arith.muli %get3A_535, %mul3A_537 : vector<16xi32>
    %swap3A_539 = arith.constant 2 : i32
    %swap3A_540 = arith.index_cast %swap3A_539 : i32 to index
    %swap3A_541 = arith.constant 32 : index
    %swap3A_542 = tpu.vector_load %arg13[%swap3A_540, %swap3A_541] {strides = array<i32>} : memref<4x128xi32, #tpu.memory_space<vmem>>, vector<1x16xi32>,
    %swap3A_543 = vector.shape_cast %swap3A_542 : vector<1x16xi32> to vector<16xi32>
    %swap3A_544 = vector.shape_cast %mul3A_538 : vector<16xi32> to vector<1x16xi32>
    tpu.vector_store %arg13[%swap3A_540, %swap3A_541], %swap3A_544 {strides = array<i32>} : memref<4x128xi32, #tpu.memory_space<vmem>>, vector<1x16xi32>,
    %mul3A_545 = arith.constant 2 : i32
    %mul3A_546 = vector.broadcast %mul3A_545 : i32 to vector<16xi32>
    %mul3A_547 = arith.muli %get3A_535, %mul3A_546 : vector<16xi32>
    %add3A_548 = arith.constant 1 : i32
    %add3A_549 = vector.broadcast %add3A_548 : i32 to vector<16xi32>
    %add3A_550 = arith.addi %mul3A_547, %add3A_549 : vector<16xi32>
    %swap3A_551 = arith.constant 2 : i32
    %swap3A_552 = arith.index_cast %swap3A_551 : i32 to index
    %swap3A_553 = arith.constant 32 : index
    %swap3A_554 = tpu.vector_load %arg14[%swap3A_552, %swap3A_553] {strides = array<i32>} : memref<4x128xi32, #tpu.memory_space<vmem>>, vector<1x16xi32>,
    %swap3A_555 = vector.shape_cast %swap3A_554 : vector<1x16xi32> to vector<16xi32>
    %swap3A_556 = vector.shape_cast %add3A_550 : vector<16xi32> to vector<1x16xi32>
    tpu.vector_store %arg14[%swap3A_552, %swap3A_553], %swap3A_556 {strides = array<i32>} : memref<4x128xi32, #tpu.memory_space<vmem>>, vector<1x16xi32>,
    %get3A_557 = arith.constant 2 : i32
    %get3A_558 = arith.index_cast %get3A_557 : i32 to index
    %get3A_559 = arith.constant 48 : index
    %get3A_560 = tpu.vector_load %arg12[%get3A_558, %get3A_559] {strides = array<i32>} : memref<4x128xi32, #tpu.memory_space<vmem>>, vector<1x16xi32>,
    %get3A_561 = vector.shape_cast %get3A_560 : vector<1x16xi32> to vector<16xi32>
    %mul3A_562 = arith.constant 2 : i32
    %mul3A_563 = vector.broadcast %mul3A_562 : i32 to vector<16xi32>
    %mul3A_564 = arith.muli %get3A_561, %mul3A_563 : vector<16xi32>
    %swap3A_565 = arith.constant 2 : i32
    %swap3A_566 = arith.index_cast %swap3A_565 : i32 to index
    %swap3A_567 = arith.constant 48 : index
    %swap3A_568 = tpu.vector_load %arg13[%swap3A_566, %swap3A_567] {strides = array<i32>} : memref<4x128xi32, #tpu.memory_space<vmem>>, vector<1x16xi32>,
    %swap3A_569 = vector.shape_cast %swap3A_568 : vector<1x16xi32> to vector<16xi32>
    %swap3A_570 = vector.shape_cast %mul3A_564 : vector<16xi32> to vector<1x16xi32>
    tpu.vector_store %arg13[%swap3A_566, %swap3A_567], %swap3A_570 {strides = array<i32>} : memref<4x128xi32, #tpu.memory_space<vmem>>, vector<1x16xi32>,
    %mul3A_571 = arith.constant 2 : i32
    %mul3A_572 = vector.broadcast %mul3A_571 : i32 to vector<16xi32>
    %mul3A_573 = arith.muli %get3A_561, %mul3A_572 : vector<16xi32>
    %add3A_574 = arith.constant 1 : i32
    %add3A_575 = vector.broadcast %add3A_574 : i32 to vector<16xi32>
    %add3A_576 = arith.addi %mul3A_573, %add3A_575 : vector<16xi32>
    %swap3A_577 = arith.constant 2 : i32
    %swap3A_578 = arith.index_cast %swap3A_577 : i32 to index
    %swap3A_579 = arith.constant 48 : index
    %swap3A_580 = tpu.vector_load %arg14[%swap3A_578, %swap3A_579] {strides = array<i32>} : memref<4x128xi32, #tpu.memory_space<vmem>>, vector<1x16xi32>,
    %swap3A_581 = vector.shape_cast %swap3A_580 : vector<1x16xi32> to vector<16xi32>
    %swap3A_582 = vector.shape_cast %add3A_576 : vector<16xi32> to vector<1x16xi32>
    tpu.vector_store %arg14[%swap3A_578, %swap3A_579], %swap3A_582 {strides = array<i32>} : memref<4x128xi32, #tpu.memory_space<vmem>>, vector<1x16xi32>,
    %get3A_583 = arith.constant 2 : i32
    %get3A_584 = arith.index_cast %get3A_583 : i32 to index
    %get3A_585 = arith.constant 64 : index
    %get3A_586 = tpu.vector_load %arg12[%get3A_584, %get3A_585] {strides = array<i32>} : memref<4x128xi32, #tpu.memory_space<vmem>>, vector<1x16xi32>,
    %get3A_587 = vector.shape_cast %get3A_586 : vector<1x16xi32> to vector<16xi32>
    %mul3A_588 = arith.constant 2 : i32
    %mul3A_589 = vector.broadcast %mul3A_588 : i32 to vector<16xi32>
    %mul3A_590 = arith.muli %get3A_587, %mul3A_589 : vector<16xi32>
    %swap3A_591 = arith.constant 2 : i32
    %swap3A_592 = arith.index_cast %swap3A_591 : i32 to index
    %swap3A_593 = arith.constant 64 : index
    %swap3A_594 = tpu.vector_load %arg13[%swap3A_592, %swap3A_593] {strides = array<i32>} : memref<4x128xi32, #tpu.memory_space<vmem>>, vector<1x16xi32>,
    %swap3A_595 = vector.shape_cast %swap3A_594 : vector<1x16xi32> to vector<16xi32>
    %swap3A_596 = vector.shape_cast %mul3A_590 : vector<16xi32> to vector<1x16xi32>
    tpu.vector_store %arg13[%swap3A_592, %swap3A_593], %swap3A_596 {strides = array<i32>} : memref<4x128xi32, #tpu.memory_space<vmem>>, vector<1x16xi32>,
    %mul3A_597 = arith.constant 2 : i32
    %mul3A_598 = vector.broadcast %mul3A_597 : i32 to vector<16xi32>
    %mul3A_599 = arith.muli %get3A_587, %mul3A_598 : vector<16xi32>
    %add3A_600 = arith.constant 1 : i32
    %add3A_601 = vector.broadcast %add3A_600 : i32 to vector<16xi32>
    %add3A_602 = arith.addi %mul3A_599, %add3A_601 : vector<16xi32>
    %swap3A_603 = arith.constant 2 : i32
    %swap3A_604 = arith.index_cast %swap3A_603 : i32 to index
    %swap3A_605 = arith.constant 64 : index
    %swap3A_606 = tpu.vector_load %arg14[%swap3A_604, %swap3A_605] {strides = array<i32>} : memref<4x128xi32, #tpu.memory_space<vmem>>, vector<1x16xi32>,
    %swap3A_607 = vector.shape_cast %swap3A_606 : vector<1x16xi32> to vector<16xi32>
    %swap3A_608 = vector.shape_cast %add3A_602 : vector<16xi32> to vector<1x16xi32>
    tpu.vector_store %arg14[%swap3A_604, %swap3A_605], %swap3A_608 {strides = array<i32>} : memref<4x128xi32, #tpu.memory_space<vmem>>, vector<1x16xi32>,
    %get3A_609 = arith.constant 2 : i32
    %get3A_610 = arith.index_cast %get3A_609 : i32 to index
    %get3A_611 = arith.constant 80 : index
    %get3A_612 = tpu.vector_load %arg12[%get3A_610, %get3A_611] {strides = array<i32>} : memref<4x128xi32, #tpu.memory_space<vmem>>, vector<1x16xi32>,
    %get3A_613 = vector.shape_cast %get3A_612 : vector<1x16xi32> to vector<16xi32>
    %mul3A_614 = arith.constant 2 : i32
    %mul3A_615 = vector.broadcast %mul3A_614 : i32 to vector<16xi32>
    %mul3A_616 = arith.muli %get3A_613, %mul3A_615 : vector<16xi32>
    %swap3A_617 = arith.constant 2 : i32
    %swap3A_618 = arith.index_cast %swap3A_617 : i32 to index
    %swap3A_619 = arith.constant 80 : index
    %swap3A_620 = tpu.vector_load %arg13[%swap3A_618, %swap3A_619] {strides = array<i32>} : memref<4x128xi32, #tpu.memory_space<vmem>>, vector<1x16xi32>,
    %swap3A_621 = vector.shape_cast %swap3A_620 : vector<1x16xi32> to vector<16xi32>
    %swap3A_622 = vector.shape_cast %mul3A_616 : vector<16xi32> to vector<1x16xi32>
    tpu.vector_store %arg13[%swap3A_618, %swap3A_619], %swap3A_622 {strides = array<i32>} : memref<4x128xi32, #tpu.memory_space<vmem>>, vector<1x16xi32>,
    %mul3A_623 = arith.constant 2 : i32
    %mul3A_624 = vector.broadcast %mul3A_623 : i32 to vector<16xi32>
    %mul3A_625 = arith.muli %get3A_613, %mul3A_624 : vector<16xi32>
    %add3A_626 = arith.constant 1 : i32
    %add3A_627 = vector.broadcast %add3A_626 : i32 to vector<16xi32>
    %add3A_628 = arith.addi %mul3A_625, %add3A_627 : vector<16xi32>
    %swap3A_629 = arith.constant 2 : i32
    %swap3A_630 = arith.index_cast %swap3A_629 : i32 to index
    %swap3A_631 = arith.constant 80 : index
    %swap3A_632 = tpu.vector_load %arg14[%swap3A_630, %swap3A_631] {strides = array<i32>} : memref<4x128xi32, #tpu.memory_space<vmem>>, vector<1x16xi32>,
    %swap3A_633 = vector.shape_cast %swap3A_632 : vector<1x16xi32> to vector<16xi32>
    %swap3A_634 = vector.shape_cast %add3A_628 : vector<16xi32> to vector<1x16xi32>
    tpu.vector_store %arg14[%swap3A_630, %swap3A_631], %swap3A_634 {strides = array<i32>} : memref<4x128xi32, #tpu.memory_space<vmem>>, vector<1x16xi32>,
    %get3A_635 = arith.constant 2 : i32
    %get3A_636 = arith.index_cast %get3A_635 : i32 to index
    %get3A_637 = arith.constant 96 : index
    %get3A_638 = tpu.vector_load %arg12[%get3A_636, %get3A_637] {strides = array<i32>} : memref<4x128xi32, #tpu.memory_space<vmem>>, vector<1x16xi32>,
    %get3A_639 = vector.shape_cast %get3A_638 : vector<1x16xi32> to vector<16xi32>
    %mul3A_640 = arith.constant 2 : i32
    %mul3A_641 = vector.broadcast %mul3A_640 : i32 to vector<16xi32>
    %mul3A_642 = arith.muli %get3A_639, %mul3A_641 : vector<16xi32>
    %swap3A_643 = arith.constant 2 : i32
    %swap3A_644 = arith.index_cast %swap3A_643 : i32 to index
    %swap3A_645 = arith.constant 96 : index
    %swap3A_646 = tpu.vector_load %arg13[%swap3A_644, %swap3A_645] {strides = array<i32>} : memref<4x128xi32, #tpu.memory_space<vmem>>, vector<1x16xi32>,
    %swap3A_647 = vector.shape_cast %swap3A_646 : vector<1x16xi32> to vector<16xi32>
    %swap3A_648 = vector.shape_cast %mul3A_642 : vector<16xi32> to vector<1x16xi32>
    tpu.vector_store %arg13[%swap3A_644, %swap3A_645], %swap3A_648 {strides = array<i32>} : memref<4x128xi32, #tpu.memory_space<vmem>>, vector<1x16xi32>,
    %mul3A_649 = arith.constant 2 : i32
    %mul3A_650 = vector.broadcast %mul3A_649 : i32 to vector<16xi32>
    %mul3A_651 = arith.muli %get3A_639, %mul3A_650 : vector<16xi32>
    %add3A_652 = arith.constant 1 : i32
    %add3A_653 = vector.broadcast %add3A_652 : i32 to vector<16xi32>
    %add3A_654 = arith.addi %mul3A_651, %add3A_653 : vector<16xi32>
    %swap3A_655 = arith.constant 2 : i32
    %swap3A_656 = arith.index_cast %swap3A_655 : i32 to index
    %swap3A_657 = arith.constant 96 : index
    %swap3A_658 = tpu.vector_load %arg14[%swap3A_656, %swap3A_657] {strides = array<i32>} : memref<4x128xi32, #tpu.memory_space<vmem>>, vector<1x16xi32>,
    %swap3A_659 = vector.shape_cast %swap3A_658 : vector<1x16xi32> to vector<16xi32>
    %swap3A_660 = vector.shape_cast %add3A_654 : vector<16xi32> to vector<1x16xi32>
    tpu.vector_store %arg14[%swap3A_656, %swap3A_657], %swap3A_660 {strides = array<i32>} : memref<4x128xi32, #tpu.memory_space<vmem>>, vector<1x16xi32>,
    %get3A_661 = arith.constant 2 : i32
    %get3A_662 = arith.index_cast %get3A_661 : i32 to index
    %get3A_663 = arith.constant 112 : index
    %get3A_664 = tpu.vector_load %arg12[%get3A_662, %get3A_663] {strides = array<i32>} : memref<4x128xi32, #tpu.memory_space<vmem>>, vector<1x16xi32>,
    %get3A_665 = vector.shape_cast %get3A_664 : vector<1x16xi32> to vector<16xi32>
    %mul3A_666 = arith.constant 2 : i32
    %mul3A_667 = vector.broadcast %mul3A_666 : i32 to vector<16xi32>
    %mul3A_668 = arith.muli %get3A_665, %mul3A_667 : vector<16xi32>
    %swap3A_669 = arith.constant 2 : i32
    %swap3A_670 = arith.index_cast %swap3A_669 : i32 to index
    %swap3A_671 = arith.constant 112 : index
    %swap3A_672 = tpu.vector_load %arg13[%swap3A_670, %swap3A_671] {strides = array<i32>} : memref<4x128xi32, #tpu.memory_space<vmem>>, vector<1x16xi32>,
    %swap3A_673 = vector.shape_cast %swap3A_672 : vector<1x16xi32> to vector<16xi32>
    %swap3A_674 = vector.shape_cast %mul3A_668 : vector<16xi32> to vector<1x16xi32>
    tpu.vector_store %arg13[%swap3A_670, %swap3A_671], %swap3A_674 {strides = array<i32>} : memref<4x128xi32, #tpu.memory_space<vmem>>, vector<1x16xi32>,
    %mul3A_675 = arith.constant 2 : i32
    %mul3A_676 = vector.broadcast %mul3A_675 : i32 to vector<16xi32>
    %mul3A_677 = arith.muli %get3A_665, %mul3A_676 : vector<16xi32>
    %add3A_678 = arith.constant 1 : i32
    %add3A_679 = vector.broadcast %add3A_678 : i32 to vector<16xi32>
    %add3A_680 = arith.addi %mul3A_677, %add3A_679 : vector<16xi32>
    %swap3A_681 = arith.constant 2 : i32
    %swap3A_682 = arith.index_cast %swap3A_681 : i32 to index
    %swap3A_683 = arith.constant 112 : index
    %swap3A_684 = tpu.vector_load %arg14[%swap3A_682, %swap3A_683] {strides = array<i32>} : memref<4x128xi32, #tpu.memory_space<vmem>>, vector<1x16xi32>,
    %swap3A_685 = vector.shape_cast %swap3A_684 : vector<1x16xi32> to vector<16xi32>
    %swap3A_686 = vector.shape_cast %add3A_680 : vector<16xi32> to vector<1x16xi32>
    tpu.vector_store %arg14[%swap3A_682, %swap3A_683], %swap3A_686 {strides = array<i32>} : memref<4x128xi32, #tpu.memory_space<vmem>>, vector<1x16xi32>,
    %get3A_687 = arith.constant 3 : i32
    %get3A_688 = arith.index_cast %get3A_687 : i32 to index
    %get3A_689 = arith.constant 0 : index
    %get3A_690 = tpu.vector_load %arg12[%get3A_688, %get3A_689] {strides = array<i32>} : memref<4x128xi32, #tpu.memory_space<vmem>>, vector<1x16xi32>,
    %get3A_691 = vector.shape_cast %get3A_690 : vector<1x16xi32> to vector<16xi32>
    %mul3A_692 = arith.constant 2 : i32
    %mul3A_693 = vector.broadcast %mul3A_692 : i32 to vector<16xi32>
    %mul3A_694 = arith.muli %get3A_691, %mul3A_693 : vector<16xi32>
    %swap3A_695 = arith.constant 3 : i32
    %swap3A_696 = arith.index_cast %swap3A_695 : i32 to index
    %swap3A_697 = arith.constant 0 : index
    %swap3A_698 = tpu.vector_load %arg13[%swap3A_696, %swap3A_697] {strides = array<i32>} : memref<4x128xi32, #tpu.memory_space<vmem>>, vector<1x16xi32>,
    %swap3A_699 = vector.shape_cast %swap3A_698 : vector<1x16xi32> to vector<16xi32>
    %swap3A_700 = vector.shape_cast %mul3A_694 : vector<16xi32> to vector<1x16xi32>
    tpu.vector_store %arg13[%swap3A_696, %swap3A_697], %swap3A_700 {strides = array<i32>} : memref<4x128xi32, #tpu.memory_space<vmem>>, vector<1x16xi32>,
    %mul3A_701 = arith.constant 2 : i32
    %mul3A_702 = vector.broadcast %mul3A_701 : i32 to vector<16xi32>
    %mul3A_703 = arith.muli %get3A_691, %mul3A_702 : vector<16xi32>
    %add3A_704 = arith.constant 1 : i32
    %add3A_705 = vector.broadcast %add3A_704 : i32 to vector<16xi32>
    %add3A_706 = arith.addi %mul3A_703, %add3A_705 : vector<16xi32>
    %swap3A_707 = arith.constant 3 : i32
    %swap3A_708 = arith.index_cast %swap3A_707 : i32 to index
    %swap3A_709 = arith.constant 0 : index
    %swap3A_710 = tpu.vector_load %arg14[%swap3A_708, %swap3A_709] {strides = array<i32>} : memref<4x128xi32, #tpu.memory_space<vmem>>, vector<1x16xi32>,
    %swap3A_711 = vector.shape_cast %swap3A_710 : vector<1x16xi32> to vector<16xi32>
    %swap3A_712 = vector.shape_cast %add3A_706 : vector<16xi32> to vector<1x16xi32>
    tpu.vector_store %arg14[%swap3A_708, %swap3A_709], %swap3A_712 {strides = array<i32>} : memref<4x128xi32, #tpu.memory_space<vmem>>, vector<1x16xi32>,
    %get3A_713 = arith.constant 3 : i32
    %get3A_714 = arith.index_cast %get3A_713 : i32 to index
    %get3A_715 = arith.constant 16 : index
    %get3A_716 = tpu.vector_load %arg12[%get3A_714, %get3A_715] {strides = array<i32>} : memref<4x128xi32, #tpu.memory_space<vmem>>, vector<1x16xi32>,
    %get3A_717 = vector.shape_cast %get3A_716 : vector<1x16xi32> to vector<16xi32>
    %mul3A_718 = arith.constant 2 : i32
    %mul3A_719 = vector.broadcast %mul3A_718 : i32 to vector<16xi32>
    %mul3A_720 = arith.muli %get3A_717, %mul3A_719 : vector<16xi32>
    %swap3A_721 = arith.constant 3 : i32
    %swap3A_722 = arith.index_cast %swap3A_721 : i32 to index
    %swap3A_723 = arith.constant 16 : index
    %swap3A_724 = tpu.vector_load %arg13[%swap3A_722, %swap3A_723] {strides = array<i32>} : memref<4x128xi32, #tpu.memory_space<vmem>>, vector<1x16xi32>,
    %swap3A_725 = vector.shape_cast %swap3A_724 : vector<1x16xi32> to vector<16xi32>
    %swap3A_726 = vector.shape_cast %mul3A_720 : vector<16xi32> to vector<1x16xi32>
    tpu.vector_store %arg13[%swap3A_722, %swap3A_723], %swap3A_726 {strides = array<i32>} : memref<4x128xi32, #tpu.memory_space<vmem>>, vector<1x16xi32>,
    %mul3A_727 = arith.constant 2 : i32
    %mul3A_728 = vector.broadcast %mul3A_727 : i32 to vector<16xi32>
    %mul3A_729 = arith.muli %get3A_717, %mul3A_728 : vector<16xi32>
    %add3A_730 = arith.constant 1 : i32
    %add3A_731 = vector.broadcast %add3A_730 : i32 to vector<16xi32>
    %add3A_732 = arith.addi %mul3A_729, %add3A_731 : vector<16xi32>
    %swap3A_733 = arith.constant 3 : i32
    %swap3A_734 = arith.index_cast %swap3A_733 : i32 to index
    %swap3A_735 = arith.constant 16 : index
    %swap3A_736 = tpu.vector_load %arg14[%swap3A_734, %swap3A_735] {strides = array<i32>} : memref<4x128xi32, #tpu.memory_space<vmem>>, vector<1x16xi32>,
    %swap3A_737 = vector.shape_cast %swap3A_736 : vector<1x16xi32> to vector<16xi32>
    %swap3A_738 = vector.shape_cast %add3A_732 : vector<16xi32> to vector<1x16xi32>
    tpu.vector_store %arg14[%swap3A_734, %swap3A_735], %swap3A_738 {strides = array<i32>} : memref<4x128xi32, #tpu.memory_space<vmem>>, vector<1x16xi32>,
    %get3A_739 = arith.constant 3 : i32
    %get3A_740 = arith.index_cast %get3A_739 : i32 to index
    %get3A_741 = arith.constant 32 : index
    %get3A_742 = tpu.vector_load %arg12[%get3A_740, %get3A_741] {strides = array<i32>} : memref<4x128xi32, #tpu.memory_space<vmem>>, vector<1x16xi32>,
    %get3A_743 = vector.shape_cast %get3A_742 : vector<1x16xi32> to vector<16xi32>
    %mul3A_744 = arith.constant 2 : i32
    %mul3A_745 = vector.broadcast %mul3A_744 : i32 to vector<16xi32>
    %mul3A_746 = arith.muli %get3A_743, %mul3A_745 : vector<16xi32>
    %swap3A_747 = arith.constant 3 : i32
    %swap3A_748 = arith.index_cast %swap3A_747 : i32 to index
    %swap3A_749 = arith.constant 32 : index
    %swap3A_750 = tpu.vector_load %arg13[%swap3A_748, %swap3A_749] {strides = array<i32>} : memref<4x128xi32, #tpu.memory_space<vmem>>, vector<1x16xi32>,
    %swap3A_751 = vector.shape_cast %swap3A_750 : vector<1x16xi32> to vector<16xi32>
    %swap3A_752 = vector.shape_cast %mul3A_746 : vector<16xi32> to vector<1x16xi32>
    tpu.vector_store %arg13[%swap3A_748, %swap3A_749], %swap3A_752 {strides = array<i32>} : memref<4x128xi32, #tpu.memory_space<vmem>>, vector<1x16xi32>,
    %mul3A_753 = arith.constant 2 : i32
    %mul3A_754 = vector.broadcast %mul3A_753 : i32 to vector<16xi32>
    %mul3A_755 = arith.muli %get3A_743, %mul3A_754 : vector<16xi32>
    %add3A_756 = arith.constant 1 : i32
    %add3A_757 = vector.broadcast %add3A_756 : i32 to vector<16xi32>
    %add3A_758 = arith.addi %mul3A_755, %add3A_757 : vector<16xi32>
    %swap3A_759 = arith.constant 3 : i32
    %swap3A_760 = arith.index_cast %swap3A_759 : i32 to index
    %swap3A_761 = arith.constant 32 : index
    %swap3A_762 = tpu.vector_load %arg14[%swap3A_760, %swap3A_761] {strides = array<i32>} : memref<4x128xi32, #tpu.memory_space<vmem>>, vector<1x16xi32>,
    %swap3A_763 = vector.shape_cast %swap3A_762 : vector<1x16xi32> to vector<16xi32>
    %swap3A_764 = vector.shape_cast %add3A_758 : vector<16xi32> to vector<1x16xi32>
    tpu.vector_store %arg14[%swap3A_760, %swap3A_761], %swap3A_764 {strides = array<i32>} : memref<4x128xi32, #tpu.memory_space<vmem>>, vector<1x16xi32>,
    %get3A_765 = arith.constant 3 : i32
    %get3A_766 = arith.index_cast %get3A_765 : i32 to index
    %get3A_767 = arith.constant 48 : index
    %get3A_768 = tpu.vector_load %arg12[%get3A_766, %get3A_767] {strides = array<i32>} : memref<4x128xi32, #tpu.memory_space<vmem>>, vector<1x16xi32>,
    %get3A_769 = vector.shape_cast %get3A_768 : vector<1x16xi32> to vector<16xi32>
    %mul3A_770 = arith.constant 2 : i32
    %mul3A_771 = vector.broadcast %mul3A_770 : i32 to vector<16xi32>
    %mul3A_772 = arith.muli %get3A_769, %mul3A_771 : vector<16xi32>
    %swap3A_773 = arith.constant 3 : i32
    %swap3A_774 = arith.index_cast %swap3A_773 : i32 to index
    %swap3A_775 = arith.constant 48 : index
    %swap3A_776 = tpu.vector_load %arg13[%swap3A_774, %swap3A_775] {strides = array<i32>} : memref<4x128xi32, #tpu.memory_space<vmem>>, vector<1x16xi32>,
    %swap3A_777 = vector.shape_cast %swap3A_776 : vector<1x16xi32> to vector<16xi32>
    %swap3A_778 = vector.shape_cast %mul3A_772 : vector<16xi32> to vector<1x16xi32>
    tpu.vector_store %arg13[%swap3A_774, %swap3A_775], %swap3A_778 {strides = array<i32>} : memref<4x128xi32, #tpu.memory_space<vmem>>, vector<1x16xi32>,
    %mul3A_779 = arith.constant 2 : i32
    %mul3A_780 = vector.broadcast %mul3A_779 : i32 to vector<16xi32>
    %mul3A_781 = arith.muli %get3A_769, %mul3A_780 : vector<16xi32>
    %add3A_782 = arith.constant 1 : i32
    %add3A_783 = vector.broadcast %add3A_782 : i32 to vector<16xi32>
    %add3A_784 = arith.addi %mul3A_781, %add3A_783 : vector<16xi32>
    %swap3A_785 = arith.constant 3 : i32
    %swap3A_786 = arith.index_cast %swap3A_785 : i32 to index
    %swap3A_787 = arith.constant 48 : index
    %swap3A_788 = tpu.vector_load %arg14[%swap3A_786, %swap3A_787] {strides = array<i32>} : memref<4x128xi32, #tpu.memory_space<vmem>>, vector<1x16xi32>,
    %swap3A_789 = vector.shape_cast %swap3A_788 : vector<1x16xi32> to vector<16xi32>
    %swap3A_790 = vector.shape_cast %add3A_784 : vector<16xi32> to vector<1x16xi32>
    tpu.vector_store %arg14[%swap3A_786, %swap3A_787], %swap3A_790 {strides = array<i32>} : memref<4x128xi32, #tpu.memory_space<vmem>>, vector<1x16xi32>,
    %get3A_791 = arith.constant 3 : i32
    %get3A_792 = arith.index_cast %get3A_791 : i32 to index
    %get3A_793 = arith.constant 64 : index
    %get3A_794 = tpu.vector_load %arg12[%get3A_792, %get3A_793] {strides = array<i32>} : memref<4x128xi32, #tpu.memory_space<vmem>>, vector<1x16xi32>,
    %get3A_795 = vector.shape_cast %get3A_794 : vector<1x16xi32> to vector<16xi32>
    %mul3A_796 = arith.constant 2 : i32
    %mul3A_797 = vector.broadcast %mul3A_796 : i32 to vector<16xi32>
    %mul3A_798 = arith.muli %get3A_795, %mul3A_797 : vector<16xi32>
    %swap3A_799 = arith.constant 3 : i32
    %swap3A_800 = arith.index_cast %swap3A_799 : i32 to index
    %swap3A_801 = arith.constant 64 : index
    %swap3A_802 = tpu.vector_load %arg13[%swap3A_800, %swap3A_801] {strides = array<i32>} : memref<4x128xi32, #tpu.memory_space<vmem>>, vector<1x16xi32>,
    %swap3A_803 = vector.shape_cast %swap3A_802 : vector<1x16xi32> to vector<16xi32>
    %swap3A_804 = vector.shape_cast %mul3A_798 : vector<16xi32> to vector<1x16xi32>
    tpu.vector_store %arg13[%swap3A_800, %swap3A_801], %swap3A_804 {strides = array<i32>} : memref<4x128xi32, #tpu.memory_space<vmem>>, vector<1x16xi32>,
    %mul3A_805 = arith.constant 2 : i32
    %mul3A_806 = vector.broadcast %mul3A_805 : i32 to vector<16xi32>
    %mul3A_807 = arith.muli %get3A_795, %mul3A_806 : vector<16xi32>
    %add3A_808 = arith.constant 1 : i32
    %add3A_809 = vector.broadcast %add3A_808 : i32 to vector<16xi32>
    %add3A_810 = arith.addi %mul3A_807, %add3A_809 : vector<16xi32>
    %swap3A_811 = arith.constant 3 : i32
    %swap3A_812 = arith.index_cast %swap3A_811 : i32 to index
    %swap3A_813 = arith.constant 64 : index
    %swap3A_814 = tpu.vector_load %arg14[%swap3A_812, %swap3A_813] {strides = array<i32>} : memref<4x128xi32, #tpu.memory_space<vmem>>, vector<1x16xi32>,
    %swap3A_815 = vector.shape_cast %swap3A_814 : vector<1x16xi32> to vector<16xi32>
    %swap3A_816 = vector.shape_cast %add3A_810 : vector<16xi32> to vector<1x16xi32>
    tpu.vector_store %arg14[%swap3A_812, %swap3A_813], %swap3A_816 {strides = array<i32>} : memref<4x128xi32, #tpu.memory_space<vmem>>, vector<1x16xi32>,
    %get3A_817 = arith.constant 3 : i32
    %get3A_818 = arith.index_cast %get3A_817 : i32 to index
    %get3A_819 = arith.constant 80 : index
    %get3A_820 = tpu.vector_load %arg12[%get3A_818, %get3A_819] {strides = array<i32>} : memref<4x128xi32, #tpu.memory_space<vmem>>, vector<1x16xi32>,
    %get3A_821 = vector.shape_cast %get3A_820 : vector<1x16xi32> to vector<16xi32>
    %mul3A_822 = arith.constant 2 : i32
    %mul3A_823 = vector.broadcast %mul3A_822 : i32 to vector<16xi32>
    %mul3A_824 = arith.muli %get3A_821, %mul3A_823 : vector<16xi32>
    %swap3A_825 = arith.constant 3 : i32
    %swap3A_826 = arith.index_cast %swap3A_825 : i32 to index
    %swap3A_827 = arith.constant 80 : index
    %swap3A_828 = tpu.vector_load %arg13[%swap3A_826, %swap3A_827] {strides = array<i32>} : memref<4x128xi32, #tpu.memory_space<vmem>>, vector<1x16xi32>,
    %swap3A_829 = vector.shape_cast %swap3A_828 : vector<1x16xi32> to vector<16xi32>
    %swap3A_830 = vector.shape_cast %mul3A_824 : vector<16xi32> to vector<1x16xi32>
    tpu.vector_store %arg13[%swap3A_826, %swap3A_827], %swap3A_830 {strides = array<i32>} : memref<4x128xi32, #tpu.memory_space<vmem>>, vector<1x16xi32>,
    %mul3A_831 = arith.constant 2 : i32
    %mul3A_832 = vector.broadcast %mul3A_831 : i32 to vector<16xi32>
    %mul3A_833 = arith.muli %get3A_821, %mul3A_832 : vector<16xi32>
    %add3A_834 = arith.constant 1 : i32
    %add3A_835 = vector.broadcast %add3A_834 : i32 to vector<16xi32>
    %add3A_836 = arith.addi %mul3A_833, %add3A_835 : vector<16xi32>
    %swap3A_837 = arith.constant 3 : i32
    %swap3A_838 = arith.index_cast %swap3A_837 : i32 to index
    %swap3A_839 = arith.constant 80 : index
    %swap3A_840 = tpu.vector_load %arg14[%swap3A_838, %swap3A_839] {strides = array<i32>} : memref<4x128xi32, #tpu.memory_space<vmem>>, vector<1x16xi32>,
    %swap3A_841 = vector.shape_cast %swap3A_840 : vector<1x16xi32> to vector<16xi32>
    %swap3A_842 = vector.shape_cast %add3A_836 : vector<16xi32> to vector<1x16xi32>
    tpu.vector_store %arg14[%swap3A_838, %swap3A_839], %swap3A_842 {strides = array<i32>} : memref<4x128xi32, #tpu.memory_space<vmem>>, vector<1x16xi32>,
    %get3A_843 = arith.constant 3 : i32
    %get3A_844 = arith.index_cast %get3A_843 : i32 to index
    %get3A_845 = arith.constant 96 : index
    %get3A_846 = tpu.vector_load %arg12[%get3A_844, %get3A_845] {strides = array<i32>} : memref<4x128xi32, #tpu.memory_space<vmem>>, vector<1x16xi32>,
    %get3A_847 = vector.shape_cast %get3A_846 : vector<1x16xi32> to vector<16xi32>
    %mul3A_848 = arith.constant 2 : i32
    %mul3A_849 = vector.broadcast %mul3A_848 : i32 to vector<16xi32>
    %mul3A_850 = arith.muli %get3A_847, %mul3A_849 : vector<16xi32>
    %swap3A_851 = arith.constant 3 : i32
    %swap3A_852 = arith.index_cast %swap3A_851 : i32 to index
    %swap3A_853 = arith.constant 96 : index
    %swap3A_854 = tpu.vector_load %arg13[%swap3A_852, %swap3A_853] {strides = array<i32>} : memref<4x128xi32, #tpu.memory_space<vmem>>, vector<1x16xi32>,
    %swap3A_855 = vector.shape_cast %swap3A_854 : vector<1x16xi32> to vector<16xi32>
    %swap3A_856 = vector.shape_cast %mul3A_850 : vector<16xi32> to vector<1x16xi32>
    tpu.vector_store %arg13[%swap3A_852, %swap3A_853], %swap3A_856 {strides = array<i32>} : memref<4x128xi32, #tpu.memory_space<vmem>>, vector<1x16xi32>,
    %mul3A_857 = arith.constant 2 : i32
    %mul3A_858 = vector.broadcast %mul3A_857 : i32 to vector<16xi32>
    %mul3A_859 = arith.muli %get3A_847, %mul3A_858 : vector<16xi32>
    %add3A_860 = arith.constant 1 : i32
    %add3A_861 = vector.broadcast %add3A_860 : i32 to vector<16xi32>
    %add3A_862 = arith.addi %mul3A_859, %add3A_861 : vector<16xi32>
    %swap3A_863 = arith.constant 3 : i32
    %swap3A_864 = arith.index_cast %swap3A_863 : i32 to index
    %swap3A_865 = arith.constant 96 : index
    %swap3A_866 = tpu.vector_load %arg14[%swap3A_864, %swap3A_865] {strides = array<i32>} : memref<4x128xi32, #tpu.memory_space<vmem>>, vector<1x16xi32>,
    %swap3A_867 = vector.shape_cast %swap3A_866 : vector<1x16xi32> to vector<16xi32>
    %swap3A_868 = vector.shape_cast %add3A_862 : vector<16xi32> to vector<1x16xi32>
    tpu.vector_store %arg14[%swap3A_864, %swap3A_865], %swap3A_868 {strides = array<i32>} : memref<4x128xi32, #tpu.memory_space<vmem>>, vector<1x16xi32>,
    %get3A_869 = arith.constant 3 : i32
    %get3A_870 = arith.index_cast %get3A_869 : i32 to index
    %get3A_871 = arith.constant 112 : index
    %get3A_872 = tpu.vector_load %arg12[%get3A_870, %get3A_871] {strides = array<i32>} : memref<4x128xi32, #tpu.memory_space<vmem>>, vector<1x16xi32>,
    %get3A_873 = vector.shape_cast %get3A_872 : vector<1x16xi32> to vector<16xi32>
    %mul3A_874 = arith.constant 2 : i32
    %mul3A_875 = vector.broadcast %mul3A_874 : i32 to vector<16xi32>
    %mul3A_876 = arith.muli %get3A_873, %mul3A_875 : vector<16xi32>
    %swap3A_877 = arith.constant 3 : i32
    %swap3A_878 = arith.index_cast %swap3A_877 : i32 to index
    %swap3A_879 = arith.constant 112 : index
    %swap3A_880 = tpu.vector_load %arg13[%swap3A_878, %swap3A_879] {strides = array<i32>} : memref<4x128xi32, #tpu.memory_space<vmem>>, vector<1x16xi32>,
    %swap3A_881 = vector.shape_cast %swap3A_880 : vector<1x16xi32> to vector<16xi32>
    %swap3A_882 = vector.shape_cast %mul3A_876 : vector<16xi32> to vector<1x16xi32>
    tpu.vector_store %arg13[%swap3A_878, %swap3A_879], %swap3A_882 {strides = array<i32>} : memref<4x128xi32, #tpu.memory_space<vmem>>, vector<1x16xi32>,
    %mul3A_883 = arith.constant 2 : i32
    %mul3A_884 = vector.broadcast %mul3A_883 : i32 to vector<16xi32>
    %mul3A_885 = arith.muli %get3A_873, %mul3A_884 : vector<16xi32>
    %add3A_886 = arith.constant 1 : i32
    %add3A_887 = vector.broadcast %add3A_886 : i32 to vector<16xi32>
    %add3A_888 = arith.addi %mul3A_885, %add3A_887 : vector<16xi32>
    %swap3A_889 = arith.constant 3 : i32
    %swap3A_890 = arith.index_cast %swap3A_889 : i32 to index
    %swap3A_891 = arith.constant 112 : index
    %swap3A_892 = tpu.vector_load %arg14[%swap3A_890, %swap3A_891] {strides = array<i32>} : memref<4x128xi32, #tpu.memory_space<vmem>>, vector<1x16xi32>,
    %swap3A_893 = vector.shape_cast %swap3A_892 : vector<1x16xi32> to vector<16xi32>
    %swap3A_894 = vector.shape_cast %add3A_888 : vector<16xi32> to vector<1x16xi32>
    tpu.vector_store %arg14[%swap3A_890, %swap3A_891], %swap3A_894 {strides = array<i32>} : memref<4x128xi32, #tpu.memory_space<vmem>>, vector<1x16xi32>,
    %dma_start3A_895 = arith.constant 0 : i32
    %dma_start3A_896 = arith.constant 2 : i32
    %dma_start3A_897 = arith.constant 2 : i32
    %dma_start3A_898 = arith.constant 0 : i32
    %dma_start3A_899 = arith.constant 0 : i32
    %dma_start3A_900 = tpu.memref_slice %arg15[%dma_start3A_896, %dma_start3A_898, %dma_start3A_899] : memref<7x128x128xf32, #tpu.memory_space<vmem>> -> memref<1x128x128xf32, #tpu.memory_space<vmem>>
    %dma_start3A_901 = tpu.memref_squeeze %dma_start3A_900 : memref<1x128x128xf32, #tpu.memory_space<vmem>> -> memref<128x128xf32, #tpu.memory_space<vmem>>
    %dma_start3A_902 = arith.constant 0 : i32
    %dma_start3A_903 = tpu.memref_slice %arg13[%dma_start3A_895, %dma_start3A_902] : memref<4x128xi32, #tpu.memory_space<vmem>> -> memref<1x128xi32, #tpu.memory_space<vmem>>
    %dma_start3A_904 = tpu.memref_squeeze %dma_start3A_903 : memref<1x128xi32, #tpu.memory_space<vmem>> -> memref<128xi32, #tpu.memory_space<vmem>>
    %dma_start3A_905 = arith.constant 0 : i32
    %dma_start3A_906 = arith.constant 0 : i32
    %dma_start3A_907 = tpu.memref_slice %arg6[%dma_start3A_905, %dma_start3A_906] : memref<2000x128xf32, #tpu.memory_space<hbm>> -> memref<2000x128xf32, #tpu.memory_space<hbm>>
    %dma_start3A_908 = tpu.memref_slice %arg16[%dma_start3A_897] : memref<7x!tpu.dma_semaphore, #tpu.memory_space<semaphore_mem>> -> memref<1x!tpu.dma_semaphore, #tpu.memory_space<semaphore_mem>>
    %dma_start3A_909 = tpu.memref_squeeze %dma_start3A_908 : memref<1x!tpu.dma_semaphore, #tpu.memory_space<semaphore_mem>> -> memref<!tpu.dma_semaphore, #tpu.memory_space<semaphore_mem>>
    tpu.enqueue_indirect_dma source(%dma_start3A_907 : memref<2000x128xf32, #tpu.memory_space<hbm>>) target(%dma_start3A_901 : memref<128x128xf32, #tpu.memory_space<vmem>>) offsets(%dma_start3A_904 : memref<128xi32, #tpu.memory_space<vmem>>) semaphore(%dma_start3A_909 : memref<!tpu.dma_semaphore, #tpu.memory_space<semaphore_mem>>)
    %dma_start3A_910 = arith.constant 0 : i32
    %dma_start3A_911 = arith.constant 3 : i32
    %dma_start3A_912 = arith.constant 3 : i32
    %dma_start3A_913 = arith.constant 0 : i32
    %dma_start3A_914 = arith.constant 0 : i32
    %dma_start3A_915 = tpu.memref_slice %arg15[%dma_start3A_911, %dma_start3A_913, %dma_start3A_914] : memref<7x128x128xf32, #tpu.memory_space<vmem>> -> memref<1x128x128xf32, #tpu.memory_space<vmem>>
    %dma_start3A_916 = tpu.memref_squeeze %dma_start3A_915 : memref<1x128x128xf32, #tpu.memory_space<vmem>> -> memref<128x128xf32, #tpu.memory_space<vmem>>
    %dma_start3A_917 = arith.constant 0 : i32
    %dma_start3A_918 = tpu.memref_slice %arg14[%dma_start3A_910, %dma_start3A_917] : memref<4x128xi32, #tpu.memory_space<vmem>> -> memref<1x128xi32, #tpu.memory_space<vmem>>
    %dma_start3A_919 = tpu.memref_squeeze %dma_start3A_918 : memref<1x128xi32, #tpu.memory_space<vmem>> -> memref<128xi32, #tpu.memory_space<vmem>>
    %dma_start3A_920 = arith.constant 0 : i32
    %dma_start3A_921 = arith.constant 0 : i32
    %dma_start3A_922 = tpu.memref_slice %arg6[%dma_start3A_920, %dma_start3A_921] : memref<2000x128xf32, #tpu.memory_space<hbm>> -> memref<2000x128xf32, #tpu.memory_space<hbm>>
    %dma_start3A_923 = tpu.memref_slice %arg16[%dma_start3A_912] : memref<7x!tpu.dma_semaphore, #tpu.memory_space<semaphore_mem>> -> memref<1x!tpu.dma_semaphore, #tpu.memory_space<semaphore_mem>>
    %dma_start3A_924 = tpu.memref_squeeze %dma_start3A_923 : memref<1x!tpu.dma_semaphore, #tpu.memory_space<semaphore_mem>> -> memref<!tpu.dma_semaphore, #tpu.memory_space<semaphore_mem>>
    tpu.enqueue_indirect_dma source(%dma_start3A_922 : memref<2000x128xf32, #tpu.memory_space<hbm>>) target(%dma_start3A_916 : memref<128x128xf32, #tpu.memory_space<vmem>>) offsets(%dma_start3A_919 : memref<128xi32, #tpu.memory_space<vmem>>) semaphore(%dma_start3A_924 : memref<!tpu.dma_semaphore, #tpu.memory_space<semaphore_mem>>)
    %dma_start3A_925 = arith.constant 1 : i32
    %dma_start3A_926 = arith.constant 4 : i32
    %dma_start3A_927 = arith.constant 4 : i32
    %dma_start3A_928 = arith.constant 0 : i32
    %dma_start3A_929 = arith.constant 0 : i32
    %dma_start3A_930 = tpu.memref_slice %arg15[%dma_start3A_926, %dma_start3A_928, %dma_start3A_929] : memref<7x128x128xf32, #tpu.memory_space<vmem>> -> memref<1x128x128xf32, #tpu.memory_space<vmem>>
    %dma_start3A_931 = tpu.memref_squeeze %dma_start3A_930 : memref<1x128x128xf32, #tpu.memory_space<vmem>> -> memref<128x128xf32, #tpu.memory_space<vmem>>
    %dma_start3A_932 = arith.constant 0 : i32
    %dma_start3A_933 = tpu.memref_slice %arg10[%dma_start3A_925, %dma_start3A_932] : memref<4x128xi32, #tpu.memory_space<vmem>> -> memref<1x128xi32, #tpu.memory_space<vmem>>
    %dma_start3A_934 = tpu.memref_squeeze %dma_start3A_933 : memref<1x128xi32, #tpu.memory_space<vmem>> -> memref<128xi32, #tpu.memory_space<vmem>>
    %dma_start3A_935 = arith.constant 0 : i32
    %dma_start3A_936 = arith.constant 0 : i32
    %dma_start3A_937 = tpu.memref_slice %arg5[%dma_start3A_935, %dma_start3A_936] : memref<100000x128xf32, #tpu.memory_space<hbm>> -> memref<100000x128xf32, #tpu.memory_space<hbm>>
    %dma_start3A_938 = tpu.memref_slice %arg16[%dma_start3A_927] : memref<7x!tpu.dma_semaphore, #tpu.memory_space<semaphore_mem>> -> memref<1x!tpu.dma_semaphore, #tpu.memory_space<semaphore_mem>>
    %dma_start3A_939 = tpu.memref_squeeze %dma_start3A_938 : memref<1x!tpu.dma_semaphore, #tpu.memory_space<semaphore_mem>> -> memref<!tpu.dma_semaphore, #tpu.memory_space<semaphore_mem>>
    tpu.enqueue_indirect_dma source(%dma_start3A_937 : memref<100000x128xf32, #tpu.memory_space<hbm>>) target(%dma_start3A_931 : memref<128x128xf32, #tpu.memory_space<vmem>>) offsets(%dma_start3A_934 : memref<128xi32, #tpu.memory_space<vmem>>) semaphore(%dma_start3A_939 : memref<!tpu.dma_semaphore, #tpu.memory_space<semaphore_mem>>)
    %dma_start3A_940 = arith.constant 1 : i32
    %dma_start3A_941 = arith.constant 5 : i32
    %dma_start3A_942 = arith.constant 5 : i32
    %dma_start3A_943 = arith.constant 0 : i32
    %dma_start3A_944 = arith.constant 0 : i32
    %dma_start3A_945 = tpu.memref_slice %arg15[%dma_start3A_941, %dma_start3A_943, %dma_start3A_944] : memref<7x128x128xf32, #tpu.memory_space<vmem>> -> memref<1x128x128xf32, #tpu.memory_space<vmem>>
    %dma_start3A_946 = tpu.memref_squeeze %dma_start3A_945 : memref<1x128x128xf32, #tpu.memory_space<vmem>> -> memref<128x128xf32, #tpu.memory_space<vmem>>
    %dma_start3A_947 = arith.constant 0 : i32
    %dma_start3A_948 = tpu.memref_slice %arg11[%dma_start3A_940, %dma_start3A_947] : memref<4x128xi32, #tpu.memory_space<vmem>> -> memref<1x128xi32, #tpu.memory_space<vmem>>
    %dma_start3A_949 = tpu.memref_squeeze %dma_start3A_948 : memref<1x128xi32, #tpu.memory_space<vmem>> -> memref<128xi32, #tpu.memory_space<vmem>>
    %dma_start3A_950 = arith.constant 0 : i32
    %dma_start3A_951 = arith.constant 0 : i32
    %dma_start3A_952 = tpu.memref_slice %arg5[%dma_start3A_950, %dma_start3A_951] : memref<100000x128xf32, #tpu.memory_space<hbm>> -> memref<100000x128xf32, #tpu.memory_space<hbm>>
    %dma_start3A_953 = tpu.memref_slice %arg16[%dma_start3A_942] : memref<7x!tpu.dma_semaphore, #tpu.memory_space<semaphore_mem>> -> memref<1x!tpu.dma_semaphore, #tpu.memory_space<semaphore_mem>>
    %dma_start3A_954 = tpu.memref_squeeze %dma_start3A_953 : memref<1x!tpu.dma_semaphore, #tpu.memory_space<semaphore_mem>> -> memref<!tpu.dma_semaphore, #tpu.memory_space<semaphore_mem>>
    tpu.enqueue_indirect_dma source(%dma_start3A_952 : memref<100000x128xf32, #tpu.memory_space<hbm>>) target(%dma_start3A_946 : memref<128x128xf32, #tpu.memory_space<vmem>>) offsets(%dma_start3A_949 : memref<128xi32, #tpu.memory_space<vmem>>) semaphore(%dma_start3A_954 : memref<!tpu.dma_semaphore, #tpu.memory_space<semaphore_mem>>)
    %dma_start3A_955 = arith.constant 1 : i32
    %dma_start3A_956 = arith.constant 6 : i32
    %dma_start3A_957 = arith.constant 6 : i32
    %dma_start3A_958 = arith.constant 0 : i32
    %dma_start3A_959 = arith.constant 0 : i32
    %dma_start3A_960 = tpu.memref_slice %arg15[%dma_start3A_956, %dma_start3A_958, %dma_start3A_959] : memref<7x128x128xf32, #tpu.memory_space<vmem>> -> memref<1x128x128xf32, #tpu.memory_space<vmem>>
    %dma_start3A_961 = tpu.memref_squeeze %dma_start3A_960 : memref<1x128x128xf32, #tpu.memory_space<vmem>> -> memref<128x128xf32, #tpu.memory_space<vmem>>
    %dma_start3A_962 = arith.constant 0 : i32
    %dma_start3A_963 = tpu.memref_slice %arg13[%dma_start3A_955, %dma_start3A_962] : memref<4x128xi32, #tpu.memory_space<vmem>> -> memref<1x128xi32, #tpu.memory_space<vmem>>
    %dma_start3A_964 = tpu.memref_squeeze %dma_start3A_963 : memref<1x128xi32, #tpu.memory_space<vmem>> -> memref<128xi32, #tpu.memory_space<vmem>>
    %dma_start3A_965 = arith.constant 0 : i32
    %dma_start3A_966 = arith.constant 0 : i32
    %dma_start3A_967 = tpu.memref_slice %arg6[%dma_start3A_965, %dma_start3A_966] : memref<2000x128xf32, #tpu.memory_space<hbm>> -> memref<2000x128xf32, #tpu.memory_space<hbm>>
    %dma_start3A_968 = tpu.memref_slice %arg16[%dma_start3A_957] : memref<7x!tpu.dma_semaphore, #tpu.memory_space<semaphore_mem>> -> memref<1x!tpu.dma_semaphore, #tpu.memory_space<semaphore_mem>>
    %dma_start3A_969 = tpu.memref_squeeze %dma_start3A_968 : memref<1x!tpu.dma_semaphore, #tpu.memory_space<semaphore_mem>> -> memref<!tpu.dma_semaphore, #tpu.memory_space<semaphore_mem>>
    tpu.enqueue_indirect_dma source(%dma_start3A_967 : memref<2000x128xf32, #tpu.memory_space<hbm>>) target(%dma_start3A_961 : memref<128x128xf32, #tpu.memory_space<vmem>>) offsets(%dma_start3A_964 : memref<128xi32, #tpu.memory_space<vmem>>) semaphore(%dma_start3A_969 : memref<!tpu.dma_semaphore, #tpu.memory_space<semaphore_mem>>)
    %dma_wait3A_970 = arith.constant 0 : i32
    %dma_wait3A_971 = arith.constant 0 : i32
    %dma_wait3A_972 = arith.constant 0 : i32
    %dma_wait3A_973 = arith.constant 0 : i32
    %dma_wait3A_974 = arith.constant 0 : i32
    %dma_wait3A_975 = tpu.memref_slice %arg15[%dma_wait3A_971, %dma_wait3A_973, %dma_wait3A_974] : memref<7x128x128xf32, #tpu.memory_space<vmem>> -> memref<1x128x128xf32, #tpu.memory_space<vmem>>
    %dma_wait3A_976 = tpu.memref_squeeze %dma_wait3A_975 : memref<1x128x128xf32, #tpu.memory_space<vmem>> -> memref<128x128xf32, #tpu.memory_space<vmem>>
    %dma_wait3A_977 = arith.constant 0 : i32
    %dma_wait3A_978 = tpu.memref_slice %arg10[%dma_wait3A_970, %dma_wait3A_977] : memref<4x128xi32, #tpu.memory_space<vmem>> -> memref<1x128xi32, #tpu.memory_space<vmem>>
    %dma_wait3A_979 = tpu.memref_squeeze %dma_wait3A_978 : memref<1x128xi32, #tpu.memory_space<vmem>> -> memref<128xi32, #tpu.memory_space<vmem>>
    %dma_wait3A_980 = arith.constant 0 : i32
    %dma_wait3A_981 = arith.constant 0 : i32
    %dma_wait3A_982 = tpu.memref_slice %arg5[%dma_wait3A_980, %dma_wait3A_981] : memref<100000x128xf32, #tpu.memory_space<hbm>> -> memref<100000x128xf32, #tpu.memory_space<hbm>>
    %dma_wait3A_983 = tpu.memref_slice %arg16[%dma_wait3A_972] : memref<7x!tpu.dma_semaphore, #tpu.memory_space<semaphore_mem>> -> memref<1x!tpu.dma_semaphore, #tpu.memory_space<semaphore_mem>>
    %dma_wait3A_984 = tpu.memref_squeeze %dma_wait3A_983 : memref<1x!tpu.dma_semaphore, #tpu.memory_space<semaphore_mem>> -> memref<!tpu.dma_semaphore, #tpu.memory_space<semaphore_mem>>
    tpu.wait_indirect_dma semaphore(%dma_wait3A_984 : memref<!tpu.dma_semaphore, #tpu.memory_space<semaphore_mem>>) src(%dma_wait3A_982 : memref<100000x128xf32, #tpu.memory_space<hbm>>) dst(%dma_wait3A_976 : memref<128x128xf32, #tpu.memory_space<vmem>>)
    %dma_start3A_985 = arith.constant 0 : i32
    %dma_start3A_986 = arith.constant 0 : i32
    %dma_start3A_987 = arith.constant 0 : i32
    %dma_start3A_988 = arith.constant 0 : i32
    %dma_start3A_989 = tpu.memref_slice %arg15[%dma_start3A_985, %dma_start3A_987, %dma_start3A_988] : memref<7x128x128xf32, #tpu.memory_space<vmem>> -> memref<1x128x128xf32, #tpu.memory_space<vmem>>
    %dma_start3A_990 = tpu.memref_squeeze %dma_start3A_989 : memref<1x128x128xf32, #tpu.memory_space<vmem>> -> memref<128x128xf32, #tpu.memory_space<vmem>>
    %dma_start3A_991 = arith.constant 0 : i32
    %dma_start3A_992 = tpu.memref_slice %arg7[%add3A_24, %dma_start3A_991] : memref<16384x128xf32, #tpu.memory_space<hbm>> -> memref<128x128xf32, #tpu.memory_space<hbm>>
    %dma_start3A_993 = tpu.memref_slice %arg17[%dma_start3A_986] : memref<7x!tpu.dma_semaphore, #tpu.memory_space<semaphore_mem>> -> memref<1x!tpu.dma_semaphore, #tpu.memory_space<semaphore_mem>>
    %dma_start3A_994 = tpu.memref_squeeze %dma_start3A_993 : memref<1x!tpu.dma_semaphore, #tpu.memory_space<semaphore_mem>> -> memref<!tpu.dma_semaphore, #tpu.memory_space<semaphore_mem>>
    %dma_start3A_995 = arith.constant 0 : i32
    %dma_start3A_996 = tpu.memref_slice %arg7[%add3A_24, %dma_start3A_995] : memref<16384x128xf32, #tpu.memory_space<hbm>> -> memref<128x128xf32, #tpu.memory_space<hbm>>
    %dma_start3A_997 = arith.constant 0 : i32
    %dma_start3A_998 = arith.constant 0 : i32
    %dma_start3A_999 = tpu.memref_slice %arg15[%dma_start3A_985, %dma_start3A_997, %dma_start3A_998] : memref<7x128x128xf32, #tpu.memory_space<vmem>> -> memref<1x128x128xf32, #tpu.memory_space<vmem>>
    %dma_start3A_1000 = tpu.memref_squeeze %dma_start3A_999 : memref<1x128x128xf32, #tpu.memory_space<vmem>> -> memref<128x128xf32, #tpu.memory_space<vmem>>
    tpu.enqueue_dma source(%dma_start3A_1000 : memref<128x128xf32, #tpu.memory_space<vmem>>) target(%dma_start3A_996 : memref<128x128xf32, #tpu.memory_space<hbm>>) target_semaphore(%dma_start3A_994 : memref<!tpu.dma_semaphore, #tpu.memory_space<semaphore_mem>>)
    %dma_wait3A_1001 = arith.constant 0 : i32
    %dma_wait3A_1002 = arith.constant 0 : i32
    %dma_wait3A_1003 = arith.constant 0 : i32
    %dma_wait3A_1004 = arith.constant 0 : i32
    %dma_wait3A_1005 = tpu.memref_slice %arg15[%dma_wait3A_1001, %dma_wait3A_1003, %dma_wait3A_1004] : memref<7x128x128xf32, #tpu.memory_space<vmem>> -> memref<1x128x128xf32, #tpu.memory_space<vmem>>
    %dma_wait3A_1006 = tpu.memref_squeeze %dma_wait3A_1005 : memref<1x128x128xf32, #tpu.memory_space<vmem>> -> memref<128x128xf32, #tpu.memory_space<vmem>>
    %dma_wait3A_1007 = arith.constant 0 : i32
    %dma_wait3A_1008 = tpu.memref_slice %arg7[%add3A_24, %dma_wait3A_1007] : memref<16384x128xf32, #tpu.memory_space<hbm>> -> memref<128x128xf32, #tpu.memory_space<hbm>>
    %dma_wait3A_1009 = tpu.memref_slice %arg17[%dma_wait3A_1002] : memref<7x!tpu.dma_semaphore, #tpu.memory_space<semaphore_mem>> -> memref<1x!tpu.dma_semaphore, #tpu.memory_space<semaphore_mem>>
    %dma_wait3A_1010 = tpu.memref_squeeze %dma_wait3A_1009 : memref<1x!tpu.dma_semaphore, #tpu.memory_space<semaphore_mem>> -> memref<!tpu.dma_semaphore, #tpu.memory_space<semaphore_mem>>
    %dma_wait3A_1011 = arith.constant 0 : i32
    %dma_wait3A_1012 = tpu.memref_slice %arg7[%add3A_24, %dma_wait3A_1011] : memref<16384x128xf32, #tpu.memory_space<hbm>> -> memref<128x128xf32, #tpu.memory_space<hbm>>
    %dma_wait3A_1013 = arith.constant 0 : i32
    %dma_wait3A_1014 = arith.constant 0 : i32
    %dma_wait3A_1015 = tpu.memref_slice %arg15[%dma_wait3A_1001, %dma_wait3A_1013, %dma_wait3A_1014] : memref<7x128x128xf32, #tpu.memory_space<vmem>> -> memref<1x128x128xf32, #tpu.memory_space<vmem>>
    %dma_wait3A_1016 = tpu.memref_squeeze %dma_wait3A_1015 : memref<1x128x128xf32, #tpu.memory_space<vmem>> -> memref<128x128xf32, #tpu.memory_space<vmem>>
    tpu.wait_dma2 semaphore(%dma_wait3A_1010 : memref<!tpu.dma_semaphore, #tpu.memory_space<semaphore_mem>>) src(%dma_wait3A_1016 : memref<128x128xf32, #tpu.memory_space<vmem>>) dst(%dma_wait3A_1012 : memref<128x128xf32, #tpu.memory_space<hbm>>)
    %dma_start3A_1017 = arith.constant 1 : i32
    %dma_start3A_1018 = arith.constant 0 : i32
    %dma_start3A_1019 = arith.constant 0 : i32
    %dma_start3A_1020 = arith.constant 0 : i32
    %dma_start3A_1021 = arith.constant 0 : i32
    %dma_start3A_1022 = tpu.memref_slice %arg15[%dma_start3A_1018, %dma_start3A_1020, %dma_start3A_1021] : memref<7x128x128xf32, #tpu.memory_space<vmem>> -> memref<1x128x128xf32, #tpu.memory_space<vmem>>
    %dma_start3A_1023 = tpu.memref_squeeze %dma_start3A_1022 : memref<1x128x128xf32, #tpu.memory_space<vmem>> -> memref<128x128xf32, #tpu.memory_space<vmem>>
    %dma_start3A_1024 = arith.constant 0 : i32
    %dma_start3A_1025 = tpu.memref_slice %arg14[%dma_start3A_1017, %dma_start3A_1024] : memref<4x128xi32, #tpu.memory_space<vmem>> -> memref<1x128xi32, #tpu.memory_space<vmem>>
    %dma_start3A_1026 = tpu.memref_squeeze %dma_start3A_1025 : memref<1x128xi32, #tpu.memory_space<vmem>> -> memref<128xi32, #tpu.memory_space<vmem>>
    %dma_start3A_1027 = arith.constant 0 : i32
    %dma_start3A_1028 = arith.constant 0 : i32
    %dma_start3A_1029 = tpu.memref_slice %arg6[%dma_start3A_1027, %dma_start3A_1028] : memref<2000x128xf32, #tpu.memory_space<hbm>> -> memref<2000x128xf32, #tpu.memory_space<hbm>>
    %dma_start3A_1030 = tpu.memref_slice %arg16[%dma_start3A_1019] : memref<7x!tpu.dma_semaphore, #tpu.memory_space<semaphore_mem>> -> memref<1x!tpu.dma_semaphore, #tpu.memory_space<semaphore_mem>>
    %dma_start3A_1031 = tpu.memref_squeeze %dma_start3A_1030 : memref<1x!tpu.dma_semaphore, #tpu.memory_space<semaphore_mem>> -> memref<!tpu.dma_semaphore, #tpu.memory_space<semaphore_mem>>
    tpu.enqueue_indirect_dma source(%dma_start3A_1029 : memref<2000x128xf32, #tpu.memory_space<hbm>>) target(%dma_start3A_1023 : memref<128x128xf32, #tpu.memory_space<vmem>>) offsets(%dma_start3A_1026 : memref<128xi32, #tpu.memory_space<vmem>>) semaphore(%dma_start3A_1031 : memref<!tpu.dma_semaphore, #tpu.memory_space<semaphore_mem>>)
    %dma_wait3A_1032 = arith.constant 0 : i32
    %dma_wait3A_1033 = arith.constant 1 : i32
    %dma_wait3A_1034 = arith.constant 1 : i32
    %dma_wait3A_1035 = arith.constant 0 : i32
    %dma_wait3A_1036 = arith.constant 0 : i32
    %dma_wait3A_1037 = tpu.memref_slice %arg15[%dma_wait3A_1033, %dma_wait3A_1035, %dma_wait3A_1036] : memref<7x128x128xf32, #tpu.memory_space<vmem>> -> memref<1x128x128xf32, #tpu.memory_space<vmem>>
    %dma_wait3A_1038 = tpu.memref_squeeze %dma_wait3A_1037 : memref<1x128x128xf32, #tpu.memory_space<vmem>> -> memref<128x128xf32, #tpu.memory_space<vmem>>
    %dma_wait3A_1039 = arith.constant 0 : i32
    %dma_wait3A_1040 = tpu.memref_slice %arg11[%dma_wait3A_1032, %dma_wait3A_1039] : memref<4x128xi32, #tpu.memory_space<vmem>> -> memref<1x128xi32, #tpu.memory_space<vmem>>
    %dma_wait3A_1041 = tpu.memref_squeeze %dma_wait3A_1040 : memref<1x128xi32, #tpu.memory_space<vmem>> -> memref<128xi32, #tpu.memory_space<vmem>>
    %dma_wait3A_1042 = arith.constant 0 : i32
    %dma_wait3A_1043 = arith.constant 0 : i32
    %dma_wait3A_1044 = tpu.memref_slice %arg5[%dma_wait3A_1042, %dma_wait3A_1043] : memref<100000x128xf32, #tpu.memory_space<hbm>> -> memref<100000x128xf32, #tpu.memory_space<hbm>>
    %dma_wait3A_1045 = tpu.memref_slice %arg16[%dma_wait3A_1034] : memref<7x!tpu.dma_semaphore, #tpu.memory_space<semaphore_mem>> -> memref<1x!tpu.dma_semaphore, #tpu.memory_space<semaphore_mem>>
    %dma_wait3A_1046 = tpu.memref_squeeze %dma_wait3A_1045 : memref<1x!tpu.dma_semaphore, #tpu.memory_space<semaphore_mem>> -> memref<!tpu.dma_semaphore, #tpu.memory_space<semaphore_mem>>
    tpu.wait_indirect_dma semaphore(%dma_wait3A_1046 : memref<!tpu.dma_semaphore, #tpu.memory_space<semaphore_mem>>) src(%dma_wait3A_1044 : memref<100000x128xf32, #tpu.memory_space<hbm>>) dst(%dma_wait3A_1038 : memref<128x128xf32, #tpu.memory_space<vmem>>)
    %dma_start3A_1047 = arith.constant 1 : i32
    %dma_start3A_1048 = arith.constant 1 : i32
    %dma_start3A_1049 = arith.constant 0 : i32
    %dma_start3A_1050 = arith.constant 0 : i32
    %dma_start3A_1051 = tpu.memref_slice %arg15[%dma_start3A_1047, %dma_start3A_1049, %dma_start3A_1050] : memref<7x128x128xf32, #tpu.memory_space<vmem>> -> memref<1x128x128xf32, #tpu.memory_space<vmem>>
    %dma_start3A_1052 = tpu.memref_squeeze %dma_start3A_1051 : memref<1x128x128xf32, #tpu.memory_space<vmem>> -> memref<128x128xf32, #tpu.memory_space<vmem>>
    %dma_start3A_1053 = arith.constant 0 : i32
    %dma_start3A_1054 = tpu.memref_slice %arg8[%add3A_24, %dma_start3A_1053] : memref<16384x128xf32, #tpu.memory_space<hbm>> -> memref<128x128xf32, #tpu.memory_space<hbm>>
    %dma_start3A_1055 = tpu.memref_slice %arg17[%dma_start3A_1048] : memref<7x!tpu.dma_semaphore, #tpu.memory_space<semaphore_mem>> -> memref<1x!tpu.dma_semaphore, #tpu.memory_space<semaphore_mem>>
    %dma_start3A_1056 = tpu.memref_squeeze %dma_start3A_1055 : memref<1x!tpu.dma_semaphore, #tpu.memory_space<semaphore_mem>> -> memref<!tpu.dma_semaphore, #tpu.memory_space<semaphore_mem>>
    %dma_start3A_1057 = arith.constant 0 : i32
    %dma_start3A_1058 = tpu.memref_slice %arg8[%add3A_24, %dma_start3A_1057] : memref<16384x128xf32, #tpu.memory_space<hbm>> -> memref<128x128xf32, #tpu.memory_space<hbm>>
    %dma_start3A_1059 = arith.constant 0 : i32
    %dma_start3A_1060 = arith.constant 0 : i32
    %dma_start3A_1061 = tpu.memref_slice %arg15[%dma_start3A_1047, %dma_start3A_1059, %dma_start3A_1060] : memref<7x128x128xf32, #tpu.memory_space<vmem>> -> memref<1x128x128xf32, #tpu.memory_space<vmem>>
    %dma_start3A_1062 = tpu.memref_squeeze %dma_start3A_1061 : memref<1x128x128xf32, #tpu.memory_space<vmem>> -> memref<128x128xf32, #tpu.memory_space<vmem>>
    tpu.enqueue_dma source(%dma_start3A_1062 : memref<128x128xf32, #tpu.memory_space<vmem>>) target(%dma_start3A_1058 : memref<128x128xf32, #tpu.memory_space<hbm>>) target_semaphore(%dma_start3A_1056 : memref<!tpu.dma_semaphore, #tpu.memory_space<semaphore_mem>>)
    %dma_wait3A_1063 = arith.constant 1 : i32
    %dma_wait3A_1064 = arith.constant 1 : i32
    %dma_wait3A_1065 = arith.constant 0 : i32
    %dma_wait3A_1066 = arith.constant 0 : i32
    %dma_wait3A_1067 = tpu.memref_slice %arg15[%dma_wait3A_1063, %dma_wait3A_1065, %dma_wait3A_1066] : memref<7x128x128xf32, #tpu.memory_space<vmem>> -> memref<1x128x128xf32, #tpu.memory_space<vmem>>
    %dma_wait3A_1068 = tpu.memref_squeeze %dma_wait3A_1067 : memref<1x128x128xf32, #tpu.memory_space<vmem>> -> memref<128x128xf32, #tpu.memory_space<vmem>>
    %dma_wait3A_1069 = arith.constant 0 : i32
    %dma_wait3A_1070 = tpu.memref_slice %arg8[%add3A_24, %dma_wait3A_1069] : memref<16384x128xf32, #tpu.memory_space<hbm>> -> memref<128x128xf32, #tpu.memory_space<hbm>>
    %dma_wait3A_1071 = tpu.memref_slice %arg17[%dma_wait3A_1064] : memref<7x!tpu.dma_semaphore, #tpu.memory_space<semaphore_mem>> -> memref<1x!tpu.dma_semaphore, #tpu.memory_space<semaphore_mem>>
    %dma_wait3A_1072 = tpu.memref_squeeze %dma_wait3A_1071 : memref<1x!tpu.dma_semaphore, #tpu.memory_space<semaphore_mem>> -> memref<!tpu.dma_semaphore, #tpu.memory_space<semaphore_mem>>
    %dma_wait3A_1073 = arith.constant 0 : i32
    %dma_wait3A_1074 = tpu.memref_slice %arg8[%add3A_24, %dma_wait3A_1073] : memref<16384x128xf32, #tpu.memory_space<hbm>> -> memref<128x128xf32, #tpu.memory_space<hbm>>
    %dma_wait3A_1075 = arith.constant 0 : i32
    %dma_wait3A_1076 = arith.constant 0 : i32
    %dma_wait3A_1077 = tpu.memref_slice %arg15[%dma_wait3A_1063, %dma_wait3A_1075, %dma_wait3A_1076] : memref<7x128x128xf32, #tpu.memory_space<vmem>> -> memref<1x128x128xf32, #tpu.memory_space<vmem>>
    %dma_wait3A_1078 = tpu.memref_squeeze %dma_wait3A_1077 : memref<1x128x128xf32, #tpu.memory_space<vmem>> -> memref<128x128xf32, #tpu.memory_space<vmem>>
    tpu.wait_dma2 semaphore(%dma_wait3A_1072 : memref<!tpu.dma_semaphore, #tpu.memory_space<semaphore_mem>>) src(%dma_wait3A_1078 : memref<128x128xf32, #tpu.memory_space<vmem>>) dst(%dma_wait3A_1074 : memref<128x128xf32, #tpu.memory_space<hbm>>)
    %dma_start3A_1079 = arith.constant 2 : i32
    %dma_start3A_1080 = arith.constant 1 : i32
    %dma_start3A_1081 = arith.constant 1 : i32
    %dma_start3A_1082 = arith.constant 0 : i32
    %dma_start3A_1083 = arith.constant 0 : i32
    %dma_start3A_1084 = tpu.memref_slice %arg15[%dma_start3A_1080, %dma_start3A_1082, %dma_start3A_1083] : memref<7x128x128xf32, #tpu.memory_space<vmem>> -> memref<1x128x128xf32, #tpu.memory_space<vmem>>
    %dma_start3A_1085 = tpu.memref_squeeze %dma_start3A_1084 : memref<1x128x128xf32, #tpu.memory_space<vmem>> -> memref<128x128xf32, #tpu.memory_space<vmem>>
    %dma_start3A_1086 = arith.constant 0 : i32
    %dma_start3A_1087 = tpu.memref_slice %arg10[%dma_start3A_1079, %dma_start3A_1086] : memref<4x128xi32, #tpu.memory_space<vmem>> -> memref<1x128xi32, #tpu.memory_space<vmem>>
    %dma_start3A_1088 = tpu.memref_squeeze %dma_start3A_1087 : memref<1x128xi32, #tpu.memory_space<vmem>> -> memref<128xi32, #tpu.memory_space<vmem>>
    %dma_start3A_1089 = arith.constant 0 : i32
    %dma_start3A_1090 = arith.constant 0 : i32
    %dma_start3A_1091 = tpu.memref_slice %arg5[%dma_start3A_1089, %dma_start3A_1090] : memref<100000x128xf32, #tpu.memory_space<hbm>> -> memref<100000x128xf32, #tpu.memory_space<hbm>>
    %dma_start3A_1092 = tpu.memref_slice %arg16[%dma_start3A_1081] : memref<7x!tpu.dma_semaphore, #tpu.memory_space<semaphore_mem>> -> memref<1x!tpu.dma_semaphore, #tpu.memory_space<semaphore_mem>>
    %dma_start3A_1093 = tpu.memref_squeeze %dma_start3A_1092 : memref<1x!tpu.dma_semaphore, #tpu.memory_space<semaphore_mem>> -> memref<!tpu.dma_semaphore, #tpu.memory_space<semaphore_mem>>
    tpu.enqueue_indirect_dma source(%dma_start3A_1091 : memref<100000x128xf32, #tpu.memory_space<hbm>>) target(%dma_start3A_1085 : memref<128x128xf32, #tpu.memory_space<vmem>>) offsets(%dma_start3A_1088 : memref<128xi32, #tpu.memory_space<vmem>>) semaphore(%dma_start3A_1093 : memref<!tpu.dma_semaphore, #tpu.memory_space<semaphore_mem>>)
    %dma_wait3A_1094 = arith.constant 0 : i32
    %dma_wait3A_1095 = arith.constant 2 : i32
    %dma_wait3A_1096 = arith.constant 2 : i32
    %dma_wait3A_1097 = arith.constant 0 : i32
    %dma_wait3A_1098 = arith.constant 0 : i32
    %dma_wait3A_1099 = tpu.memref_slice %arg15[%dma_wait3A_1095, %dma_wait3A_1097, %dma_wait3A_1098] : memref<7x128x128xf32, #tpu.memory_space<vmem>> -> memref<1x128x128xf32, #tpu.memory_space<vmem>>
    %dma_wait3A_1100 = tpu.memref_squeeze %dma_wait3A_1099 : memref<1x128x128xf32, #tpu.memory_space<vmem>> -> memref<128x128xf32, #tpu.memory_space<vmem>>
    %dma_wait3A_1101 = arith.constant 0 : i32
    %dma_wait3A_1102 = tpu.memref_slice %arg13[%dma_wait3A_1094, %dma_wait3A_1101] : memref<4x128xi32, #tpu.memory_space<vmem>> -> memref<1x128xi32, #tpu.memory_space<vmem>>
    %dma_wait3A_1103 = tpu.memref_squeeze %dma_wait3A_1102 : memref<1x128xi32, #tpu.memory_space<vmem>> -> memref<128xi32, #tpu.memory_space<vmem>>
    %dma_wait3A_1104 = arith.constant 0 : i32
    %dma_wait3A_1105 = arith.constant 0 : i32
    %dma_wait3A_1106 = tpu.memref_slice %arg6[%dma_wait3A_1104, %dma_wait3A_1105] : memref<2000x128xf32, #tpu.memory_space<hbm>> -> memref<2000x128xf32, #tpu.memory_space<hbm>>
    %dma_wait3A_1107 = tpu.memref_slice %arg16[%dma_wait3A_1096] : memref<7x!tpu.dma_semaphore, #tpu.memory_space<semaphore_mem>> -> memref<1x!tpu.dma_semaphore, #tpu.memory_space<semaphore_mem>>
    %dma_wait3A_1108 = tpu.memref_squeeze %dma_wait3A_1107 : memref<1x!tpu.dma_semaphore, #tpu.memory_space<semaphore_mem>> -> memref<!tpu.dma_semaphore, #tpu.memory_space<semaphore_mem>>
    tpu.wait_indirect_dma semaphore(%dma_wait3A_1108 : memref<!tpu.dma_semaphore, #tpu.memory_space<semaphore_mem>>) src(%dma_wait3A_1106 : memref<2000x128xf32, #tpu.memory_space<hbm>>) dst(%dma_wait3A_1100 : memref<128x128xf32, #tpu.memory_space<vmem>>)
    %dma_start3A_1109 = arith.constant 2 : i32
    %dma_start3A_1110 = arith.constant 2 : i32
    %dma_start3A_1111 = arith.constant 0 : i32
    %dma_start3A_1112 = arith.constant 0 : i32
    %dma_start3A_1113 = tpu.memref_slice %arg15[%dma_start3A_1109, %dma_start3A_1111, %dma_start3A_1112] : memref<7x128x128xf32, #tpu.memory_space<vmem>> -> memref<1x128x128xf32, #tpu.memory_space<vmem>>
    %dma_start3A_1114 = tpu.memref_squeeze %dma_start3A_1113 : memref<1x128x128xf32, #tpu.memory_space<vmem>> -> memref<128x128xf32, #tpu.memory_space<vmem>>
    %dma_start3A_1115 = arith.constant 0 : i32
    %dma_start3A_1116 = tpu.memref_slice %arg9[%add3A_24, %dma_start3A_1115] : memref<16384x256xf32, #tpu.memory_space<hbm>> -> memref<128x128xf32, #tpu.memory_space<hbm>>
    %dma_start3A_1117 = tpu.memref_slice %arg17[%dma_start3A_1110] : memref<7x!tpu.dma_semaphore, #tpu.memory_space<semaphore_mem>> -> memref<1x!tpu.dma_semaphore, #tpu.memory_space<semaphore_mem>>
    %dma_start3A_1118 = tpu.memref_squeeze %dma_start3A_1117 : memref<1x!tpu.dma_semaphore, #tpu.memory_space<semaphore_mem>> -> memref<!tpu.dma_semaphore, #tpu.memory_space<semaphore_mem>>
    %dma_start3A_1119 = arith.constant 0 : i32
    %dma_start3A_1120 = tpu.memref_slice %arg9[%add3A_24, %dma_start3A_1119] : memref<16384x256xf32, #tpu.memory_space<hbm>> -> memref<128x128xf32, #tpu.memory_space<hbm>>
    %dma_start3A_1121 = arith.constant 0 : i32
    %dma_start3A_1122 = arith.constant 0 : i32
    %dma_start3A_1123 = tpu.memref_slice %arg15[%dma_start3A_1109, %dma_start3A_1121, %dma_start3A_1122] : memref<7x128x128xf32, #tpu.memory_space<vmem>> -> memref<1x128x128xf32, #tpu.memory_space<vmem>>
    %dma_start3A_1124 = tpu.memref_squeeze %dma_start3A_1123 : memref<1x128x128xf32, #tpu.memory_space<vmem>> -> memref<128x128xf32, #tpu.memory_space<vmem>>
    tpu.enqueue_dma source(%dma_start3A_1124 : memref<128x128xf32, #tpu.memory_space<vmem>>) target(%dma_start3A_1120 : memref<128x128xf32, #tpu.memory_space<hbm>>) target_semaphore(%dma_start3A_1118 : memref<!tpu.dma_semaphore, #tpu.memory_space<semaphore_mem>>)
    %dma_wait3A_1125 = arith.constant 2 : i32
    %dma_wait3A_1126 = arith.constant 2 : i32
    %dma_wait3A_1127 = arith.constant 0 : i32
    %dma_wait3A_1128 = arith.constant 0 : i32
    %dma_wait3A_1129 = tpu.memref_slice %arg15[%dma_wait3A_1125, %dma_wait3A_1127, %dma_wait3A_1128] : memref<7x128x128xf32, #tpu.memory_space<vmem>> -> memref<1x128x128xf32, #tpu.memory_space<vmem>>
    %dma_wait3A_1130 = tpu.memref_squeeze %dma_wait3A_1129 : memref<1x128x128xf32, #tpu.memory_space<vmem>> -> memref<128x128xf32, #tpu.memory_space<vmem>>
    %dma_wait3A_1131 = arith.constant 0 : i32
    %dma_wait3A_1132 = tpu.memref_slice %arg9[%add3A_24, %dma_wait3A_1131] : memref<16384x256xf32, #tpu.memory_space<hbm>> -> memref<128x128xf32, #tpu.memory_space<hbm>>
    %dma_wait3A_1133 = tpu.memref_slice %arg17[%dma_wait3A_1126] : memref<7x!tpu.dma_semaphore, #tpu.memory_space<semaphore_mem>> -> memref<1x!tpu.dma_semaphore, #tpu.memory_space<semaphore_mem>>
    %dma_wait3A_1134 = tpu.memref_squeeze %dma_wait3A_1133 : memref<1x!tpu.dma_semaphore, #tpu.memory_space<semaphore_mem>> -> memref<!tpu.dma_semaphore, #tpu.memory_space<semaphore_mem>>
    %dma_wait3A_1135 = arith.constant 0 : i32
    %dma_wait3A_1136 = tpu.memref_slice %arg9[%add3A_24, %dma_wait3A_1135] : memref<16384x256xf32, #tpu.memory_space<hbm>> -> memref<128x128xf32, #tpu.memory_space<hbm>>
    %dma_wait3A_1137 = arith.constant 0 : i32
    %dma_wait3A_1138 = arith.constant 0 : i32
    %dma_wait3A_1139 = tpu.memref_slice %arg15[%dma_wait3A_1125, %dma_wait3A_1137, %dma_wait3A_1138] : memref<7x128x128xf32, #tpu.memory_space<vmem>> -> memref<1x128x128xf32, #tpu.memory_space<vmem>>
    %dma_wait3A_1140 = tpu.memref_squeeze %dma_wait3A_1139 : memref<1x128x128xf32, #tpu.memory_space<vmem>> -> memref<128x128xf32, #tpu.memory_space<vmem>>
    tpu.wait_dma2 semaphore(%dma_wait3A_1134 : memref<!tpu.dma_semaphore, #tpu.memory_space<semaphore_mem>>) src(%dma_wait3A_1140 : memref<128x128xf32, #tpu.memory_space<vmem>>) dst(%dma_wait3A_1136 : memref<128x128xf32, #tpu.memory_space<hbm>>)
    %dma_start3A_1141 = arith.constant 2 : i32
    %dma_start3A_1142 = arith.constant 2 : i32
    %dma_start3A_1143 = arith.constant 2 : i32
    %dma_start3A_1144 = arith.constant 0 : i32
    %dma_start3A_1145 = arith.constant 0 : i32
    %dma_start3A_1146 = tpu.memref_slice %arg15[%dma_start3A_1142, %dma_start3A_1144, %dma_start3A_1145] : memref<7x128x128xf32, #tpu.memory_space<vmem>> -> memref<1x128x128xf32, #tpu.memory_space<vmem>>
    %dma_start3A_1147 = tpu.memref_squeeze %dma_start3A_1146 : memref<1x128x128xf32, #tpu.memory_space<vmem>> -> memref<128x128xf32, #tpu.memory_space<vmem>>
    %dma_start3A_1148 = arith.constant 0 : i32
    %dma_start3A_1149 = tpu.memref_slice %arg11[%dma_start3A_1141, %dma_start3A_1148] : memref<4x128xi32, #tpu.memory_space<vmem>> -> memref<1x128xi32, #tpu.memory_space<vmem>>
    %dma_start3A_1150 = tpu.memref_squeeze %dma_start3A_1149 : memref<1x128xi32, #tpu.memory_space<vmem>> -> memref<128xi32, #tpu.memory_space<vmem>>
    %dma_start3A_1151 = arith.constant 0 : i32
    %dma_start3A_1152 = arith.constant 0 : i32
    %dma_start3A_1153 = tpu.memref_slice %arg5[%dma_start3A_1151, %dma_start3A_1152] : memref<100000x128xf32, #tpu.memory_space<hbm>> -> memref<100000x128xf32, #tpu.memory_space<hbm>>
    %dma_start3A_1154 = tpu.memref_slice %arg16[%dma_start3A_1143] : memref<7x!tpu.dma_semaphore, #tpu.memory_space<semaphore_mem>> -> memref<1x!tpu.dma_semaphore, #tpu.memory_space<semaphore_mem>>
    %dma_start3A_1155 = tpu.memref_squeeze %dma_start3A_1154 : memref<1x!tpu.dma_semaphore, #tpu.memory_space<semaphore_mem>> -> memref<!tpu.dma_semaphore, #tpu.memory_space<semaphore_mem>>
    tpu.enqueue_indirect_dma source(%dma_start3A_1153 : memref<100000x128xf32, #tpu.memory_space<hbm>>) target(%dma_start3A_1147 : memref<128x128xf32, #tpu.memory_space<vmem>>) offsets(%dma_start3A_1150 : memref<128xi32, #tpu.memory_space<vmem>>) semaphore(%dma_start3A_1155 : memref<!tpu.dma_semaphore, #tpu.memory_space<semaphore_mem>>)
    %dma_wait3A_1156 = arith.constant 0 : i32
    %dma_wait3A_1157 = arith.constant 3 : i32
    %dma_wait3A_1158 = arith.constant 3 : i32
    %dma_wait3A_1159 = arith.constant 0 : i32
    %dma_wait3A_1160 = arith.constant 0 : i32
    %dma_wait3A_1161 = tpu.memref_slice %arg15[%dma_wait3A_1157, %dma_wait3A_1159, %dma_wait3A_1160] : memref<7x128x128xf32, #tpu.memory_space<vmem>> -> memref<1x128x128xf32, #tpu.memory_space<vmem>>
    %dma_wait3A_1162 = tpu.memref_squeeze %dma_wait3A_1161 : memref<1x128x128xf32, #tpu.memory_space<vmem>> -> memref<128x128xf32, #tpu.memory_space<vmem>>
    %dma_wait3A_1163 = arith.constant 0 : i32
    %dma_wait3A_1164 = tpu.memref_slice %arg14[%dma_wait3A_1156, %dma_wait3A_1163] : memref<4x128xi32, #tpu.memory_space<vmem>> -> memref<1x128xi32, #tpu.memory_space<vmem>>
    %dma_wait3A_1165 = tpu.memref_squeeze %dma_wait3A_1164 : memref<1x128xi32, #tpu.memory_space<vmem>> -> memref<128xi32, #tpu.memory_space<vmem>>
    %dma_wait3A_1166 = arith.constant 0 : i32
    %dma_wait3A_1167 = arith.constant 0 : i32
    %dma_wait3A_1168 = tpu.memref_slice %arg6[%dma_wait3A_1166, %dma_wait3A_1167] : memref<2000x128xf32, #tpu.memory_space<hbm>> -> memref<2000x128xf32, #tpu.memory_space<hbm>>
    %dma_wait3A_1169 = tpu.memref_slice %arg16[%dma_wait3A_1158] : memref<7x!tpu.dma_semaphore, #tpu.memory_space<semaphore_mem>> -> memref<1x!tpu.dma_semaphore, #tpu.memory_space<semaphore_mem>>
    %dma_wait3A_1170 = tpu.memref_squeeze %dma_wait3A_1169 : memref<1x!tpu.dma_semaphore, #tpu.memory_space<semaphore_mem>> -> memref<!tpu.dma_semaphore, #tpu.memory_space<semaphore_mem>>
    tpu.wait_indirect_dma semaphore(%dma_wait3A_1170 : memref<!tpu.dma_semaphore, #tpu.memory_space<semaphore_mem>>) src(%dma_wait3A_1168 : memref<2000x128xf32, #tpu.memory_space<hbm>>) dst(%dma_wait3A_1162 : memref<128x128xf32, #tpu.memory_space<vmem>>)
    %dma_start3A_1171 = arith.constant 3 : i32
    %dma_start3A_1172 = arith.constant 3 : i32
    %dma_start3A_1173 = arith.constant 0 : i32
    %dma_start3A_1174 = arith.constant 0 : i32
    %dma_start3A_1175 = tpu.memref_slice %arg15[%dma_start3A_1171, %dma_start3A_1173, %dma_start3A_1174] : memref<7x128x128xf32, #tpu.memory_space<vmem>> -> memref<1x128x128xf32, #tpu.memory_space<vmem>>
    %dma_start3A_1176 = tpu.memref_squeeze %dma_start3A_1175 : memref<1x128x128xf32, #tpu.memory_space<vmem>> -> memref<128x128xf32, #tpu.memory_space<vmem>>
    %dma_start3A_1177 = arith.constant 128 : i32
    %dma_start3A_1178 = tpu.memref_slice %arg9[%add3A_24, %dma_start3A_1177] : memref<16384x256xf32, #tpu.memory_space<hbm>> -> memref<128x128xf32, #tpu.memory_space<hbm>>
    %dma_start3A_1179 = tpu.memref_slice %arg17[%dma_start3A_1172] : memref<7x!tpu.dma_semaphore, #tpu.memory_space<semaphore_mem>> -> memref<1x!tpu.dma_semaphore, #tpu.memory_space<semaphore_mem>>
    %dma_start3A_1180 = tpu.memref_squeeze %dma_start3A_1179 : memref<1x!tpu.dma_semaphore, #tpu.memory_space<semaphore_mem>> -> memref<!tpu.dma_semaphore, #tpu.memory_space<semaphore_mem>>
    %dma_start3A_1181 = arith.constant 128 : i32
    %dma_start3A_1182 = tpu.memref_slice %arg9[%add3A_24, %dma_start3A_1181] : memref<16384x256xf32, #tpu.memory_space<hbm>> -> memref<128x128xf32, #tpu.memory_space<hbm>>
    %dma_start3A_1183 = arith.constant 0 : i32
    %dma_start3A_1184 = arith.constant 0 : i32
    %dma_start3A_1185 = tpu.memref_slice %arg15[%dma_start3A_1171, %dma_start3A_1183, %dma_start3A_1184] : memref<7x128x128xf32, #tpu.memory_space<vmem>> -> memref<1x128x128xf32, #tpu.memory_space<vmem>>
    %dma_start3A_1186 = tpu.memref_squeeze %dma_start3A_1185 : memref<1x128x128xf32, #tpu.memory_space<vmem>> -> memref<128x128xf32, #tpu.memory_space<vmem>>
    tpu.enqueue_dma source(%dma_start3A_1186 : memref<128x128xf32, #tpu.memory_space<vmem>>) target(%dma_start3A_1182 : memref<128x128xf32, #tpu.memory_space<hbm>>) target_semaphore(%dma_start3A_1180 : memref<!tpu.dma_semaphore, #tpu.memory_space<semaphore_mem>>)
    %dma_wait3A_1187 = arith.constant 3 : i32
    %dma_wait3A_1188 = arith.constant 3 : i32
    %dma_wait3A_1189 = arith.constant 0 : i32
    %dma_wait3A_1190 = arith.constant 0 : i32
    %dma_wait3A_1191 = tpu.memref_slice %arg15[%dma_wait3A_1187, %dma_wait3A_1189, %dma_wait3A_1190] : memref<7x128x128xf32, #tpu.memory_space<vmem>> -> memref<1x128x128xf32, #tpu.memory_space<vmem>>
    %dma_wait3A_1192 = tpu.memref_squeeze %dma_wait3A_1191 : memref<1x128x128xf32, #tpu.memory_space<vmem>> -> memref<128x128xf32, #tpu.memory_space<vmem>>
    %dma_wait3A_1193 = arith.constant 128 : i32
    %dma_wait3A_1194 = tpu.memref_slice %arg9[%add3A_24, %dma_wait3A_1193] : memref<16384x256xf32, #tpu.memory_space<hbm>> -> memref<128x128xf32, #tpu.memory_space<hbm>>
    %dma_wait3A_1195 = tpu.memref_slice %arg17[%dma_wait3A_1188] : memref<7x!tpu.dma_semaphore, #tpu.memory_space<semaphore_mem>> -> memref<1x!tpu.dma_semaphore, #tpu.memory_space<semaphore_mem>>
    %dma_wait3A_1196 = tpu.memref_squeeze %dma_wait3A_1195 : memref<1x!tpu.dma_semaphore, #tpu.memory_space<semaphore_mem>> -> memref<!tpu.dma_semaphore, #tpu.memory_space<semaphore_mem>>
    %dma_wait3A_1197 = arith.constant 128 : i32
    %dma_wait3A_1198 = tpu.memref_slice %arg9[%add3A_24, %dma_wait3A_1197] : memref<16384x256xf32, #tpu.memory_space<hbm>> -> memref<128x128xf32, #tpu.memory_space<hbm>>
    %dma_wait3A_1199 = arith.constant 0 : i32
    %dma_wait3A_1200 = arith.constant 0 : i32
    %dma_wait3A_1201 = tpu.memref_slice %arg15[%dma_wait3A_1187, %dma_wait3A_1199, %dma_wait3A_1200] : memref<7x128x128xf32, #tpu.memory_space<vmem>> -> memref<1x128x128xf32, #tpu.memory_space<vmem>>
    %dma_wait3A_1202 = tpu.memref_squeeze %dma_wait3A_1201 : memref<1x128x128xf32, #tpu.memory_space<vmem>> -> memref<128x128xf32, #tpu.memory_space<vmem>>
    tpu.wait_dma2 semaphore(%dma_wait3A_1196 : memref<!tpu.dma_semaphore, #tpu.memory_space<semaphore_mem>>) src(%dma_wait3A_1202 : memref<128x128xf32, #tpu.memory_space<vmem>>) dst(%dma_wait3A_1198 : memref<128x128xf32, #tpu.memory_space<hbm>>)
    %dma_start3A_1203 = arith.constant 2 : i32
    %dma_start3A_1204 = arith.constant 3 : i32
    %dma_start3A_1205 = arith.constant 3 : i32
    %dma_start3A_1206 = arith.constant 0 : i32
    %dma_start3A_1207 = arith.constant 0 : i32
    %dma_start3A_1208 = tpu.memref_slice %arg15[%dma_start3A_1204, %dma_start3A_1206, %dma_start3A_1207] : memref<7x128x128xf32, #tpu.memory_space<vmem>> -> memref<1x128x128xf32, #tpu.memory_space<vmem>>
    %dma_start3A_1209 = tpu.memref_squeeze %dma_start3A_1208 : memref<1x128x128xf32, #tpu.memory_space<vmem>> -> memref<128x128xf32, #tpu.memory_space<vmem>>
    %dma_start3A_1210 = arith.constant 0 : i32
    %dma_start3A_1211 = tpu.memref_slice %arg13[%dma_start3A_1203, %dma_start3A_1210] : memref<4x128xi32, #tpu.memory_space<vmem>> -> memref<1x128xi32, #tpu.memory_space<vmem>>
    %dma_start3A_1212 = tpu.memref_squeeze %dma_start3A_1211 : memref<1x128xi32, #tpu.memory_space<vmem>> -> memref<128xi32, #tpu.memory_space<vmem>>
    %dma_start3A_1213 = arith.constant 0 : i32
    %dma_start3A_1214 = arith.constant 0 : i32
    %dma_start3A_1215 = tpu.memref_slice %arg6[%dma_start3A_1213, %dma_start3A_1214] : memref<2000x128xf32, #tpu.memory_space<hbm>> -> memref<2000x128xf32, #tpu.memory_space<hbm>>
    %dma_start3A_1216 = tpu.memref_slice %arg16[%dma_start3A_1205] : memref<7x!tpu.dma_semaphore, #tpu.memory_space<semaphore_mem>> -> memref<1x!tpu.dma_semaphore, #tpu.memory_space<semaphore_mem>>
    %dma_start3A_1217 = tpu.memref_squeeze %dma_start3A_1216 : memref<1x!tpu.dma_semaphore, #tpu.memory_space<semaphore_mem>> -> memref<!tpu.dma_semaphore, #tpu.memory_space<semaphore_mem>>
    tpu.enqueue_indirect_dma source(%dma_start3A_1215 : memref<2000x128xf32, #tpu.memory_space<hbm>>) target(%dma_start3A_1209 : memref<128x128xf32, #tpu.memory_space<vmem>>) offsets(%dma_start3A_1212 : memref<128xi32, #tpu.memory_space<vmem>>) semaphore(%dma_start3A_1217 : memref<!tpu.dma_semaphore, #tpu.memory_space<semaphore_mem>>)
    %dma_wait3A_1218 = arith.constant 1 : i32
    %dma_wait3A_1219 = arith.constant 4 : i32
    %dma_wait3A_1220 = arith.constant 4 : i32
    %dma_wait3A_1221 = arith.constant 0 : i32
    %dma_wait3A_1222 = arith.constant 0 : i32
    %dma_wait3A_1223 = tpu.memref_slice %arg15[%dma_wait3A_1219, %dma_wait3A_1221, %dma_wait3A_1222] : memref<7x128x128xf32, #tpu.memory_space<vmem>> -> memref<1x128x128xf32, #tpu.memory_space<vmem>>
    %dma_wait3A_1224 = tpu.memref_squeeze %dma_wait3A_1223 : memref<1x128x128xf32, #tpu.memory_space<vmem>> -> memref<128x128xf32, #tpu.memory_space<vmem>>
    %dma_wait3A_1225 = arith.constant 0 : i32
    %dma_wait3A_1226 = tpu.memref_slice %arg10[%dma_wait3A_1218, %dma_wait3A_1225] : memref<4x128xi32, #tpu.memory_space<vmem>> -> memref<1x128xi32, #tpu.memory_space<vmem>>
    %dma_wait3A_1227 = tpu.memref_squeeze %dma_wait3A_1226 : memref<1x128xi32, #tpu.memory_space<vmem>> -> memref<128xi32, #tpu.memory_space<vmem>>
    %dma_wait3A_1228 = arith.constant 0 : i32
    %dma_wait3A_1229 = arith.constant 0 : i32
    %dma_wait3A_1230 = tpu.memref_slice %arg5[%dma_wait3A_1228, %dma_wait3A_1229] : memref<100000x128xf32, #tpu.memory_space<hbm>> -> memref<100000x128xf32, #tpu.memory_space<hbm>>
    %dma_wait3A_1231 = tpu.memref_slice %arg16[%dma_wait3A_1220] : memref<7x!tpu.dma_semaphore, #tpu.memory_space<semaphore_mem>> -> memref<1x!tpu.dma_semaphore, #tpu.memory_space<semaphore_mem>>
    %dma_wait3A_1232 = tpu.memref_squeeze %dma_wait3A_1231 : memref<1x!tpu.dma_semaphore, #tpu.memory_space<semaphore_mem>> -> memref<!tpu.dma_semaphore, #tpu.memory_space<semaphore_mem>>
    tpu.wait_indirect_dma semaphore(%dma_wait3A_1232 : memref<!tpu.dma_semaphore, #tpu.memory_space<semaphore_mem>>) src(%dma_wait3A_1230 : memref<100000x128xf32, #tpu.memory_space<hbm>>) dst(%dma_wait3A_1224 : memref<128x128xf32, #tpu.memory_space<vmem>>)
    %dma_start3A_1233 = arith.constant 4 : i32
    %dma_start3A_1234 = arith.constant 4 : i32
    %dma_start3A_1235 = arith.constant 0 : i32
    %dma_start3A_1236 = arith.constant 0 : i32
    %dma_start3A_1237 = tpu.memref_slice %arg15[%dma_start3A_1233, %dma_start3A_1235, %dma_start3A_1236] : memref<7x128x128xf32, #tpu.memory_space<vmem>> -> memref<1x128x128xf32, #tpu.memory_space<vmem>>
    %dma_start3A_1238 = tpu.memref_squeeze %dma_start3A_1237 : memref<1x128x128xf32, #tpu.memory_space<vmem>> -> memref<128x128xf32, #tpu.memory_space<vmem>>
    %dma_start3A_1239 = arith.constant 0 : i32
    %dma_start3A_1240 = tpu.memref_slice %arg7[%add3A_26, %dma_start3A_1239] : memref<16384x128xf32, #tpu.memory_space<hbm>> -> memref<128x128xf32, #tpu.memory_space<hbm>>
    %dma_start3A_1241 = tpu.memref_slice %arg17[%dma_start3A_1234] : memref<7x!tpu.dma_semaphore, #tpu.memory_space<semaphore_mem>> -> memref<1x!tpu.dma_semaphore, #tpu.memory_space<semaphore_mem>>
    %dma_start3A_1242 = tpu.memref_squeeze %dma_start3A_1241 : memref<1x!tpu.dma_semaphore, #tpu.memory_space<semaphore_mem>> -> memref<!tpu.dma_semaphore, #tpu.memory_space<semaphore_mem>>
    %dma_start3A_1243 = arith.constant 0 : i32
    %dma_start3A_1244 = tpu.memref_slice %arg7[%add3A_26, %dma_start3A_1243] : memref<16384x128xf32, #tpu.memory_space<hbm>> -> memref<128x128xf32, #tpu.memory_space<hbm>>
    %dma_start3A_1245 = arith.constant 0 : i32
    %dma_start3A_1246 = arith.constant 0 : i32
    %dma_start3A_1247 = tpu.memref_slice %arg15[%dma_start3A_1233, %dma_start3A_1245, %dma_start3A_1246] : memref<7x128x128xf32, #tpu.memory_space<vmem>> -> memref<1x128x128xf32, #tpu.memory_space<vmem>>
    %dma_start3A_1248 = tpu.memref_squeeze %dma_start3A_1247 : memref<1x128x128xf32, #tpu.memory_space<vmem>> -> memref<128x128xf32, #tpu.memory_space<vmem>>
    tpu.enqueue_dma source(%dma_start3A_1248 : memref<128x128xf32, #tpu.memory_space<vmem>>) target(%dma_start3A_1244 : memref<128x128xf32, #tpu.memory_space<hbm>>) target_semaphore(%dma_start3A_1242 : memref<!tpu.dma_semaphore, #tpu.memory_space<semaphore_mem>>)
    %dma_wait3A_1249 = arith.constant 4 : i32
    %dma_wait3A_1250 = arith.constant 4 : i32
    %dma_wait3A_1251 = arith.constant 0 : i32
    %dma_wait3A_1252 = arith.constant 0 : i32
    %dma_wait3A_1253 = tpu.memref_slice %arg15[%dma_wait3A_1249, %dma_wait3A_1251, %dma_wait3A_1252] : memref<7x128x128xf32, #tpu.memory_space<vmem>> -> memref<1x128x128xf32, #tpu.memory_space<vmem>>
    %dma_wait3A_1254 = tpu.memref_squeeze %dma_wait3A_1253 : memref<1x128x128xf32, #tpu.memory_space<vmem>> -> memref<128x128xf32, #tpu.memory_space<vmem>>
    %dma_wait3A_1255 = arith.constant 0 : i32
    %dma_wait3A_1256 = tpu.memref_slice %arg7[%add3A_26, %dma_wait3A_1255] : memref<16384x128xf32, #tpu.memory_space<hbm>> -> memref<128x128xf32, #tpu.memory_space<hbm>>
    %dma_wait3A_1257 = tpu.memref_slice %arg17[%dma_wait3A_1250] : memref<7x!tpu.dma_semaphore, #tpu.memory_space<semaphore_mem>> -> memref<1x!tpu.dma_semaphore, #tpu.memory_space<semaphore_mem>>
    %dma_wait3A_1258 = tpu.memref_squeeze %dma_wait3A_1257 : memref<1x!tpu.dma_semaphore, #tpu.memory_space<semaphore_mem>> -> memref<!tpu.dma_semaphore, #tpu.memory_space<semaphore_mem>>
    %dma_wait3A_1259 = arith.constant 0 : i32
    %dma_wait3A_1260 = tpu.memref_slice %arg7[%add3A_26, %dma_wait3A_1259] : memref<16384x128xf32, #tpu.memory_space<hbm>> -> memref<128x128xf32, #tpu.memory_space<hbm>>
    %dma_wait3A_1261 = arith.constant 0 : i32
    %dma_wait3A_1262 = arith.constant 0 : i32
    %dma_wait3A_1263 = tpu.memref_slice %arg15[%dma_wait3A_1249, %dma_wait3A_1261, %dma_wait3A_1262] : memref<7x128x128xf32, #tpu.memory_space<vmem>> -> memref<1x128x128xf32, #tpu.memory_space<vmem>>
    %dma_wait3A_1264 = tpu.memref_squeeze %dma_wait3A_1263 : memref<1x128x128xf32, #tpu.memory_space<vmem>> -> memref<128x128xf32, #tpu.memory_space<vmem>>
    tpu.wait_dma2 semaphore(%dma_wait3A_1258 : memref<!tpu.dma_semaphore, #tpu.memory_space<semaphore_mem>>) src(%dma_wait3A_1264 : memref<128x128xf32, #tpu.memory_space<vmem>>) dst(%dma_wait3A_1260 : memref<128x128xf32, #tpu.memory_space<hbm>>)
    %dma_start3A_1265 = arith.constant 2 : i32
    %dma_start3A_1266 = arith.constant 4 : i32
    %dma_start3A_1267 = arith.constant 4 : i32
    %dma_start3A_1268 = arith.constant 0 : i32
    %dma_start3A_1269 = arith.constant 0 : i32
    %dma_start3A_1270 = tpu.memref_slice %arg15[%dma_start3A_1266, %dma_start3A_1268, %dma_start3A_1269] : memref<7x128x128xf32, #tpu.memory_space<vmem>> -> memref<1x128x128xf32, #tpu.memory_space<vmem>>
    %dma_start3A_1271 = tpu.memref_squeeze %dma_start3A_1270 : memref<1x128x128xf32, #tpu.memory_space<vmem>> -> memref<128x128xf32, #tpu.memory_space<vmem>>
    %dma_start3A_1272 = arith.constant 0 : i32
    %dma_start3A_1273 = tpu.memref_slice %arg14[%dma_start3A_1265, %dma_start3A_1272] : memref<4x128xi32, #tpu.memory_space<vmem>> -> memref<1x128xi32, #tpu.memory_space<vmem>>
    %dma_start3A_1274 = tpu.memref_squeeze %dma_start3A_1273 : memref<1x128xi32, #tpu.memory_space<vmem>> -> memref<128xi32, #tpu.memory_space<vmem>>
    %dma_start3A_1275 = arith.constant 0 : i32
    %dma_start3A_1276 = arith.constant 0 : i32
    %dma_start3A_1277 = tpu.memref_slice %arg6[%dma_start3A_1275, %dma_start3A_1276] : memref<2000x128xf32, #tpu.memory_space<hbm>> -> memref<2000x128xf32, #tpu.memory_space<hbm>>
    %dma_start3A_1278 = tpu.memref_slice %arg16[%dma_start3A_1267] : memref<7x!tpu.dma_semaphore, #tpu.memory_space<semaphore_mem>> -> memref<1x!tpu.dma_semaphore, #tpu.memory_space<semaphore_mem>>
    %dma_start3A_1279 = tpu.memref_squeeze %dma_start3A_1278 : memref<1x!tpu.dma_semaphore, #tpu.memory_space<semaphore_mem>> -> memref<!tpu.dma_semaphore, #tpu.memory_space<semaphore_mem>>
    tpu.enqueue_indirect_dma source(%dma_start3A_1277 : memref<2000x128xf32, #tpu.memory_space<hbm>>) target(%dma_start3A_1271 : memref<128x128xf32, #tpu.memory_space<vmem>>) offsets(%dma_start3A_1274 : memref<128xi32, #tpu.memory_space<vmem>>) semaphore(%dma_start3A_1279 : memref<!tpu.dma_semaphore, #tpu.memory_space<semaphore_mem>>)
    %dma_wait3A_1280 = arith.constant 1 : i32
    %dma_wait3A_1281 = arith.constant 5 : i32
    %dma_wait3A_1282 = arith.constant 5 : i32
    %dma_wait3A_1283 = arith.constant 0 : i32
    %dma_wait3A_1284 = arith.constant 0 : i32
    %dma_wait3A_1285 = tpu.memref_slice %arg15[%dma_wait3A_1281, %dma_wait3A_1283, %dma_wait3A_1284] : memref<7x128x128xf32, #tpu.memory_space<vmem>> -> memref<1x128x128xf32, #tpu.memory_space<vmem>>
    %dma_wait3A_1286 = tpu.memref_squeeze %dma_wait3A_1285 : memref<1x128x128xf32, #tpu.memory_space<vmem>> -> memref<128x128xf32, #tpu.memory_space<vmem>>
    %dma_wait3A_1287 = arith.constant 0 : i32
    %dma_wait3A_1288 = tpu.memref_slice %arg11[%dma_wait3A_1280, %dma_wait3A_1287] : memref<4x128xi32, #tpu.memory_space<vmem>> -> memref<1x128xi32, #tpu.memory_space<vmem>>
    %dma_wait3A_1289 = tpu.memref_squeeze %dma_wait3A_1288 : memref<1x128xi32, #tpu.memory_space<vmem>> -> memref<128xi32, #tpu.memory_space<vmem>>
    %dma_wait3A_1290 = arith.constant 0 : i32
    %dma_wait3A_1291 = arith.constant 0 : i32
    %dma_wait3A_1292 = tpu.memref_slice %arg5[%dma_wait3A_1290, %dma_wait3A_1291] : memref<100000x128xf32, #tpu.memory_space<hbm>> -> memref<100000x128xf32, #tpu.memory_space<hbm>>
    %dma_wait3A_1293 = tpu.memref_slice %arg16[%dma_wait3A_1282] : memref<7x!tpu.dma_semaphore, #tpu.memory_space<semaphore_mem>> -> memref<1x!tpu.dma_semaphore, #tpu.memory_space<semaphore_mem>>
    %dma_wait3A_1294 = tpu.memref_squeeze %dma_wait3A_1293 : memref<1x!tpu.dma_semaphore, #tpu.memory_space<semaphore_mem>> -> memref<!tpu.dma_semaphore, #tpu.memory_space<semaphore_mem>>
    tpu.wait_indirect_dma semaphore(%dma_wait3A_1294 : memref<!tpu.dma_semaphore, #tpu.memory_space<semaphore_mem>>) src(%dma_wait3A_1292 : memref<100000x128xf32, #tpu.memory_space<hbm>>) dst(%dma_wait3A_1286 : memref<128x128xf32, #tpu.memory_space<vmem>>)
    %dma_start3A_1295 = arith.constant 5 : i32
    %dma_start3A_1296 = arith.constant 5 : i32
    %dma_start3A_1297 = arith.constant 0 : i32
    %dma_start3A_1298 = arith.constant 0 : i32
    %dma_start3A_1299 = tpu.memref_slice %arg15[%dma_start3A_1295, %dma_start3A_1297, %dma_start3A_1298] : memref<7x128x128xf32, #tpu.memory_space<vmem>> -> memref<1x128x128xf32, #tpu.memory_space<vmem>>
    %dma_start3A_1300 = tpu.memref_squeeze %dma_start3A_1299 : memref<1x128x128xf32, #tpu.memory_space<vmem>> -> memref<128x128xf32, #tpu.memory_space<vmem>>
    %dma_start3A_1301 = arith.constant 0 : i32
    %dma_start3A_1302 = tpu.memref_slice %arg8[%add3A_26, %dma_start3A_1301] : memref<16384x128xf32, #tpu.memory_space<hbm>> -> memref<128x128xf32, #tpu.memory_space<hbm>>
    %dma_start3A_1303 = tpu.memref_slice %arg17[%dma_start3A_1296] : memref<7x!tpu.dma_semaphore, #tpu.memory_space<semaphore_mem>> -> memref<1x!tpu.dma_semaphore, #tpu.memory_space<semaphore_mem>>
    %dma_start3A_1304 = tpu.memref_squeeze %dma_start3A_1303 : memref<1x!tpu.dma_semaphore, #tpu.memory_space<semaphore_mem>> -> memref<!tpu.dma_semaphore, #tpu.memory_space<semaphore_mem>>
    %dma_start3A_1305 = arith.constant 0 : i32
    %dma_start3A_1306 = tpu.memref_slice %arg8[%add3A_26, %dma_start3A_1305] : memref<16384x128xf32, #tpu.memory_space<hbm>> -> memref<128x128xf32, #tpu.memory_space<hbm>>
    %dma_start3A_1307 = arith.constant 0 : i32
    %dma_start3A_1308 = arith.constant 0 : i32
    %dma_start3A_1309 = tpu.memref_slice %arg15[%dma_start3A_1295, %dma_start3A_1307, %dma_start3A_1308] : memref<7x128x128xf32, #tpu.memory_space<vmem>> -> memref<1x128x128xf32, #tpu.memory_space<vmem>>
    %dma_start3A_1310 = tpu.memref_squeeze %dma_start3A_1309 : memref<1x128x128xf32, #tpu.memory_space<vmem>> -> memref<128x128xf32, #tpu.memory_space<vmem>>
    tpu.enqueue_dma source(%dma_start3A_1310 : memref<128x128xf32, #tpu.memory_space<vmem>>) target(%dma_start3A_1306 : memref<128x128xf32, #tpu.memory_space<hbm>>) target_semaphore(%dma_start3A_1304 : memref<!tpu.dma_semaphore, #tpu.memory_space<semaphore_mem>>)
    %dma_wait3A_1311 = arith.constant 5 : i32
    %dma_wait3A_1312 = arith.constant 5 : i32
    %dma_wait3A_1313 = arith.constant 0 : i32
    %dma_wait3A_1314 = arith.constant 0 : i32
    %dma_wait3A_1315 = tpu.memref_slice %arg15[%dma_wait3A_1311, %dma_wait3A_1313, %dma_wait3A_1314] : memref<7x128x128xf32, #tpu.memory_space<vmem>> -> memref<1x128x128xf32, #tpu.memory_space<vmem>>
    %dma_wait3A_1316 = tpu.memref_squeeze %dma_wait3A_1315 : memref<1x128x128xf32, #tpu.memory_space<vmem>> -> memref<128x128xf32, #tpu.memory_space<vmem>>
    %dma_wait3A_1317 = arith.constant 0 : i32
    %dma_wait3A_1318 = tpu.memref_slice %arg8[%add3A_26, %dma_wait3A_1317] : memref<16384x128xf32, #tpu.memory_space<hbm>> -> memref<128x128xf32, #tpu.memory_space<hbm>>
    %dma_wait3A_1319 = tpu.memref_slice %arg17[%dma_wait3A_1312] : memref<7x!tpu.dma_semaphore, #tpu.memory_space<semaphore_mem>> -> memref<1x!tpu.dma_semaphore, #tpu.memory_space<semaphore_mem>>
    %dma_wait3A_1320 = tpu.memref_squeeze %dma_wait3A_1319 : memref<1x!tpu.dma_semaphore, #tpu.memory_space<semaphore_mem>> -> memref<!tpu.dma_semaphore, #tpu.memory_space<semaphore_mem>>
    %dma_wait3A_1321 = arith.constant 0 : i32
    %dma_wait3A_1322 = tpu.memref_slice %arg8[%add3A_26, %dma_wait3A_1321] : memref<16384x128xf32, #tpu.memory_space<hbm>> -> memref<128x128xf32, #tpu.memory_space<hbm>>
    %dma_wait3A_1323 = arith.constant 0 : i32
    %dma_wait3A_1324 = arith.constant 0 : i32
    %dma_wait3A_1325 = tpu.memref_slice %arg15[%dma_wait3A_1311, %dma_wait3A_1323, %dma_wait3A_1324] : memref<7x128x128xf32, #tpu.memory_space<vmem>> -> memref<1x128x128xf32, #tpu.memory_space<vmem>>
    %dma_wait3A_1326 = tpu.memref_squeeze %dma_wait3A_1325 : memref<1x128x128xf32, #tpu.memory_space<vmem>> -> memref<128x128xf32, #tpu.memory_space<vmem>>
    tpu.wait_dma2 semaphore(%dma_wait3A_1320 : memref<!tpu.dma_semaphore, #tpu.memory_space<semaphore_mem>>) src(%dma_wait3A_1326 : memref<128x128xf32, #tpu.memory_space<vmem>>) dst(%dma_wait3A_1322 : memref<128x128xf32, #tpu.memory_space<hbm>>)
    %dma_start3A_1327 = arith.constant 3 : i32
    %dma_start3A_1328 = arith.constant 5 : i32
    %dma_start3A_1329 = arith.constant 5 : i32
    %dma_start3A_1330 = arith.constant 0 : i32
    %dma_start3A_1331 = arith.constant 0 : i32
    %dma_start3A_1332 = tpu.memref_slice %arg15[%dma_start3A_1328, %dma_start3A_1330, %dma_start3A_1331] : memref<7x128x128xf32, #tpu.memory_space<vmem>> -> memref<1x128x128xf32, #tpu.memory_space<vmem>>
    %dma_start3A_1333 = tpu.memref_squeeze %dma_start3A_1332 : memref<1x128x128xf32, #tpu.memory_space<vmem>> -> memref<128x128xf32, #tpu.memory_space<vmem>>
    %dma_start3A_1334 = arith.constant 0 : i32
    %dma_start3A_1335 = tpu.memref_slice %arg10[%dma_start3A_1327, %dma_start3A_1334] : memref<4x128xi32, #tpu.memory_space<vmem>> -> memref<1x128xi32, #tpu.memory_space<vmem>>
    %dma_start3A_1336 = tpu.memref_squeeze %dma_start3A_1335 : memref<1x128xi32, #tpu.memory_space<vmem>> -> memref<128xi32, #tpu.memory_space<vmem>>
    %dma_start3A_1337 = arith.constant 0 : i32
    %dma_start3A_1338 = arith.constant 0 : i32
    %dma_start3A_1339 = tpu.memref_slice %arg5[%dma_start3A_1337, %dma_start3A_1338] : memref<100000x128xf32, #tpu.memory_space<hbm>> -> memref<100000x128xf32, #tpu.memory_space<hbm>>
    %dma_start3A_1340 = tpu.memref_slice %arg16[%dma_start3A_1329] : memref<7x!tpu.dma_semaphore, #tpu.memory_space<semaphore_mem>> -> memref<1x!tpu.dma_semaphore, #tpu.memory_space<semaphore_mem>>
    %dma_start3A_1341 = tpu.memref_squeeze %dma_start3A_1340 : memref<1x!tpu.dma_semaphore, #tpu.memory_space<semaphore_mem>> -> memref<!tpu.dma_semaphore, #tpu.memory_space<semaphore_mem>>
    tpu.enqueue_indirect_dma source(%dma_start3A_1339 : memref<100000x128xf32, #tpu.memory_space<hbm>>) target(%dma_start3A_1333 : memref<128x128xf32, #tpu.memory_space<vmem>>) offsets(%dma_start3A_1336 : memref<128xi32, #tpu.memory_space<vmem>>) semaphore(%dma_start3A_1341 : memref<!tpu.dma_semaphore, #tpu.memory_space<semaphore_mem>>)
    %dma_wait3A_1342 = arith.constant 1 : i32
    %dma_wait3A_1343 = arith.constant 6 : i32
    %dma_wait3A_1344 = arith.constant 6 : i32
    %dma_wait3A_1345 = arith.constant 0 : i32
    %dma_wait3A_1346 = arith.constant 0 : i32
    %dma_wait3A_1347 = tpu.memref_slice %arg15[%dma_wait3A_1343, %dma_wait3A_1345, %dma_wait3A_1346] : memref<7x128x128xf32, #tpu.memory_space<vmem>> -> memref<1x128x128xf32, #tpu.memory_space<vmem>>
    %dma_wait3A_1348 = tpu.memref_squeeze %dma_wait3A_1347 : memref<1x128x128xf32, #tpu.memory_space<vmem>> -> memref<128x128xf32, #tpu.memory_space<vmem>>
    %dma_wait3A_1349 = arith.constant 0 : i32
    %dma_wait3A_1350 = tpu.memref_slice %arg13[%dma_wait3A_1342, %dma_wait3A_1349] : memref<4x128xi32, #tpu.memory_space<vmem>> -> memref<1x128xi32, #tpu.memory_space<vmem>>
    %dma_wait3A_1351 = tpu.memref_squeeze %dma_wait3A_1350 : memref<1x128xi32, #tpu.memory_space<vmem>> -> memref<128xi32, #tpu.memory_space<vmem>>
    %dma_wait3A_1352 = arith.constant 0 : i32
    %dma_wait3A_1353 = arith.constant 0 : i32
    %dma_wait3A_1354 = tpu.memref_slice %arg6[%dma_wait3A_1352, %dma_wait3A_1353] : memref<2000x128xf32, #tpu.memory_space<hbm>> -> memref<2000x128xf32, #tpu.memory_space<hbm>>
    %dma_wait3A_1355 = tpu.memref_slice %arg16[%dma_wait3A_1344] : memref<7x!tpu.dma_semaphore, #tpu.memory_space<semaphore_mem>> -> memref<1x!tpu.dma_semaphore, #tpu.memory_space<semaphore_mem>>
    %dma_wait3A_1356 = tpu.memref_squeeze %dma_wait3A_1355 : memref<1x!tpu.dma_semaphore, #tpu.memory_space<semaphore_mem>> -> memref<!tpu.dma_semaphore, #tpu.memory_space<semaphore_mem>>
    tpu.wait_indirect_dma semaphore(%dma_wait3A_1356 : memref<!tpu.dma_semaphore, #tpu.memory_space<semaphore_mem>>) src(%dma_wait3A_1354 : memref<2000x128xf32, #tpu.memory_space<hbm>>) dst(%dma_wait3A_1348 : memref<128x128xf32, #tpu.memory_space<vmem>>)
    %dma_start3A_1357 = arith.constant 6 : i32
    %dma_start3A_1358 = arith.constant 6 : i32
    %dma_start3A_1359 = arith.constant 0 : i32
    %dma_start3A_1360 = arith.constant 0 : i32
    %dma_start3A_1361 = tpu.memref_slice %arg15[%dma_start3A_1357, %dma_start3A_1359, %dma_start3A_1360] : memref<7x128x128xf32, #tpu.memory_space<vmem>> -> memref<1x128x128xf32, #tpu.memory_space<vmem>>
    %dma_start3A_1362 = tpu.memref_squeeze %dma_start3A_1361 : memref<1x128x128xf32, #tpu.memory_space<vmem>> -> memref<128x128xf32, #tpu.memory_space<vmem>>
    %dma_start3A_1363 = arith.constant 0 : i32
    %dma_start3A_1364 = tpu.memref_slice %arg9[%add3A_26, %dma_start3A_1363] : memref<16384x256xf32, #tpu.memory_space<hbm>> -> memref<128x128xf32, #tpu.memory_space<hbm>>
    %dma_start3A_1365 = tpu.memref_slice %arg17[%dma_start3A_1358] : memref<7x!tpu.dma_semaphore, #tpu.memory_space<semaphore_mem>> -> memref<1x!tpu.dma_semaphore, #tpu.memory_space<semaphore_mem>>
    %dma_start3A_1366 = tpu.memref_squeeze %dma_start3A_1365 : memref<1x!tpu.dma_semaphore, #tpu.memory_space<semaphore_mem>> -> memref<!tpu.dma_semaphore, #tpu.memory_space<semaphore_mem>>
    %dma_start3A_1367 = arith.constant 0 : i32
    %dma_start3A_1368 = tpu.memref_slice %arg9[%add3A_26, %dma_start3A_1367] : memref<16384x256xf32, #tpu.memory_space<hbm>> -> memref<128x128xf32, #tpu.memory_space<hbm>>
    %dma_start3A_1369 = arith.constant 0 : i32
    %dma_start3A_1370 = arith.constant 0 : i32
    %dma_start3A_1371 = tpu.memref_slice %arg15[%dma_start3A_1357, %dma_start3A_1369, %dma_start3A_1370] : memref<7x128x128xf32, #tpu.memory_space<vmem>> -> memref<1x128x128xf32, #tpu.memory_space<vmem>>
    %dma_start3A_1372 = tpu.memref_squeeze %dma_start3A_1371 : memref<1x128x128xf32, #tpu.memory_space<vmem>> -> memref<128x128xf32, #tpu.memory_space<vmem>>
    tpu.enqueue_dma source(%dma_start3A_1372 : memref<128x128xf32, #tpu.memory_space<vmem>>) target(%dma_start3A_1368 : memref<128x128xf32, #tpu.memory_space<hbm>>) target_semaphore(%dma_start3A_1366 : memref<!tpu.dma_semaphore, #tpu.memory_space<semaphore_mem>>)
    %dma_wait3A_1373 = arith.constant 6 : i32
    %dma_wait3A_1374 = arith.constant 6 : i32
    %dma_wait3A_1375 = arith.constant 0 : i32
    %dma_wait3A_1376 = arith.constant 0 : i32
    %dma_wait3A_1377 = tpu.memref_slice %arg15[%dma_wait3A_1373, %dma_wait3A_1375, %dma_wait3A_1376] : memref<7x128x128xf32, #tpu.memory_space<vmem>> -> memref<1x128x128xf32, #tpu.memory_space<vmem>>
    %dma_wait3A_1378 = tpu.memref_squeeze %dma_wait3A_1377 : memref<1x128x128xf32, #tpu.memory_space<vmem>> -> memref<128x128xf32, #tpu.memory_space<vmem>>
    %dma_wait3A_1379 = arith.constant 0 : i32
    %dma_wait3A_1380 = tpu.memref_slice %arg9[%add3A_26, %dma_wait3A_1379] : memref<16384x256xf32, #tpu.memory_space<hbm>> -> memref<128x128xf32, #tpu.memory_space<hbm>>
    %dma_wait3A_1381 = tpu.memref_slice %arg17[%dma_wait3A_1374] : memref<7x!tpu.dma_semaphore, #tpu.memory_space<semaphore_mem>> -> memref<1x!tpu.dma_semaphore, #tpu.memory_space<semaphore_mem>>
    %dma_wait3A_1382 = tpu.memref_squeeze %dma_wait3A_1381 : memref<1x!tpu.dma_semaphore, #tpu.memory_space<semaphore_mem>> -> memref<!tpu.dma_semaphore, #tpu.memory_space<semaphore_mem>>
    %dma_wait3A_1383 = arith.constant 0 : i32
    %dma_wait3A_1384 = tpu.memref_slice %arg9[%add3A_26, %dma_wait3A_1383] : memref<16384x256xf32, #tpu.memory_space<hbm>> -> memref<128x128xf32, #tpu.memory_space<hbm>>
    %dma_wait3A_1385 = arith.constant 0 : i32
    %dma_wait3A_1386 = arith.constant 0 : i32
    %dma_wait3A_1387 = tpu.memref_slice %arg15[%dma_wait3A_1373, %dma_wait3A_1385, %dma_wait3A_1386] : memref<7x128x128xf32, #tpu.memory_space<vmem>> -> memref<1x128x128xf32, #tpu.memory_space<vmem>>
    %dma_wait3A_1388 = tpu.memref_squeeze %dma_wait3A_1387 : memref<1x128x128xf32, #tpu.memory_space<vmem>> -> memref<128x128xf32, #tpu.memory_space<vmem>>
    tpu.wait_dma2 semaphore(%dma_wait3A_1382 : memref<!tpu.dma_semaphore, #tpu.memory_space<semaphore_mem>>) src(%dma_wait3A_1388 : memref<128x128xf32, #tpu.memory_space<vmem>>) dst(%dma_wait3A_1384 : memref<128x128xf32, #tpu.memory_space<hbm>>)
    %dma_start3A_1389 = arith.constant 3 : i32
    %dma_start3A_1390 = arith.constant 6 : i32
    %dma_start3A_1391 = arith.constant 6 : i32
    %dma_start3A_1392 = arith.constant 0 : i32
    %dma_start3A_1393 = arith.constant 0 : i32
    %dma_start3A_1394 = tpu.memref_slice %arg15[%dma_start3A_1390, %dma_start3A_1392, %dma_start3A_1393] : memref<7x128x128xf32, #tpu.memory_space<vmem>> -> memref<1x128x128xf32, #tpu.memory_space<vmem>>
    %dma_start3A_1395 = tpu.memref_squeeze %dma_start3A_1394 : memref<1x128x128xf32, #tpu.memory_space<vmem>> -> memref<128x128xf32, #tpu.memory_space<vmem>>
    %dma_start3A_1396 = arith.constant 0 : i32
    %dma_start3A_1397 = tpu.memref_slice %arg11[%dma_start3A_1389, %dma_start3A_1396] : memref<4x128xi32, #tpu.memory_space<vmem>> -> memref<1x128xi32, #tpu.memory_space<vmem>>
    %dma_start3A_1398 = tpu.memref_squeeze %dma_start3A_1397 : memref<1x128xi32, #tpu.memory_space<vmem>> -> memref<128xi32, #tpu.memory_space<vmem>>
    %dma_start3A_1399 = arith.constant 0 : i32
    %dma_start3A_1400 = arith.constant 0 : i32
    %dma_start3A_1401 = tpu.memref_slice %arg5[%dma_start3A_1399, %dma_start3A_1400] : memref<100000x128xf32, #tpu.memory_space<hbm>> -> memref<100000x128xf32, #tpu.memory_space<hbm>>
    %dma_start3A_1402 = tpu.memref_slice %arg16[%dma_start3A_1391] : memref<7x!tpu.dma_semaphore, #tpu.memory_space<semaphore_mem>> -> memref<1x!tpu.dma_semaphore, #tpu.memory_space<semaphore_mem>>
    %dma_start3A_1403 = tpu.memref_squeeze %dma_start3A_1402 : memref<1x!tpu.dma_semaphore, #tpu.memory_space<semaphore_mem>> -> memref<!tpu.dma_semaphore, #tpu.memory_space<semaphore_mem>>
    tpu.enqueue_indirect_dma source(%dma_start3A_1401 : memref<100000x128xf32, #tpu.memory_space<hbm>>) target(%dma_start3A_1395 : memref<128x128xf32, #tpu.memory_space<vmem>>) offsets(%dma_start3A_1398 : memref<128xi32, #tpu.memory_space<vmem>>) semaphore(%dma_start3A_1403 : memref<!tpu.dma_semaphore, #tpu.memory_space<semaphore_mem>>)
    %dma_wait3A_1404 = arith.constant 1 : i32
    %dma_wait3A_1405 = arith.constant 0 : i32
    %dma_wait3A_1406 = arith.constant 0 : i32
    %dma_wait3A_1407 = arith.constant 0 : i32
    %dma_wait3A_1408 = arith.constant 0 : i32
    %dma_wait3A_1409 = tpu.memref_slice %arg15[%dma_wait3A_1405, %dma_wait3A_1407, %dma_wait3A_1408] : memref<7x128x128xf32, #tpu.memory_space<vmem>> -> memref<1x128x128xf32, #tpu.memory_space<vmem>>
    %dma_wait3A_1410 = tpu.memref_squeeze %dma_wait3A_1409 : memref<1x128x128xf32, #tpu.memory_space<vmem>> -> memref<128x128xf32, #tpu.memory_space<vmem>>
    %dma_wait3A_1411 = arith.constant 0 : i32
    %dma_wait3A_1412 = tpu.memref_slice %arg14[%dma_wait3A_1404, %dma_wait3A_1411] : memref<4x128xi32, #tpu.memory_space<vmem>> -> memref<1x128xi32, #tpu.memory_space<vmem>>
    %dma_wait3A_1413 = tpu.memref_squeeze %dma_wait3A_1412 : memref<1x128xi32, #tpu.memory_space<vmem>> -> memref<128xi32, #tpu.memory_space<vmem>>
    %dma_wait3A_1414 = arith.constant 0 : i32
    %dma_wait3A_1415 = arith.constant 0 : i32
    %dma_wait3A_1416 = tpu.memref_slice %arg6[%dma_wait3A_1414, %dma_wait3A_1415] : memref<2000x128xf32, #tpu.memory_space<hbm>> -> memref<2000x128xf32, #tpu.memory_space<hbm>>
    %dma_wait3A_1417 = tpu.memref_slice %arg16[%dma_wait3A_1406] : memref<7x!tpu.dma_semaphore, #tpu.memory_space<semaphore_mem>> -> memref<1x!tpu.dma_semaphore, #tpu.memory_space<semaphore_mem>>
    %dma_wait3A_1418 = tpu.memref_squeeze %dma_wait3A_1417 : memref<1x!tpu.dma_semaphore, #tpu.memory_space<semaphore_mem>> -> memref<!tpu.dma_semaphore, #tpu.memory_space<semaphore_mem>>
    tpu.wait_indirect_dma semaphore(%dma_wait3A_1418 : memref<!tpu.dma_semaphore, #tpu.memory_space<semaphore_mem>>) src(%dma_wait3A_1416 : memref<2000x128xf32, #tpu.memory_space<hbm>>) dst(%dma_wait3A_1410 : memref<128x128xf32, #tpu.memory_space<vmem>>)
    %dma_start3A_1419 = arith.constant 0 : i32
    %dma_start3A_1420 = arith.constant 0 : i32
    %dma_start3A_1421 = arith.constant 0 : i32
    %dma_start3A_1422 = arith.constant 0 : i32
    %dma_start3A_1423 = tpu.memref_slice %arg15[%dma_start3A_1419, %dma_start3A_1421, %dma_start3A_1422] : memref<7x128x128xf32, #tpu.memory_space<vmem>> -> memref<1x128x128xf32, #tpu.memory_space<vmem>>
    %dma_start3A_1424 = tpu.memref_squeeze %dma_start3A_1423 : memref<1x128x128xf32, #tpu.memory_space<vmem>> -> memref<128x128xf32, #tpu.memory_space<vmem>>
    %dma_start3A_1425 = arith.constant 128 : i32
    %dma_start3A_1426 = tpu.memref_slice %arg9[%add3A_26, %dma_start3A_1425] : memref<16384x256xf32, #tpu.memory_space<hbm>> -> memref<128x128xf32, #tpu.memory_space<hbm>>
    %dma_start3A_1427 = tpu.memref_slice %arg17[%dma_start3A_1420] : memref<7x!tpu.dma_semaphore, #tpu.memory_space<semaphore_mem>> -> memref<1x!tpu.dma_semaphore, #tpu.memory_space<semaphore_mem>>
    %dma_start3A_1428 = tpu.memref_squeeze %dma_start3A_1427 : memref<1x!tpu.dma_semaphore, #tpu.memory_space<semaphore_mem>> -> memref<!tpu.dma_semaphore, #tpu.memory_space<semaphore_mem>>
    %dma_start3A_1429 = arith.constant 128 : i32
    %dma_start3A_1430 = tpu.memref_slice %arg9[%add3A_26, %dma_start3A_1429] : memref<16384x256xf32, #tpu.memory_space<hbm>> -> memref<128x128xf32, #tpu.memory_space<hbm>>
    %dma_start3A_1431 = arith.constant 0 : i32
    %dma_start3A_1432 = arith.constant 0 : i32
    %dma_start3A_1433 = tpu.memref_slice %arg15[%dma_start3A_1419, %dma_start3A_1431, %dma_start3A_1432] : memref<7x128x128xf32, #tpu.memory_space<vmem>> -> memref<1x128x128xf32, #tpu.memory_space<vmem>>
    %dma_start3A_1434 = tpu.memref_squeeze %dma_start3A_1433 : memref<1x128x128xf32, #tpu.memory_space<vmem>> -> memref<128x128xf32, #tpu.memory_space<vmem>>
    tpu.enqueue_dma source(%dma_start3A_1434 : memref<128x128xf32, #tpu.memory_space<vmem>>) target(%dma_start3A_1430 : memref<128x128xf32, #tpu.memory_space<hbm>>) target_semaphore(%dma_start3A_1428 : memref<!tpu.dma_semaphore, #tpu.memory_space<semaphore_mem>>)
    %dma_wait3A_1435 = arith.constant 0 : i32
    %dma_wait3A_1436 = arith.constant 0 : i32
    %dma_wait3A_1437 = arith.constant 0 : i32
    %dma_wait3A_1438 = arith.constant 0 : i32
    %dma_wait3A_1439 = tpu.memref_slice %arg15[%dma_wait3A_1435, %dma_wait3A_1437, %dma_wait3A_1438] : memref<7x128x128xf32, #tpu.memory_space<vmem>> -> memref<1x128x128xf32, #tpu.memory_space<vmem>>
    %dma_wait3A_1440 = tpu.memref_squeeze %dma_wait3A_1439 : memref<1x128x128xf32, #tpu.memory_space<vmem>> -> memref<128x128xf32, #tpu.memory_space<vmem>>
    %dma_wait3A_1441 = arith.constant 128 : i32
    %dma_wait3A_1442 = tpu.memref_slice %arg9[%add3A_26, %dma_wait3A_1441] : memref<16384x256xf32, #tpu.memory_space<hbm>> -> memref<128x128xf32, #tpu.memory_space<hbm>>
    %dma_wait3A_1443 = tpu.memref_slice %arg17[%dma_wait3A_1436] : memref<7x!tpu.dma_semaphore, #tpu.memory_space<semaphore_mem>> -> memref<1x!tpu.dma_semaphore, #tpu.memory_space<semaphore_mem>>
    %dma_wait3A_1444 = tpu.memref_squeeze %dma_wait3A_1443 : memref<1x!tpu.dma_semaphore, #tpu.memory_space<semaphore_mem>> -> memref<!tpu.dma_semaphore, #tpu.memory_space<semaphore_mem>>
    %dma_wait3A_1445 = arith.constant 128 : i32
    %dma_wait3A_1446 = tpu.memref_slice %arg9[%add3A_26, %dma_wait3A_1445] : memref<16384x256xf32, #tpu.memory_space<hbm>> -> memref<128x128xf32, #tpu.memory_space<hbm>>
    %dma_wait3A_1447 = arith.constant 0 : i32
    %dma_wait3A_1448 = arith.constant 0 : i32
    %dma_wait3A_1449 = tpu.memref_slice %arg15[%dma_wait3A_1435, %dma_wait3A_1447, %dma_wait3A_1448] : memref<7x128x128xf32, #tpu.memory_space<vmem>> -> memref<1x128x128xf32, #tpu.memory_space<vmem>>
    %dma_wait3A_1450 = tpu.memref_squeeze %dma_wait3A_1449 : memref<1x128x128xf32, #tpu.memory_space<vmem>> -> memref<128x128xf32, #tpu.memory_space<vmem>>
    tpu.wait_dma2 semaphore(%dma_wait3A_1444 : memref<!tpu.dma_semaphore, #tpu.memory_space<semaphore_mem>>) src(%dma_wait3A_1450 : memref<128x128xf32, #tpu.memory_space<vmem>>) dst(%dma_wait3A_1446 : memref<128x128xf32, #tpu.memory_space<hbm>>)
    %dma_start3A_1451 = arith.constant 3 : i32
    %dma_start3A_1452 = arith.constant 0 : i32
    %dma_start3A_1453 = arith.constant 0 : i32
    %dma_start3A_1454 = arith.constant 0 : i32
    %dma_start3A_1455 = arith.constant 0 : i32
    %dma_start3A_1456 = tpu.memref_slice %arg15[%dma_start3A_1452, %dma_start3A_1454, %dma_start3A_1455] : memref<7x128x128xf32, #tpu.memory_space<vmem>> -> memref<1x128x128xf32, #tpu.memory_space<vmem>>
    %dma_start3A_1457 = tpu.memref_squeeze %dma_start3A_1456 : memref<1x128x128xf32, #tpu.memory_space<vmem>> -> memref<128x128xf32, #tpu.memory_space<vmem>>
    %dma_start3A_1458 = arith.constant 0 : i32
    %dma_start3A_1459 = tpu.memref_slice %arg13[%dma_start3A_1451, %dma_start3A_1458] : memref<4x128xi32, #tpu.memory_space<vmem>> -> memref<1x128xi32, #tpu.memory_space<vmem>>
    %dma_start3A_1460 = tpu.memref_squeeze %dma_start3A_1459 : memref<1x128xi32, #tpu.memory_space<vmem>> -> memref<128xi32, #tpu.memory_space<vmem>>
    %dma_start3A_1461 = arith.constant 0 : i32
    %dma_start3A_1462 = arith.constant 0 : i32
    %dma_start3A_1463 = tpu.memref_slice %arg6[%dma_start3A_1461, %dma_start3A_1462] : memref<2000x128xf32, #tpu.memory_space<hbm>> -> memref<2000x128xf32, #tpu.memory_space<hbm>>
    %dma_start3A_1464 = tpu.memref_slice %arg16[%dma_start3A_1453] : memref<7x!tpu.dma_semaphore, #tpu.memory_space<semaphore_mem>> -> memref<1x!tpu.dma_semaphore, #tpu.memory_space<semaphore_mem>>
    %dma_start3A_1465 = tpu.memref_squeeze %dma_start3A_1464 : memref<1x!tpu.dma_semaphore, #tpu.memory_space<semaphore_mem>> -> memref<!tpu.dma_semaphore, #tpu.memory_space<semaphore_mem>>
    tpu.enqueue_indirect_dma source(%dma_start3A_1463 : memref<2000x128xf32, #tpu.memory_space<hbm>>) target(%dma_start3A_1457 : memref<128x128xf32, #tpu.memory_space<vmem>>) offsets(%dma_start3A_1460 : memref<128xi32, #tpu.memory_space<vmem>>) semaphore(%dma_start3A_1465 : memref<!tpu.dma_semaphore, #tpu.memory_space<semaphore_mem>>)
    %dma_wait3A_1466 = arith.constant 2 : i32
    %dma_wait3A_1467 = arith.constant 1 : i32
    %dma_wait3A_1468 = arith.constant 1 : i32
    %dma_wait3A_1469 = arith.constant 0 : i32
    %dma_wait3A_1470 = arith.constant 0 : i32
    %dma_wait3A_1471 = tpu.memref_slice %arg15[%dma_wait3A_1467, %dma_wait3A_1469, %dma_wait3A_1470] : memref<7x128x128xf32, #tpu.memory_space<vmem>> -> memref<1x128x128xf32, #tpu.memory_space<vmem>>
    %dma_wait3A_1472 = tpu.memref_squeeze %dma_wait3A_1471 : memref<1x128x128xf32, #tpu.memory_space<vmem>> -> memref<128x128xf32, #tpu.memory_space<vmem>>
    %dma_wait3A_1473 = arith.constant 0 : i32
    %dma_wait3A_1474 = tpu.memref_slice %arg10[%dma_wait3A_1466, %dma_wait3A_1473] : memref<4x128xi32, #tpu.memory_space<vmem>> -> memref<1x128xi32, #tpu.memory_space<vmem>>
    %dma_wait3A_1475 = tpu.memref_squeeze %dma_wait3A_1474 : memref<1x128xi32, #tpu.memory_space<vmem>> -> memref<128xi32, #tpu.memory_space<vmem>>
    %dma_wait3A_1476 = arith.constant 0 : i32
    %dma_wait3A_1477 = arith.constant 0 : i32
    %dma_wait3A_1478 = tpu.memref_slice %arg5[%dma_wait3A_1476, %dma_wait3A_1477] : memref<100000x128xf32, #tpu.memory_space<hbm>> -> memref<100000x128xf32, #tpu.memory_space<hbm>>
    %dma_wait3A_1479 = tpu.memref_slice %arg16[%dma_wait3A_1468] : memref<7x!tpu.dma_semaphore, #tpu.memory_space<semaphore_mem>> -> memref<1x!tpu.dma_semaphore, #tpu.memory_space<semaphore_mem>>
    %dma_wait3A_1480 = tpu.memref_squeeze %dma_wait3A_1479 : memref<1x!tpu.dma_semaphore, #tpu.memory_space<semaphore_mem>> -> memref<!tpu.dma_semaphore, #tpu.memory_space<semaphore_mem>>
    tpu.wait_indirect_dma semaphore(%dma_wait3A_1480 : memref<!tpu.dma_semaphore, #tpu.memory_space<semaphore_mem>>) src(%dma_wait3A_1478 : memref<100000x128xf32, #tpu.memory_space<hbm>>) dst(%dma_wait3A_1472 : memref<128x128xf32, #tpu.memory_space<vmem>>)
    %dma_start3A_1481 = arith.constant 1 : i32
    %dma_start3A_1482 = arith.constant 1 : i32
    %dma_start3A_1483 = arith.constant 0 : i32
    %dma_start3A_1484 = arith.constant 0 : i32
    %dma_start3A_1485 = tpu.memref_slice %arg15[%dma_start3A_1481, %dma_start3A_1483, %dma_start3A_1484] : memref<7x128x128xf32, #tpu.memory_space<vmem>> -> memref<1x128x128xf32, #tpu.memory_space<vmem>>
    %dma_start3A_1486 = tpu.memref_squeeze %dma_start3A_1485 : memref<1x128x128xf32, #tpu.memory_space<vmem>> -> memref<128x128xf32, #tpu.memory_space<vmem>>
    %dma_start3A_1487 = arith.constant 0 : i32
    %dma_start3A_1488 = tpu.memref_slice %arg7[%add3A_28, %dma_start3A_1487] : memref<16384x128xf32, #tpu.memory_space<hbm>> -> memref<128x128xf32, #tpu.memory_space<hbm>>
    %dma_start3A_1489 = tpu.memref_slice %arg17[%dma_start3A_1482] : memref<7x!tpu.dma_semaphore, #tpu.memory_space<semaphore_mem>> -> memref<1x!tpu.dma_semaphore, #tpu.memory_space<semaphore_mem>>
    %dma_start3A_1490 = tpu.memref_squeeze %dma_start3A_1489 : memref<1x!tpu.dma_semaphore, #tpu.memory_space<semaphore_mem>> -> memref<!tpu.dma_semaphore, #tpu.memory_space<semaphore_mem>>
    %dma_start3A_1491 = arith.constant 0 : i32
    %dma_start3A_1492 = tpu.memref_slice %arg7[%add3A_28, %dma_start3A_1491] : memref<16384x128xf32, #tpu.memory_space<hbm>> -> memref<128x128xf32, #tpu.memory_space<hbm>>
    %dma_start3A_1493 = arith.constant 0 : i32
    %dma_start3A_1494 = arith.constant 0 : i32
    %dma_start3A_1495 = tpu.memref_slice %arg15[%dma_start3A_1481, %dma_start3A_1493, %dma_start3A_1494] : memref<7x128x128xf32, #tpu.memory_space<vmem>> -> memref<1x128x128xf32, #tpu.memory_space<vmem>>
    %dma_start3A_1496 = tpu.memref_squeeze %dma_start3A_1495 : memref<1x128x128xf32, #tpu.memory_space<vmem>> -> memref<128x128xf32, #tpu.memory_space<vmem>>
    tpu.enqueue_dma source(%dma_start3A_1496 : memref<128x128xf32, #tpu.memory_space<vmem>>) target(%dma_start3A_1492 : memref<128x128xf32, #tpu.memory_space<hbm>>) target_semaphore(%dma_start3A_1490 : memref<!tpu.dma_semaphore, #tpu.memory_space<semaphore_mem>>)
    %dma_wait3A_1497 = arith.constant 1 : i32
    %dma_wait3A_1498 = arith.constant 1 : i32
    %dma_wait3A_1499 = arith.constant 0 : i32
    %dma_wait3A_1500 = arith.constant 0 : i32
    %dma_wait3A_1501 = tpu.memref_slice %arg15[%dma_wait3A_1497, %dma_wait3A_1499, %dma_wait3A_1500] : memref<7x128x128xf32, #tpu.memory_space<vmem>> -> memref<1x128x128xf32, #tpu.memory_space<vmem>>
    %dma_wait3A_1502 = tpu.memref_squeeze %dma_wait3A_1501 : memref<1x128x128xf32, #tpu.memory_space<vmem>> -> memref<128x128xf32, #tpu.memory_space<vmem>>
    %dma_wait3A_1503 = arith.constant 0 : i32
    %dma_wait3A_1504 = tpu.memref_slice %arg7[%add3A_28, %dma_wait3A_1503] : memref<16384x128xf32, #tpu.memory_space<hbm>> -> memref<128x128xf32, #tpu.memory_space<hbm>>
    %dma_wait3A_1505 = tpu.memref_slice %arg17[%dma_wait3A_1498] : memref<7x!tpu.dma_semaphore, #tpu.memory_space<semaphore_mem>> -> memref<1x!tpu.dma_semaphore, #tpu.memory_space<semaphore_mem>>
    %dma_wait3A_1506 = tpu.memref_squeeze %dma_wait3A_1505 : memref<1x!tpu.dma_semaphore, #tpu.memory_space<semaphore_mem>> -> memref<!tpu.dma_semaphore, #tpu.memory_space<semaphore_mem>>
    %dma_wait3A_1507 = arith.constant 0 : i32
    %dma_wait3A_1508 = tpu.memref_slice %arg7[%add3A_28, %dma_wait3A_1507] : memref<16384x128xf32, #tpu.memory_space<hbm>> -> memref<128x128xf32, #tpu.memory_space<hbm>>
    %dma_wait3A_1509 = arith.constant 0 : i32
    %dma_wait3A_1510 = arith.constant 0 : i32
    %dma_wait3A_1511 = tpu.memref_slice %arg15[%dma_wait3A_1497, %dma_wait3A_1509, %dma_wait3A_1510] : memref<7x128x128xf32, #tpu.memory_space<vmem>> -> memref<1x128x128xf32, #tpu.memory_space<vmem>>
    %dma_wait3A_1512 = tpu.memref_squeeze %dma_wait3A_1511 : memref<1x128x128xf32, #tpu.memory_space<vmem>> -> memref<128x128xf32, #tpu.memory_space<vmem>>
    tpu.wait_dma2 semaphore(%dma_wait3A_1506 : memref<!tpu.dma_semaphore, #tpu.memory_space<semaphore_mem>>) src(%dma_wait3A_1512 : memref<128x128xf32, #tpu.memory_space<vmem>>) dst(%dma_wait3A_1508 : memref<128x128xf32, #tpu.memory_space<hbm>>)
    %dma_start3A_1513 = arith.constant 3 : i32
    %dma_start3A_1514 = arith.constant 1 : i32
    %dma_start3A_1515 = arith.constant 1 : i32
    %dma_start3A_1516 = arith.constant 0 : i32
    %dma_start3A_1517 = arith.constant 0 : i32
    %dma_start3A_1518 = tpu.memref_slice %arg15[%dma_start3A_1514, %dma_start3A_1516, %dma_start3A_1517] : memref<7x128x128xf32, #tpu.memory_space<vmem>> -> memref<1x128x128xf32, #tpu.memory_space<vmem>>
    %dma_start3A_1519 = tpu.memref_squeeze %dma_start3A_1518 : memref<1x128x128xf32, #tpu.memory_space<vmem>> -> memref<128x128xf32, #tpu.memory_space<vmem>>
    %dma_start3A_1520 = arith.constant 0 : i32
    %dma_start3A_1521 = tpu.memref_slice %arg14[%dma_start3A_1513, %dma_start3A_1520] : memref<4x128xi32, #tpu.memory_space<vmem>> -> memref<1x128xi32, #tpu.memory_space<vmem>>
    %dma_start3A_1522 = tpu.memref_squeeze %dma_start3A_1521 : memref<1x128xi32, #tpu.memory_space<vmem>> -> memref<128xi32, #tpu.memory_space<vmem>>
    %dma_start3A_1523 = arith.constant 0 : i32
    %dma_start3A_1524 = arith.constant 0 : i32
    %dma_start3A_1525 = tpu.memref_slice %arg6[%dma_start3A_1523, %dma_start3A_1524] : memref<2000x128xf32, #tpu.memory_space<hbm>> -> memref<2000x128xf32, #tpu.memory_space<hbm>>
    %dma_start3A_1526 = tpu.memref_slice %arg16[%dma_start3A_1515] : memref<7x!tpu.dma_semaphore, #tpu.memory_space<semaphore_mem>> -> memref<1x!tpu.dma_semaphore, #tpu.memory_space<semaphore_mem>>
    %dma_start3A_1527 = tpu.memref_squeeze %dma_start3A_1526 : memref<1x!tpu.dma_semaphore, #tpu.memory_space<semaphore_mem>> -> memref<!tpu.dma_semaphore, #tpu.memory_space<semaphore_mem>>
    tpu.enqueue_indirect_dma source(%dma_start3A_1525 : memref<2000x128xf32, #tpu.memory_space<hbm>>) target(%dma_start3A_1519 : memref<128x128xf32, #tpu.memory_space<vmem>>) offsets(%dma_start3A_1522 : memref<128xi32, #tpu.memory_space<vmem>>) semaphore(%dma_start3A_1527 : memref<!tpu.dma_semaphore, #tpu.memory_space<semaphore_mem>>)
    %dma_wait3A_1528 = arith.constant 2 : i32
    %dma_wait3A_1529 = arith.constant 2 : i32
    %dma_wait3A_1530 = arith.constant 2 : i32
    %dma_wait3A_1531 = arith.constant 0 : i32
    %dma_wait3A_1532 = arith.constant 0 : i32
    %dma_wait3A_1533 = tpu.memref_slice %arg15[%dma_wait3A_1529, %dma_wait3A_1531, %dma_wait3A_1532] : memref<7x128x128xf32, #tpu.memory_space<vmem>> -> memref<1x128x128xf32, #tpu.memory_space<vmem>>
    %dma_wait3A_1534 = tpu.memref_squeeze %dma_wait3A_1533 : memref<1x128x128xf32, #tpu.memory_space<vmem>> -> memref<128x128xf32, #tpu.memory_space<vmem>>
    %dma_wait3A_1535 = arith.constant 0 : i32
    %dma_wait3A_1536 = tpu.memref_slice %arg11[%dma_wait3A_1528, %dma_wait3A_1535] : memref<4x128xi32, #tpu.memory_space<vmem>> -> memref<1x128xi32, #tpu.memory_space<vmem>>
    %dma_wait3A_1537 = tpu.memref_squeeze %dma_wait3A_1536 : memref<1x128xi32, #tpu.memory_space<vmem>> -> memref<128xi32, #tpu.memory_space<vmem>>
    %dma_wait3A_1538 = arith.constant 0 : i32
    %dma_wait3A_1539 = arith.constant 0 : i32
    %dma_wait3A_1540 = tpu.memref_slice %arg5[%dma_wait3A_1538, %dma_wait3A_1539] : memref<100000x128xf32, #tpu.memory_space<hbm>> -> memref<100000x128xf32, #tpu.memory_space<hbm>>
    %dma_wait3A_1541 = tpu.memref_slice %arg16[%dma_wait3A_1530] : memref<7x!tpu.dma_semaphore, #tpu.memory_space<semaphore_mem>> -> memref<1x!tpu.dma_semaphore, #tpu.memory_space<semaphore_mem>>
    %dma_wait3A_1542 = tpu.memref_squeeze %dma_wait3A_1541 : memref<1x!tpu.dma_semaphore, #tpu.memory_space<semaphore_mem>> -> memref<!tpu.dma_semaphore, #tpu.memory_space<semaphore_mem>>
    tpu.wait_indirect_dma semaphore(%dma_wait3A_1542 : memref<!tpu.dma_semaphore, #tpu.memory_space<semaphore_mem>>) src(%dma_wait3A_1540 : memref<100000x128xf32, #tpu.memory_space<hbm>>) dst(%dma_wait3A_1534 : memref<128x128xf32, #tpu.memory_space<vmem>>)
    %dma_start3A_1543 = arith.constant 2 : i32
    %dma_start3A_1544 = arith.constant 2 : i32
    %dma_start3A_1545 = arith.constant 0 : i32
    %dma_start3A_1546 = arith.constant 0 : i32
    %dma_start3A_1547 = tpu.memref_slice %arg15[%dma_start3A_1543, %dma_start3A_1545, %dma_start3A_1546] : memref<7x128x128xf32, #tpu.memory_space<vmem>> -> memref<1x128x128xf32, #tpu.memory_space<vmem>>
    %dma_start3A_1548 = tpu.memref_squeeze %dma_start3A_1547 : memref<1x128x128xf32, #tpu.memory_space<vmem>> -> memref<128x128xf32, #tpu.memory_space<vmem>>
    %dma_start3A_1549 = arith.constant 0 : i32
    %dma_start3A_1550 = tpu.memref_slice %arg8[%add3A_28, %dma_start3A_1549] : memref<16384x128xf32, #tpu.memory_space<hbm>> -> memref<128x128xf32, #tpu.memory_space<hbm>>
    %dma_start3A_1551 = tpu.memref_slice %arg17[%dma_start3A_1544] : memref<7x!tpu.dma_semaphore, #tpu.memory_space<semaphore_mem>> -> memref<1x!tpu.dma_semaphore, #tpu.memory_space<semaphore_mem>>
    %dma_start3A_1552 = tpu.memref_squeeze %dma_start3A_1551 : memref<1x!tpu.dma_semaphore, #tpu.memory_space<semaphore_mem>> -> memref<!tpu.dma_semaphore, #tpu.memory_space<semaphore_mem>>
    %dma_start3A_1553 = arith.constant 0 : i32
    %dma_start3A_1554 = tpu.memref_slice %arg8[%add3A_28, %dma_start3A_1553] : memref<16384x128xf32, #tpu.memory_space<hbm>> -> memref<128x128xf32, #tpu.memory_space<hbm>>
    %dma_start3A_1555 = arith.constant 0 : i32
    %dma_start3A_1556 = arith.constant 0 : i32
    %dma_start3A_1557 = tpu.memref_slice %arg15[%dma_start3A_1543, %dma_start3A_1555, %dma_start3A_1556] : memref<7x128x128xf32, #tpu.memory_space<vmem>> -> memref<1x128x128xf32, #tpu.memory_space<vmem>>
    %dma_start3A_1558 = tpu.memref_squeeze %dma_start3A_1557 : memref<1x128x128xf32, #tpu.memory_space<vmem>> -> memref<128x128xf32, #tpu.memory_space<vmem>>
    tpu.enqueue_dma source(%dma_start3A_1558 : memref<128x128xf32, #tpu.memory_space<vmem>>) target(%dma_start3A_1554 : memref<128x128xf32, #tpu.memory_space<hbm>>) target_semaphore(%dma_start3A_1552 : memref<!tpu.dma_semaphore, #tpu.memory_space<semaphore_mem>>)
    %dma_wait3A_1559 = arith.constant 2 : i32
    %dma_wait3A_1560 = arith.constant 3 : i32
    %dma_wait3A_1561 = arith.constant 3 : i32
    %dma_wait3A_1562 = arith.constant 0 : i32
    %dma_wait3A_1563 = arith.constant 0 : i32
    %dma_wait3A_1564 = tpu.memref_slice %arg15[%dma_wait3A_1560, %dma_wait3A_1562, %dma_wait3A_1563] : memref<7x128x128xf32, #tpu.memory_space<vmem>> -> memref<1x128x128xf32, #tpu.memory_space<vmem>>
    %dma_wait3A_1565 = tpu.memref_squeeze %dma_wait3A_1564 : memref<1x128x128xf32, #tpu.memory_space<vmem>> -> memref<128x128xf32, #tpu.memory_space<vmem>>
    %dma_wait3A_1566 = arith.constant 0 : i32
    %dma_wait3A_1567 = tpu.memref_slice %arg13[%dma_wait3A_1559, %dma_wait3A_1566] : memref<4x128xi32, #tpu.memory_space<vmem>> -> memref<1x128xi32, #tpu.memory_space<vmem>>
    %dma_wait3A_1568 = tpu.memref_squeeze %dma_wait3A_1567 : memref<1x128xi32, #tpu.memory_space<vmem>> -> memref<128xi32, #tpu.memory_space<vmem>>
    %dma_wait3A_1569 = arith.constant 0 : i32
    %dma_wait3A_1570 = arith.constant 0 : i32
    %dma_wait3A_1571 = tpu.memref_slice %arg6[%dma_wait3A_1569, %dma_wait3A_1570] : memref<2000x128xf32, #tpu.memory_space<hbm>> -> memref<2000x128xf32, #tpu.memory_space<hbm>>
    %dma_wait3A_1572 = tpu.memref_slice %arg16[%dma_wait3A_1561] : memref<7x!tpu.dma_semaphore, #tpu.memory_space<semaphore_mem>> -> memref<1x!tpu.dma_semaphore, #tpu.memory_space<semaphore_mem>>
    %dma_wait3A_1573 = tpu.memref_squeeze %dma_wait3A_1572 : memref<1x!tpu.dma_semaphore, #tpu.memory_space<semaphore_mem>> -> memref<!tpu.dma_semaphore, #tpu.memory_space<semaphore_mem>>
    tpu.wait_indirect_dma semaphore(%dma_wait3A_1573 : memref<!tpu.dma_semaphore, #tpu.memory_space<semaphore_mem>>) src(%dma_wait3A_1571 : memref<2000x128xf32, #tpu.memory_space<hbm>>) dst(%dma_wait3A_1565 : memref<128x128xf32, #tpu.memory_space<vmem>>)
    %dma_start3A_1574 = arith.constant 3 : i32
    %dma_start3A_1575 = arith.constant 3 : i32
    %dma_start3A_1576 = arith.constant 0 : i32
    %dma_start3A_1577 = arith.constant 0 : i32
    %dma_start3A_1578 = tpu.memref_slice %arg15[%dma_start3A_1574, %dma_start3A_1576, %dma_start3A_1577] : memref<7x128x128xf32, #tpu.memory_space<vmem>> -> memref<1x128x128xf32, #tpu.memory_space<vmem>>
    %dma_start3A_1579 = tpu.memref_squeeze %dma_start3A_1578 : memref<1x128x128xf32, #tpu.memory_space<vmem>> -> memref<128x128xf32, #tpu.memory_space<vmem>>
    %dma_start3A_1580 = arith.constant 0 : i32
    %dma_start3A_1581 = tpu.memref_slice %arg9[%add3A_28, %dma_start3A_1580] : memref<16384x256xf32, #tpu.memory_space<hbm>> -> memref<128x128xf32, #tpu.memory_space<hbm>>
    %dma_start3A_1582 = tpu.memref_slice %arg17[%dma_start3A_1575] : memref<7x!tpu.dma_semaphore, #tpu.memory_space<semaphore_mem>> -> memref<1x!tpu.dma_semaphore, #tpu.memory_space<semaphore_mem>>
    %dma_start3A_1583 = tpu.memref_squeeze %dma_start3A_1582 : memref<1x!tpu.dma_semaphore, #tpu.memory_space<semaphore_mem>> -> memref<!tpu.dma_semaphore, #tpu.memory_space<semaphore_mem>>
    %dma_start3A_1584 = arith.constant 0 : i32
    %dma_start3A_1585 = tpu.memref_slice %arg9[%add3A_28, %dma_start3A_1584] : memref<16384x256xf32, #tpu.memory_space<hbm>> -> memref<128x128xf32, #tpu.memory_space<hbm>>
    %dma_start3A_1586 = arith.constant 0 : i32
    %dma_start3A_1587 = arith.constant 0 : i32
    %dma_start3A_1588 = tpu.memref_slice %arg15[%dma_start3A_1574, %dma_start3A_1586, %dma_start3A_1587] : memref<7x128x128xf32, #tpu.memory_space<vmem>> -> memref<1x128x128xf32, #tpu.memory_space<vmem>>
    %dma_start3A_1589 = tpu.memref_squeeze %dma_start3A_1588 : memref<1x128x128xf32, #tpu.memory_space<vmem>> -> memref<128x128xf32, #tpu.memory_space<vmem>>
    tpu.enqueue_dma source(%dma_start3A_1589 : memref<128x128xf32, #tpu.memory_space<vmem>>) target(%dma_start3A_1585 : memref<128x128xf32, #tpu.memory_space<hbm>>) target_semaphore(%dma_start3A_1583 : memref<!tpu.dma_semaphore, #tpu.memory_space<semaphore_mem>>)
    %dma_wait3A_1590 = arith.constant 2 : i32
    %dma_wait3A_1591 = arith.constant 4 : i32
    %dma_wait3A_1592 = arith.constant 4 : i32
    %dma_wait3A_1593 = arith.constant 0 : i32
    %dma_wait3A_1594 = arith.constant 0 : i32
    %dma_wait3A_1595 = tpu.memref_slice %arg15[%dma_wait3A_1591, %dma_wait3A_1593, %dma_wait3A_1594] : memref<7x128x128xf32, #tpu.memory_space<vmem>> -> memref<1x128x128xf32, #tpu.memory_space<vmem>>
    %dma_wait3A_1596 = tpu.memref_squeeze %dma_wait3A_1595 : memref<1x128x128xf32, #tpu.memory_space<vmem>> -> memref<128x128xf32, #tpu.memory_space<vmem>>
    %dma_wait3A_1597 = arith.constant 0 : i32
    %dma_wait3A_1598 = tpu.memref_slice %arg14[%dma_wait3A_1590, %dma_wait3A_1597] : memref<4x128xi32, #tpu.memory_space<vmem>> -> memref<1x128xi32, #tpu.memory_space<vmem>>
    %dma_wait3A_1599 = tpu.memref_squeeze %dma_wait3A_1598 : memref<1x128xi32, #tpu.memory_space<vmem>> -> memref<128xi32, #tpu.memory_space<vmem>>
    %dma_wait3A_1600 = arith.constant 0 : i32
    %dma_wait3A_1601 = arith.constant 0 : i32
    %dma_wait3A_1602 = tpu.memref_slice %arg6[%dma_wait3A_1600, %dma_wait3A_1601] : memref<2000x128xf32, #tpu.memory_space<hbm>> -> memref<2000x128xf32, #tpu.memory_space<hbm>>
    %dma_wait3A_1603 = tpu.memref_slice %arg16[%dma_wait3A_1592] : memref<7x!tpu.dma_semaphore, #tpu.memory_space<semaphore_mem>> -> memref<1x!tpu.dma_semaphore, #tpu.memory_space<semaphore_mem>>
    %dma_wait3A_1604 = tpu.memref_squeeze %dma_wait3A_1603 : memref<1x!tpu.dma_semaphore, #tpu.memory_space<semaphore_mem>> -> memref<!tpu.dma_semaphore, #tpu.memory_space<semaphore_mem>>
    tpu.wait_indirect_dma semaphore(%dma_wait3A_1604 : memref<!tpu.dma_semaphore, #tpu.memory_space<semaphore_mem>>) src(%dma_wait3A_1602 : memref<2000x128xf32, #tpu.memory_space<hbm>>) dst(%dma_wait3A_1596 : memref<128x128xf32, #tpu.memory_space<vmem>>)
    %dma_start3A_1605 = arith.constant 4 : i32
    %dma_start3A_1606 = arith.constant 4 : i32
    %dma_start3A_1607 = arith.constant 0 : i32
    %dma_start3A_1608 = arith.constant 0 : i32
    %dma_start3A_1609 = tpu.memref_slice %arg15[%dma_start3A_1605, %dma_start3A_1607, %dma_start3A_1608] : memref<7x128x128xf32, #tpu.memory_space<vmem>> -> memref<1x128x128xf32, #tpu.memory_space<vmem>>
    %dma_start3A_1610 = tpu.memref_squeeze %dma_start3A_1609 : memref<1x128x128xf32, #tpu.memory_space<vmem>> -> memref<128x128xf32, #tpu.memory_space<vmem>>
    %dma_start3A_1611 = arith.constant 128 : i32
    %dma_start3A_1612 = tpu.memref_slice %arg9[%add3A_28, %dma_start3A_1611] : memref<16384x256xf32, #tpu.memory_space<hbm>> -> memref<128x128xf32, #tpu.memory_space<hbm>>
    %dma_start3A_1613 = tpu.memref_slice %arg17[%dma_start3A_1606] : memref<7x!tpu.dma_semaphore, #tpu.memory_space<semaphore_mem>> -> memref<1x!tpu.dma_semaphore, #tpu.memory_space<semaphore_mem>>
    %dma_start3A_1614 = tpu.memref_squeeze %dma_start3A_1613 : memref<1x!tpu.dma_semaphore, #tpu.memory_space<semaphore_mem>> -> memref<!tpu.dma_semaphore, #tpu.memory_space<semaphore_mem>>
    %dma_start3A_1615 = arith.constant 128 : i32
    %dma_start3A_1616 = tpu.memref_slice %arg9[%add3A_28, %dma_start3A_1615] : memref<16384x256xf32, #tpu.memory_space<hbm>> -> memref<128x128xf32, #tpu.memory_space<hbm>>
    %dma_start3A_1617 = arith.constant 0 : i32
    %dma_start3A_1618 = arith.constant 0 : i32
    %dma_start3A_1619 = tpu.memref_slice %arg15[%dma_start3A_1605, %dma_start3A_1617, %dma_start3A_1618] : memref<7x128x128xf32, #tpu.memory_space<vmem>> -> memref<1x128x128xf32, #tpu.memory_space<vmem>>
    %dma_start3A_1620 = tpu.memref_squeeze %dma_start3A_1619 : memref<1x128x128xf32, #tpu.memory_space<vmem>> -> memref<128x128xf32, #tpu.memory_space<vmem>>
    tpu.enqueue_dma source(%dma_start3A_1620 : memref<128x128xf32, #tpu.memory_space<vmem>>) target(%dma_start3A_1616 : memref<128x128xf32, #tpu.memory_space<hbm>>) target_semaphore(%dma_start3A_1614 : memref<!tpu.dma_semaphore, #tpu.memory_space<semaphore_mem>>)
    %dma_wait3A_1621 = arith.constant 3 : i32
    %dma_wait3A_1622 = arith.constant 5 : i32
    %dma_wait3A_1623 = arith.constant 5 : i32
    %dma_wait3A_1624 = arith.constant 0 : i32
    %dma_wait3A_1625 = arith.constant 0 : i32
    %dma_wait3A_1626 = tpu.memref_slice %arg15[%dma_wait3A_1622, %dma_wait3A_1624, %dma_wait3A_1625] : memref<7x128x128xf32, #tpu.memory_space<vmem>> -> memref<1x128x128xf32, #tpu.memory_space<vmem>>
    %dma_wait3A_1627 = tpu.memref_squeeze %dma_wait3A_1626 : memref<1x128x128xf32, #tpu.memory_space<vmem>> -> memref<128x128xf32, #tpu.memory_space<vmem>>
    %dma_wait3A_1628 = arith.constant 0 : i32
    %dma_wait3A_1629 = tpu.memref_slice %arg10[%dma_wait3A_1621, %dma_wait3A_1628] : memref<4x128xi32, #tpu.memory_space<vmem>> -> memref<1x128xi32, #tpu.memory_space<vmem>>
    %dma_wait3A_1630 = tpu.memref_squeeze %dma_wait3A_1629 : memref<1x128xi32, #tpu.memory_space<vmem>> -> memref<128xi32, #tpu.memory_space<vmem>>
    %dma_wait3A_1631 = arith.constant 0 : i32
    %dma_wait3A_1632 = arith.constant 0 : i32
    %dma_wait3A_1633 = tpu.memref_slice %arg5[%dma_wait3A_1631, %dma_wait3A_1632] : memref<100000x128xf32, #tpu.memory_space<hbm>> -> memref<100000x128xf32, #tpu.memory_space<hbm>>
    %dma_wait3A_1634 = tpu.memref_slice %arg16[%dma_wait3A_1623] : memref<7x!tpu.dma_semaphore, #tpu.memory_space<semaphore_mem>> -> memref<1x!tpu.dma_semaphore, #tpu.memory_space<semaphore_mem>>
    %dma_wait3A_1635 = tpu.memref_squeeze %dma_wait3A_1634 : memref<1x!tpu.dma_semaphore, #tpu.memory_space<semaphore_mem>> -> memref<!tpu.dma_semaphore, #tpu.memory_space<semaphore_mem>>
    tpu.wait_indirect_dma semaphore(%dma_wait3A_1635 : memref<!tpu.dma_semaphore, #tpu.memory_space<semaphore_mem>>) src(%dma_wait3A_1633 : memref<100000x128xf32, #tpu.memory_space<hbm>>) dst(%dma_wait3A_1627 : memref<128x128xf32, #tpu.memory_space<vmem>>)
    %dma_start3A_1636 = arith.constant 5 : i32
    %dma_start3A_1637 = arith.constant 5 : i32
    %dma_start3A_1638 = arith.constant 0 : i32
    %dma_start3A_1639 = arith.constant 0 : i32
    %dma_start3A_1640 = tpu.memref_slice %arg15[%dma_start3A_1636, %dma_start3A_1638, %dma_start3A_1639] : memref<7x128x128xf32, #tpu.memory_space<vmem>> -> memref<1x128x128xf32, #tpu.memory_space<vmem>>
    %dma_start3A_1641 = tpu.memref_squeeze %dma_start3A_1640 : memref<1x128x128xf32, #tpu.memory_space<vmem>> -> memref<128x128xf32, #tpu.memory_space<vmem>>
    %dma_start3A_1642 = arith.constant 0 : i32
    %dma_start3A_1643 = tpu.memref_slice %arg7[%add3A_30, %dma_start3A_1642] : memref<16384x128xf32, #tpu.memory_space<hbm>> -> memref<128x128xf32, #tpu.memory_space<hbm>>
    %dma_start3A_1644 = tpu.memref_slice %arg17[%dma_start3A_1637] : memref<7x!tpu.dma_semaphore, #tpu.memory_space<semaphore_mem>> -> memref<1x!tpu.dma_semaphore, #tpu.memory_space<semaphore_mem>>
    %dma_start3A_1645 = tpu.memref_squeeze %dma_start3A_1644 : memref<1x!tpu.dma_semaphore, #tpu.memory_space<semaphore_mem>> -> memref<!tpu.dma_semaphore, #tpu.memory_space<semaphore_mem>>
    %dma_start3A_1646 = arith.constant 0 : i32
    %dma_start3A_1647 = tpu.memref_slice %arg7[%add3A_30, %dma_start3A_1646] : memref<16384x128xf32, #tpu.memory_space<hbm>> -> memref<128x128xf32, #tpu.memory_space<hbm>>
    %dma_start3A_1648 = arith.constant 0 : i32
    %dma_start3A_1649 = arith.constant 0 : i32
    %dma_start3A_1650 = tpu.memref_slice %arg15[%dma_start3A_1636, %dma_start3A_1648, %dma_start3A_1649] : memref<7x128x128xf32, #tpu.memory_space<vmem>> -> memref<1x128x128xf32, #tpu.memory_space<vmem>>
    %dma_start3A_1651 = tpu.memref_squeeze %dma_start3A_1650 : memref<1x128x128xf32, #tpu.memory_space<vmem>> -> memref<128x128xf32, #tpu.memory_space<vmem>>
    tpu.enqueue_dma source(%dma_start3A_1651 : memref<128x128xf32, #tpu.memory_space<vmem>>) target(%dma_start3A_1647 : memref<128x128xf32, #tpu.memory_space<hbm>>) target_semaphore(%dma_start3A_1645 : memref<!tpu.dma_semaphore, #tpu.memory_space<semaphore_mem>>)
    %dma_wait3A_1652 = arith.constant 3 : i32
    %dma_wait3A_1653 = arith.constant 6 : i32
    %dma_wait3A_1654 = arith.constant 6 : i32
    %dma_wait3A_1655 = arith.constant 0 : i32
    %dma_wait3A_1656 = arith.constant 0 : i32
    %dma_wait3A_1657 = tpu.memref_slice %arg15[%dma_wait3A_1653, %dma_wait3A_1655, %dma_wait3A_1656] : memref<7x128x128xf32, #tpu.memory_space<vmem>> -> memref<1x128x128xf32, #tpu.memory_space<vmem>>
    %dma_wait3A_1658 = tpu.memref_squeeze %dma_wait3A_1657 : memref<1x128x128xf32, #tpu.memory_space<vmem>> -> memref<128x128xf32, #tpu.memory_space<vmem>>
    %dma_wait3A_1659 = arith.constant 0 : i32
    %dma_wait3A_1660 = tpu.memref_slice %arg11[%dma_wait3A_1652, %dma_wait3A_1659] : memref<4x128xi32, #tpu.memory_space<vmem>> -> memref<1x128xi32, #tpu.memory_space<vmem>>
    %dma_wait3A_1661 = tpu.memref_squeeze %dma_wait3A_1660 : memref<1x128xi32, #tpu.memory_space<vmem>> -> memref<128xi32, #tpu.memory_space<vmem>>
    %dma_wait3A_1662 = arith.constant 0 : i32
    %dma_wait3A_1663 = arith.constant 0 : i32
    %dma_wait3A_1664 = tpu.memref_slice %arg5[%dma_wait3A_1662, %dma_wait3A_1663] : memref<100000x128xf32, #tpu.memory_space<hbm>> -> memref<100000x128xf32, #tpu.memory_space<hbm>>
    %dma_wait3A_1665 = tpu.memref_slice %arg16[%dma_wait3A_1654] : memref<7x!tpu.dma_semaphore, #tpu.memory_space<semaphore_mem>> -> memref<1x!tpu.dma_semaphore, #tpu.memory_space<semaphore_mem>>
    %dma_wait3A_1666 = tpu.memref_squeeze %dma_wait3A_1665 : memref<1x!tpu.dma_semaphore, #tpu.memory_space<semaphore_mem>> -> memref<!tpu.dma_semaphore, #tpu.memory_space<semaphore_mem>>
    tpu.wait_indirect_dma semaphore(%dma_wait3A_1666 : memref<!tpu.dma_semaphore, #tpu.memory_space<semaphore_mem>>) src(%dma_wait3A_1664 : memref<100000x128xf32, #tpu.memory_space<hbm>>) dst(%dma_wait3A_1658 : memref<128x128xf32, #tpu.memory_space<vmem>>)
    %dma_start3A_1667 = arith.constant 6 : i32
    %dma_start3A_1668 = arith.constant 6 : i32
    %dma_start3A_1669 = arith.constant 0 : i32
    %dma_start3A_1670 = arith.constant 0 : i32
    %dma_start3A_1671 = tpu.memref_slice %arg15[%dma_start3A_1667, %dma_start3A_1669, %dma_start3A_1670] : memref<7x128x128xf32, #tpu.memory_space<vmem>> -> memref<1x128x128xf32, #tpu.memory_space<vmem>>
    %dma_start3A_1672 = tpu.memref_squeeze %dma_start3A_1671 : memref<1x128x128xf32, #tpu.memory_space<vmem>> -> memref<128x128xf32, #tpu.memory_space<vmem>>
    %dma_start3A_1673 = arith.constant 0 : i32
    %dma_start3A_1674 = tpu.memref_slice %arg8[%add3A_30, %dma_start3A_1673] : memref<16384x128xf32, #tpu.memory_space<hbm>> -> memref<128x128xf32, #tpu.memory_space<hbm>>
    %dma_start3A_1675 = tpu.memref_slice %arg17[%dma_start3A_1668] : memref<7x!tpu.dma_semaphore, #tpu.memory_space<semaphore_mem>> -> memref<1x!tpu.dma_semaphore, #tpu.memory_space<semaphore_mem>>
    %dma_start3A_1676 = tpu.memref_squeeze %dma_start3A_1675 : memref<1x!tpu.dma_semaphore, #tpu.memory_space<semaphore_mem>> -> memref<!tpu.dma_semaphore, #tpu.memory_space<semaphore_mem>>
    %dma_start3A_1677 = arith.constant 0 : i32
    %dma_start3A_1678 = tpu.memref_slice %arg8[%add3A_30, %dma_start3A_1677] : memref<16384x128xf32, #tpu.memory_space<hbm>> -> memref<128x128xf32, #tpu.memory_space<hbm>>
    %dma_start3A_1679 = arith.constant 0 : i32
    %dma_start3A_1680 = arith.constant 0 : i32
    %dma_start3A_1681 = tpu.memref_slice %arg15[%dma_start3A_1667, %dma_start3A_1679, %dma_start3A_1680] : memref<7x128x128xf32, #tpu.memory_space<vmem>> -> memref<1x128x128xf32, #tpu.memory_space<vmem>>
    %dma_start3A_1682 = tpu.memref_squeeze %dma_start3A_1681 : memref<1x128x128xf32, #tpu.memory_space<vmem>> -> memref<128x128xf32, #tpu.memory_space<vmem>>
    tpu.enqueue_dma source(%dma_start3A_1682 : memref<128x128xf32, #tpu.memory_space<vmem>>) target(%dma_start3A_1678 : memref<128x128xf32, #tpu.memory_space<hbm>>) target_semaphore(%dma_start3A_1676 : memref<!tpu.dma_semaphore, #tpu.memory_space<semaphore_mem>>)
    %dma_wait3A_1683 = arith.constant 3 : i32
    %dma_wait3A_1684 = arith.constant 0 : i32
    %dma_wait3A_1685 = arith.constant 0 : i32
    %dma_wait3A_1686 = arith.constant 0 : i32
    %dma_wait3A_1687 = arith.constant 0 : i32
    %dma_wait3A_1688 = tpu.memref_slice %arg15[%dma_wait3A_1684, %dma_wait3A_1686, %dma_wait3A_1687] : memref<7x128x128xf32, #tpu.memory_space<vmem>> -> memref<1x128x128xf32, #tpu.memory_space<vmem>>
    %dma_wait3A_1689 = tpu.memref_squeeze %dma_wait3A_1688 : memref<1x128x128xf32, #tpu.memory_space<vmem>> -> memref<128x128xf32, #tpu.memory_space<vmem>>
    %dma_wait3A_1690 = arith.constant 0 : i32
    %dma_wait3A_1691 = tpu.memref_slice %arg13[%dma_wait3A_1683, %dma_wait3A_1690] : memref<4x128xi32, #tpu.memory_space<vmem>> -> memref<1x128xi32, #tpu.memory_space<vmem>>
    %dma_wait3A_1692 = tpu.memref_squeeze %dma_wait3A_1691 : memref<1x128xi32, #tpu.memory_space<vmem>> -> memref<128xi32, #tpu.memory_space<vmem>>
    %dma_wait3A_1693 = arith.constant 0 : i32
    %dma_wait3A_1694 = arith.constant 0 : i32
    %dma_wait3A_1695 = tpu.memref_slice %arg6[%dma_wait3A_1693, %dma_wait3A_1694] : memref<2000x128xf32, #tpu.memory_space<hbm>> -> memref<2000x128xf32, #tpu.memory_space<hbm>>
    %dma_wait3A_1696 = tpu.memref_slice %arg16[%dma_wait3A_1685] : memref<7x!tpu.dma_semaphore, #tpu.memory_space<semaphore_mem>> -> memref<1x!tpu.dma_semaphore, #tpu.memory_space<semaphore_mem>>
    %dma_wait3A_1697 = tpu.memref_squeeze %dma_wait3A_1696 : memref<1x!tpu.dma_semaphore, #tpu.memory_space<semaphore_mem>> -> memref<!tpu.dma_semaphore, #tpu.memory_space<semaphore_mem>>
    tpu.wait_indirect_dma semaphore(%dma_wait3A_1697 : memref<!tpu.dma_semaphore, #tpu.memory_space<semaphore_mem>>) src(%dma_wait3A_1695 : memref<2000x128xf32, #tpu.memory_space<hbm>>) dst(%dma_wait3A_1689 : memref<128x128xf32, #tpu.memory_space<vmem>>)
    %dma_start3A_1698 = arith.constant 0 : i32
    %dma_start3A_1699 = arith.constant 0 : i32
    %dma_start3A_1700 = arith.constant 0 : i32
    %dma_start3A_1701 = arith.constant 0 : i32
    %dma_start3A_1702 = tpu.memref_slice %arg15[%dma_start3A_1698, %dma_start3A_1700, %dma_start3A_1701] : memref<7x128x128xf32, #tpu.memory_space<vmem>> -> memref<1x128x128xf32, #tpu.memory_space<vmem>>
    %dma_start3A_1703 = tpu.memref_squeeze %dma_start3A_1702 : memref<1x128x128xf32, #tpu.memory_space<vmem>> -> memref<128x128xf32, #tpu.memory_space<vmem>>
    %dma_start3A_1704 = arith.constant 0 : i32
    %dma_start3A_1705 = tpu.memref_slice %arg9[%add3A_30, %dma_start3A_1704] : memref<16384x256xf32, #tpu.memory_space<hbm>> -> memref<128x128xf32, #tpu.memory_space<hbm>>
    %dma_start3A_1706 = tpu.memref_slice %arg17[%dma_start3A_1699] : memref<7x!tpu.dma_semaphore, #tpu.memory_space<semaphore_mem>> -> memref<1x!tpu.dma_semaphore, #tpu.memory_space<semaphore_mem>>
    %dma_start3A_1707 = tpu.memref_squeeze %dma_start3A_1706 : memref<1x!tpu.dma_semaphore, #tpu.memory_space<semaphore_mem>> -> memref<!tpu.dma_semaphore, #tpu.memory_space<semaphore_mem>>
    %dma_start3A_1708 = arith.constant 0 : i32
    %dma_start3A_1709 = tpu.memref_slice %arg9[%add3A_30, %dma_start3A_1708] : memref<16384x256xf32, #tpu.memory_space<hbm>> -> memref<128x128xf32, #tpu.memory_space<hbm>>
    %dma_start3A_1710 = arith.constant 0 : i32
    %dma_start3A_1711 = arith.constant 0 : i32
    %dma_start3A_1712 = tpu.memref_slice %arg15[%dma_start3A_1698, %dma_start3A_1710, %dma_start3A_1711] : memref<7x128x128xf32, #tpu.memory_space<vmem>> -> memref<1x128x128xf32, #tpu.memory_space<vmem>>
    %dma_start3A_1713 = tpu.memref_squeeze %dma_start3A_1712 : memref<1x128x128xf32, #tpu.memory_space<vmem>> -> memref<128x128xf32, #tpu.memory_space<vmem>>
    tpu.enqueue_dma source(%dma_start3A_1713 : memref<128x128xf32, #tpu.memory_space<vmem>>) target(%dma_start3A_1709 : memref<128x128xf32, #tpu.memory_space<hbm>>) target_semaphore(%dma_start3A_1707 : memref<!tpu.dma_semaphore, #tpu.memory_space<semaphore_mem>>)
    %dma_wait3A_1714 = arith.constant 3 : i32
    %dma_wait3A_1715 = arith.constant 1 : i32
    %dma_wait3A_1716 = arith.constant 1 : i32
    %dma_wait3A_1717 = arith.constant 0 : i32
    %dma_wait3A_1718 = arith.constant 0 : i32
    %dma_wait3A_1719 = tpu.memref_slice %arg15[%dma_wait3A_1715, %dma_wait3A_1717, %dma_wait3A_1718] : memref<7x128x128xf32, #tpu.memory_space<vmem>> -> memref<1x128x128xf32, #tpu.memory_space<vmem>>
    %dma_wait3A_1720 = tpu.memref_squeeze %dma_wait3A_1719 : memref<1x128x128xf32, #tpu.memory_space<vmem>> -> memref<128x128xf32, #tpu.memory_space<vmem>>
    %dma_wait3A_1721 = arith.constant 0 : i32
    %dma_wait3A_1722 = tpu.memref_slice %arg14[%dma_wait3A_1714, %dma_wait3A_1721] : memref<4x128xi32, #tpu.memory_space<vmem>> -> memref<1x128xi32, #tpu.memory_space<vmem>>
    %dma_wait3A_1723 = tpu.memref_squeeze %dma_wait3A_1722 : memref<1x128xi32, #tpu.memory_space<vmem>> -> memref<128xi32, #tpu.memory_space<vmem>>
    %dma_wait3A_1724 = arith.constant 0 : i32
    %dma_wait3A_1725 = arith.constant 0 : i32
    %dma_wait3A_1726 = tpu.memref_slice %arg6[%dma_wait3A_1724, %dma_wait3A_1725] : memref<2000x128xf32, #tpu.memory_space<hbm>> -> memref<2000x128xf32, #tpu.memory_space<hbm>>
    %dma_wait3A_1727 = tpu.memref_slice %arg16[%dma_wait3A_1716] : memref<7x!tpu.dma_semaphore, #tpu.memory_space<semaphore_mem>> -> memref<1x!tpu.dma_semaphore, #tpu.memory_space<semaphore_mem>>
    %dma_wait3A_1728 = tpu.memref_squeeze %dma_wait3A_1727 : memref<1x!tpu.dma_semaphore, #tpu.memory_space<semaphore_mem>> -> memref<!tpu.dma_semaphore, #tpu.memory_space<semaphore_mem>>
    tpu.wait_indirect_dma semaphore(%dma_wait3A_1728 : memref<!tpu.dma_semaphore, #tpu.memory_space<semaphore_mem>>) src(%dma_wait3A_1726 : memref<2000x128xf32, #tpu.memory_space<hbm>>) dst(%dma_wait3A_1720 : memref<128x128xf32, #tpu.memory_space<vmem>>)
    %dma_start3A_1729 = arith.constant 1 : i32
    %dma_start3A_1730 = arith.constant 1 : i32
    %dma_start3A_1731 = arith.constant 0 : i32
    %dma_start3A_1732 = arith.constant 0 : i32
    %dma_start3A_1733 = tpu.memref_slice %arg15[%dma_start3A_1729, %dma_start3A_1731, %dma_start3A_1732] : memref<7x128x128xf32, #tpu.memory_space<vmem>> -> memref<1x128x128xf32, #tpu.memory_space<vmem>>
    %dma_start3A_1734 = tpu.memref_squeeze %dma_start3A_1733 : memref<1x128x128xf32, #tpu.memory_space<vmem>> -> memref<128x128xf32, #tpu.memory_space<vmem>>
    %dma_start3A_1735 = arith.constant 128 : i32
    %dma_start3A_1736 = tpu.memref_slice %arg9[%add3A_30, %dma_start3A_1735] : memref<16384x256xf32, #tpu.memory_space<hbm>> -> memref<128x128xf32, #tpu.memory_space<hbm>>
    %dma_start3A_1737 = tpu.memref_slice %arg17[%dma_start3A_1730] : memref<7x!tpu.dma_semaphore, #tpu.memory_space<semaphore_mem>> -> memref<1x!tpu.dma_semaphore, #tpu.memory_space<semaphore_mem>>
    %dma_start3A_1738 = tpu.memref_squeeze %dma_start3A_1737 : memref<1x!tpu.dma_semaphore, #tpu.memory_space<semaphore_mem>> -> memref<!tpu.dma_semaphore, #tpu.memory_space<semaphore_mem>>
    %dma_start3A_1739 = arith.constant 128 : i32
    %dma_start3A_1740 = tpu.memref_slice %arg9[%add3A_30, %dma_start3A_1739] : memref<16384x256xf32, #tpu.memory_space<hbm>> -> memref<128x128xf32, #tpu.memory_space<hbm>>
    %dma_start3A_1741 = arith.constant 0 : i32
    %dma_start3A_1742 = arith.constant 0 : i32
    %dma_start3A_1743 = tpu.memref_slice %arg15[%dma_start3A_1729, %dma_start3A_1741, %dma_start3A_1742] : memref<7x128x128xf32, #tpu.memory_space<vmem>> -> memref<1x128x128xf32, #tpu.memory_space<vmem>>
    %dma_start3A_1744 = tpu.memref_squeeze %dma_start3A_1743 : memref<1x128x128xf32, #tpu.memory_space<vmem>> -> memref<128x128xf32, #tpu.memory_space<vmem>>
    tpu.enqueue_dma source(%dma_start3A_1744 : memref<128x128xf32, #tpu.memory_space<vmem>>) target(%dma_start3A_1740 : memref<128x128xf32, #tpu.memory_space<hbm>>) target_semaphore(%dma_start3A_1738 : memref<!tpu.dma_semaphore, #tpu.memory_space<semaphore_mem>>)
    %dma_wait3A_1745 = arith.constant 2 : i32
    %dma_wait3A_1746 = arith.constant 2 : i32
    %dma_wait3A_1747 = arith.constant 0 : i32
    %dma_wait3A_1748 = arith.constant 0 : i32
    %dma_wait3A_1749 = tpu.memref_slice %arg15[%dma_wait3A_1745, %dma_wait3A_1747, %dma_wait3A_1748] : memref<7x128x128xf32, #tpu.memory_space<vmem>> -> memref<1x128x128xf32, #tpu.memory_space<vmem>>
    %dma_wait3A_1750 = tpu.memref_squeeze %dma_wait3A_1749 : memref<1x128x128xf32, #tpu.memory_space<vmem>> -> memref<128x128xf32, #tpu.memory_space<vmem>>
    %dma_wait3A_1751 = arith.constant 0 : i32
    %dma_wait3A_1752 = tpu.memref_slice %arg8[%add3A_28, %dma_wait3A_1751] : memref<16384x128xf32, #tpu.memory_space<hbm>> -> memref<128x128xf32, #tpu.memory_space<hbm>>
    %dma_wait3A_1753 = tpu.memref_slice %arg17[%dma_wait3A_1746] : memref<7x!tpu.dma_semaphore, #tpu.memory_space<semaphore_mem>> -> memref<1x!tpu.dma_semaphore, #tpu.memory_space<semaphore_mem>>
    %dma_wait3A_1754 = tpu.memref_squeeze %dma_wait3A_1753 : memref<1x!tpu.dma_semaphore, #tpu.memory_space<semaphore_mem>> -> memref<!tpu.dma_semaphore, #tpu.memory_space<semaphore_mem>>
    %dma_wait3A_1755 = arith.constant 0 : i32
    %dma_wait3A_1756 = tpu.memref_slice %arg8[%add3A_28, %dma_wait3A_1755] : memref<16384x128xf32, #tpu.memory_space<hbm>> -> memref<128x128xf32, #tpu.memory_space<hbm>>
    %dma_wait3A_1757 = arith.constant 0 : i32
    %dma_wait3A_1758 = arith.constant 0 : i32
    %dma_wait3A_1759 = tpu.memref_slice %arg15[%dma_wait3A_1745, %dma_wait3A_1757, %dma_wait3A_1758] : memref<7x128x128xf32, #tpu.memory_space<vmem>> -> memref<1x128x128xf32, #tpu.memory_space<vmem>>
    %dma_wait3A_1760 = tpu.memref_squeeze %dma_wait3A_1759 : memref<1x128x128xf32, #tpu.memory_space<vmem>> -> memref<128x128xf32, #tpu.memory_space<vmem>>
    tpu.wait_dma2 semaphore(%dma_wait3A_1754 : memref<!tpu.dma_semaphore, #tpu.memory_space<semaphore_mem>>) src(%dma_wait3A_1760 : memref<128x128xf32, #tpu.memory_space<vmem>>) dst(%dma_wait3A_1756 : memref<128x128xf32, #tpu.memory_space<hbm>>)
    %dma_wait3A_1761 = arith.constant 3 : i32
    %dma_wait3A_1762 = arith.constant 3 : i32
    %dma_wait3A_1763 = arith.constant 0 : i32
    %dma_wait3A_1764 = arith.constant 0 : i32
    %dma_wait3A_1765 = tpu.memref_slice %arg15[%dma_wait3A_1761, %dma_wait3A_1763, %dma_wait3A_1764] : memref<7x128x128xf32, #tpu.memory_space<vmem>> -> memref<1x128x128xf32, #tpu.memory_space<vmem>>
    %dma_wait3A_1766 = tpu.memref_squeeze %dma_wait3A_1765 : memref<1x128x128xf32, #tpu.memory_space<vmem>> -> memref<128x128xf32, #tpu.memory_space<vmem>>
    %dma_wait3A_1767 = arith.constant 0 : i32
    %dma_wait3A_1768 = tpu.memref_slice %arg9[%add3A_28, %dma_wait3A_1767] : memref<16384x256xf32, #tpu.memory_space<hbm>> -> memref<128x128xf32, #tpu.memory_space<hbm>>
    %dma_wait3A_1769 = tpu.memref_slice %arg17[%dma_wait3A_1762] : memref<7x!tpu.dma_semaphore, #tpu.memory_space<semaphore_mem>> -> memref<1x!tpu.dma_semaphore, #tpu.memory_space<semaphore_mem>>
    %dma_wait3A_1770 = tpu.memref_squeeze %dma_wait3A_1769 : memref<1x!tpu.dma_semaphore, #tpu.memory_space<semaphore_mem>> -> memref<!tpu.dma_semaphore, #tpu.memory_space<semaphore_mem>>
    %dma_wait3A_1771 = arith.constant 0 : i32
    %dma_wait3A_1772 = tpu.memref_slice %arg9[%add3A_28, %dma_wait3A_1771] : memref<16384x256xf32, #tpu.memory_space<hbm>> -> memref<128x128xf32, #tpu.memory_space<hbm>>
    %dma_wait3A_1773 = arith.constant 0 : i32
    %dma_wait3A_1774 = arith.constant 0 : i32
    %dma_wait3A_1775 = tpu.memref_slice %arg15[%dma_wait3A_1761, %dma_wait3A_1773, %dma_wait3A_1774] : memref<7x128x128xf32, #tpu.memory_space<vmem>> -> memref<1x128x128xf32, #tpu.memory_space<vmem>>
    %dma_wait3A_1776 = tpu.memref_squeeze %dma_wait3A_1775 : memref<1x128x128xf32, #tpu.memory_space<vmem>> -> memref<128x128xf32, #tpu.memory_space<vmem>>
    tpu.wait_dma2 semaphore(%dma_wait3A_1770 : memref<!tpu.dma_semaphore, #tpu.memory_space<semaphore_mem>>) src(%dma_wait3A_1776 : memref<128x128xf32, #tpu.memory_space<vmem>>) dst(%dma_wait3A_1772 : memref<128x128xf32, #tpu.memory_space<hbm>>)
    %dma_wait3A_1777 = arith.constant 4 : i32
    %dma_wait3A_1778 = arith.constant 4 : i32
    %dma_wait3A_1779 = arith.constant 0 : i32
    %dma_wait3A_1780 = arith.constant 0 : i32
    %dma_wait3A_1781 = tpu.memref_slice %arg15[%dma_wait3A_1777, %dma_wait3A_1779, %dma_wait3A_1780] : memref<7x128x128xf32, #tpu.memory_space<vmem>> -> memref<1x128x128xf32, #tpu.memory_space<vmem>>
    %dma_wait3A_1782 = tpu.memref_squeeze %dma_wait3A_1781 : memref<1x128x128xf32, #tpu.memory_space<vmem>> -> memref<128x128xf32, #tpu.memory_space<vmem>>
    %dma_wait3A_1783 = arith.constant 128 : i32
    %dma_wait3A_1784 = tpu.memref_slice %arg9[%add3A_28, %dma_wait3A_1783] : memref<16384x256xf32, #tpu.memory_space<hbm>> -> memref<128x128xf32, #tpu.memory_space<hbm>>
    %dma_wait3A_1785 = tpu.memref_slice %arg17[%dma_wait3A_1778] : memref<7x!tpu.dma_semaphore, #tpu.memory_space<semaphore_mem>> -> memref<1x!tpu.dma_semaphore, #tpu.memory_space<semaphore_mem>>
    %dma_wait3A_1786 = tpu.memref_squeeze %dma_wait3A_1785 : memref<1x!tpu.dma_semaphore, #tpu.memory_space<semaphore_mem>> -> memref<!tpu.dma_semaphore, #tpu.memory_space<semaphore_mem>>
    %dma_wait3A_1787 = arith.constant 128 : i32
    %dma_wait3A_1788 = tpu.memref_slice %arg9[%add3A_28, %dma_wait3A_1787] : memref<16384x256xf32, #tpu.memory_space<hbm>> -> memref<128x128xf32, #tpu.memory_space<hbm>>
    %dma_wait3A_1789 = arith.constant 0 : i32
    %dma_wait3A_1790 = arith.constant 0 : i32
    %dma_wait3A_1791 = tpu.memref_slice %arg15[%dma_wait3A_1777, %dma_wait3A_1789, %dma_wait3A_1790] : memref<7x128x128xf32, #tpu.memory_space<vmem>> -> memref<1x128x128xf32, #tpu.memory_space<vmem>>
    %dma_wait3A_1792 = tpu.memref_squeeze %dma_wait3A_1791 : memref<1x128x128xf32, #tpu.memory_space<vmem>> -> memref<128x128xf32, #tpu.memory_space<vmem>>
    tpu.wait_dma2 semaphore(%dma_wait3A_1786 : memref<!tpu.dma_semaphore, #tpu.memory_space<semaphore_mem>>) src(%dma_wait3A_1792 : memref<128x128xf32, #tpu.memory_space<vmem>>) dst(%dma_wait3A_1788 : memref<128x128xf32, #tpu.memory_space<hbm>>)
    %dma_wait3A_1793 = arith.constant 5 : i32
    %dma_wait3A_1794 = arith.constant 5 : i32
    %dma_wait3A_1795 = arith.constant 0 : i32
    %dma_wait3A_1796 = arith.constant 0 : i32
    %dma_wait3A_1797 = tpu.memref_slice %arg15[%dma_wait3A_1793, %dma_wait3A_1795, %dma_wait3A_1796] : memref<7x128x128xf32, #tpu.memory_space<vmem>> -> memref<1x128x128xf32, #tpu.memory_space<vmem>>
    %dma_wait3A_1798 = tpu.memref_squeeze %dma_wait3A_1797 : memref<1x128x128xf32, #tpu.memory_space<vmem>> -> memref<128x128xf32, #tpu.memory_space<vmem>>
    %dma_wait3A_1799 = arith.constant 0 : i32
    %dma_wait3A_1800 = tpu.memref_slice %arg7[%add3A_30, %dma_wait3A_1799] : memref<16384x128xf32, #tpu.memory_space<hbm>> -> memref<128x128xf32, #tpu.memory_space<hbm>>
    %dma_wait3A_1801 = tpu.memref_slice %arg17[%dma_wait3A_1794] : memref<7x!tpu.dma_semaphore, #tpu.memory_space<semaphore_mem>> -> memref<1x!tpu.dma_semaphore, #tpu.memory_space<semaphore_mem>>
    %dma_wait3A_1802 = tpu.memref_squeeze %dma_wait3A_1801 : memref<1x!tpu.dma_semaphore, #tpu.memory_space<semaphore_mem>> -> memref<!tpu.dma_semaphore, #tpu.memory_space<semaphore_mem>>
    %dma_wait3A_1803 = arith.constant 0 : i32
    %dma_wait3A_1804 = tpu.memref_slice %arg7[%add3A_30, %dma_wait3A_1803] : memref<16384x128xf32, #tpu.memory_space<hbm>> -> memref<128x128xf32, #tpu.memory_space<hbm>>
    %dma_wait3A_1805 = arith.constant 0 : i32
    %dma_wait3A_1806 = arith.constant 0 : i32
    %dma_wait3A_1807 = tpu.memref_slice %arg15[%dma_wait3A_1793, %dma_wait3A_1805, %dma_wait3A_1806] : memref<7x128x128xf32, #tpu.memory_space<vmem>> -> memref<1x128x128xf32, #tpu.memory_space<vmem>>
    %dma_wait3A_1808 = tpu.memref_squeeze %dma_wait3A_1807 : memref<1x128x128xf32, #tpu.memory_space<vmem>> -> memref<128x128xf32, #tpu.memory_space<vmem>>
    tpu.wait_dma2 semaphore(%dma_wait3A_1802 : memref<!tpu.dma_semaphore, #tpu.memory_space<semaphore_mem>>) src(%dma_wait3A_1808 : memref<128x128xf32, #tpu.memory_space<vmem>>) dst(%dma_wait3A_1804 : memref<128x128xf32, #tpu.memory_space<hbm>>)
    %dma_wait3A_1809 = arith.constant 6 : i32
    %dma_wait3A_1810 = arith.constant 6 : i32
    %dma_wait3A_1811 = arith.constant 0 : i32
    %dma_wait3A_1812 = arith.constant 0 : i32
    %dma_wait3A_1813 = tpu.memref_slice %arg15[%dma_wait3A_1809, %dma_wait3A_1811, %dma_wait3A_1812] : memref<7x128x128xf32, #tpu.memory_space<vmem>> -> memref<1x128x128xf32, #tpu.memory_space<vmem>>
    %dma_wait3A_1814 = tpu.memref_squeeze %dma_wait3A_1813 : memref<1x128x128xf32, #tpu.memory_space<vmem>> -> memref<128x128xf32, #tpu.memory_space<vmem>>
    %dma_wait3A_1815 = arith.constant 0 : i32
    %dma_wait3A_1816 = tpu.memref_slice %arg8[%add3A_30, %dma_wait3A_1815] : memref<16384x128xf32, #tpu.memory_space<hbm>> -> memref<128x128xf32, #tpu.memory_space<hbm>>
    %dma_wait3A_1817 = tpu.memref_slice %arg17[%dma_wait3A_1810] : memref<7x!tpu.dma_semaphore, #tpu.memory_space<semaphore_mem>> -> memref<1x!tpu.dma_semaphore, #tpu.memory_space<semaphore_mem>>
    %dma_wait3A_1818 = tpu.memref_squeeze %dma_wait3A_1817 : memref<1x!tpu.dma_semaphore, #tpu.memory_space<semaphore_mem>> -> memref<!tpu.dma_semaphore, #tpu.memory_space<semaphore_mem>>
    %dma_wait3A_1819 = arith.constant 0 : i32
    %dma_wait3A_1820 = tpu.memref_slice %arg8[%add3A_30, %dma_wait3A_1819] : memref<16384x128xf32, #tpu.memory_space<hbm>> -> memref<128x128xf32, #tpu.memory_space<hbm>>
    %dma_wait3A_1821 = arith.constant 0 : i32
    %dma_wait3A_1822 = arith.constant 0 : i32
    %dma_wait3A_1823 = tpu.memref_slice %arg15[%dma_wait3A_1809, %dma_wait3A_1821, %dma_wait3A_1822] : memref<7x128x128xf32, #tpu.memory_space<vmem>> -> memref<1x128x128xf32, #tpu.memory_space<vmem>>
    %dma_wait3A_1824 = tpu.memref_squeeze %dma_wait3A_1823 : memref<1x128x128xf32, #tpu.memory_space<vmem>> -> memref<128x128xf32, #tpu.memory_space<vmem>>
    tpu.wait_dma2 semaphore(%dma_wait3A_1818 : memref<!tpu.dma_semaphore, #tpu.memory_space<semaphore_mem>>) src(%dma_wait3A_1824 : memref<128x128xf32, #tpu.memory_space<vmem>>) dst(%dma_wait3A_1820 : memref<128x128xf32, #tpu.memory_space<hbm>>)
    %dma_wait3A_1825 = arith.constant 0 : i32
    %dma_wait3A_1826 = arith.constant 0 : i32
    %dma_wait3A_1827 = arith.constant 0 : i32
    %dma_wait3A_1828 = arith.constant 0 : i32
    %dma_wait3A_1829 = tpu.memref_slice %arg15[%dma_wait3A_1825, %dma_wait3A_1827, %dma_wait3A_1828] : memref<7x128x128xf32, #tpu.memory_space<vmem>> -> memref<1x128x128xf32, #tpu.memory_space<vmem>>
    %dma_wait3A_1830 = tpu.memref_squeeze %dma_wait3A_1829 : memref<1x128x128xf32, #tpu.memory_space<vmem>> -> memref<128x128xf32, #tpu.memory_space<vmem>>
    %dma_wait3A_1831 = arith.constant 0 : i32
    %dma_wait3A_1832 = tpu.memref_slice %arg9[%add3A_30, %dma_wait3A_1831] : memref<16384x256xf32, #tpu.memory_space<hbm>> -> memref<128x128xf32, #tpu.memory_space<hbm>>
    %dma_wait3A_1833 = tpu.memref_slice %arg17[%dma_wait3A_1826] : memref<7x!tpu.dma_semaphore, #tpu.memory_space<semaphore_mem>> -> memref<1x!tpu.dma_semaphore, #tpu.memory_space<semaphore_mem>>
    %dma_wait3A_1834 = tpu.memref_squeeze %dma_wait3A_1833 : memref<1x!tpu.dma_semaphore, #tpu.memory_space<semaphore_mem>> -> memref<!tpu.dma_semaphore, #tpu.memory_space<semaphore_mem>>
    %dma_wait3A_1835 = arith.constant 0 : i32
    %dma_wait3A_1836 = tpu.memref_slice %arg9[%add3A_30, %dma_wait3A_1835] : memref<16384x256xf32, #tpu.memory_space<hbm>> -> memref<128x128xf32, #tpu.memory_space<hbm>>
    %dma_wait3A_1837 = arith.constant 0 : i32
    %dma_wait3A_1838 = arith.constant 0 : i32
    %dma_wait3A_1839 = tpu.memref_slice %arg15[%dma_wait3A_1825, %dma_wait3A_1837, %dma_wait3A_1838] : memref<7x128x128xf32, #tpu.memory_space<vmem>> -> memref<1x128x128xf32, #tpu.memory_space<vmem>>
    %dma_wait3A_1840 = tpu.memref_squeeze %dma_wait3A_1839 : memref<1x128x128xf32, #tpu.memory_space<vmem>> -> memref<128x128xf32, #tpu.memory_space<vmem>>
    tpu.wait_dma2 semaphore(%dma_wait3A_1834 : memref<!tpu.dma_semaphore, #tpu.memory_space<semaphore_mem>>) src(%dma_wait3A_1840 : memref<128x128xf32, #tpu.memory_space<vmem>>) dst(%dma_wait3A_1836 : memref<128x128xf32, #tpu.memory_space<hbm>>)
    %dma_wait3A_1841 = arith.constant 1 : i32
    %dma_wait3A_1842 = arith.constant 1 : i32
    %dma_wait3A_1843 = arith.constant 0 : i32
    %dma_wait3A_1844 = arith.constant 0 : i32
    %dma_wait3A_1845 = tpu.memref_slice %arg15[%dma_wait3A_1841, %dma_wait3A_1843, %dma_wait3A_1844] : memref<7x128x128xf32, #tpu.memory_space<vmem>> -> memref<1x128x128xf32, #tpu.memory_space<vmem>>
    %dma_wait3A_1846 = tpu.memref_squeeze %dma_wait3A_1845 : memref<1x128x128xf32, #tpu.memory_space<vmem>> -> memref<128x128xf32, #tpu.memory_space<vmem>>
    %dma_wait3A_1847 = arith.constant 128 : i32
    %dma_wait3A_1848 = tpu.memref_slice %arg9[%add3A_30, %dma_wait3A_1847] : memref<16384x256xf32, #tpu.memory_space<hbm>> -> memref<128x128xf32, #tpu.memory_space<hbm>>
    %dma_wait3A_1849 = tpu.memref_slice %arg17[%dma_wait3A_1842] : memref<7x!tpu.dma_semaphore, #tpu.memory_space<semaphore_mem>> -> memref<1x!tpu.dma_semaphore, #tpu.memory_space<semaphore_mem>>
    %dma_wait3A_1850 = tpu.memref_squeeze %dma_wait3A_1849 : memref<1x!tpu.dma_semaphore, #tpu.memory_space<semaphore_mem>> -> memref<!tpu.dma_semaphore, #tpu.memory_space<semaphore_mem>>
    %dma_wait3A_1851 = arith.constant 128 : i32
    %dma_wait3A_1852 = tpu.memref_slice %arg9[%add3A_30, %dma_wait3A_1851] : memref<16384x256xf32, #tpu.memory_space<hbm>> -> memref<128x128xf32, #tpu.memory_space<hbm>>
    %dma_wait3A_1853 = arith.constant 0 : i32
    %dma_wait3A_1854 = arith.constant 0 : i32
    %dma_wait3A_1855 = tpu.memref_slice %arg15[%dma_wait3A_1841, %dma_wait3A_1853, %dma_wait3A_1854] : memref<7x128x128xf32, #tpu.memory_space<vmem>> -> memref<1x128x128xf32, #tpu.memory_space<vmem>>
    %dma_wait3A_1856 = tpu.memref_squeeze %dma_wait3A_1855 : memref<1x128x128xf32, #tpu.memory_space<vmem>> -> memref<128x128xf32, #tpu.memory_space<vmem>>
    tpu.wait_dma2 semaphore(%dma_wait3A_1850 : memref<!tpu.dma_semaphore, #tpu.memory_space<semaphore_mem>>) src(%dma_wait3A_1856 : memref<128x128xf32, #tpu.memory_space<vmem>>) dst(%dma_wait3A_1852 : memref<128x128xf32, #tpu.memory_space<hbm>>)
    return
  }
}

</mosaic_0001>

<sc_bundles>
// kernel: _gather3.3.cloned.1.call-start
scs
__scs_entry_jumppad:
0x0: {  	(pc) =	sbr.rel $0x88, $3  }
0x1: {  	(tag) =	ssettag $0x0;
	lr =	simm.s32 $0x1  }
0x2: {  	[smem:$0x3F9C] =	sst lr;
	_ =	strace $0xD0000000  }
0x3: {  	_ = 	snop  }
0x4: {  	_ = 	snop  }
0x5: {  	_ = 	snop  }
0x6: {  	_ = 	snop  }
0x7: {  	_ = 	snop  }
__scs_overlays_trampoline_lowered:
0x8: {  	[smem:$0x3FAB] =	sst s0  }
0x9: {  	[smem:$0x3FAC] =	sst s1  }
0xa: {  	[smem:$0x3FAD] =	sst s2  }
0xb: {  	[smem:$0x3FAE] =	sst s3  }
0xc: {  	[smem:$0x3FAF] =	sst s4  }
0xd: {  	[smem:$0x3FB0] =	sst s5  }
0xe: {  	[smem:$0x3FB1] =	sst s6  }
0xf: {  	[smem:$0x3FB2] =	sst s7  }
0x10: {  	[smem:$0x3FB3] =	sst s8  }
0x11: {  	[smem:$0x3FB4] =	sst s9;
	s0 =	simm.s32 @!p0 $0x0  }
0x12: {  	s1 =	sld [smem:$0x3F9A];
	s0 =	simm.s32 @p0 $0x1  }
0x13: {  	[smem:$0x3FB5] =	sst s0;
	s0 =	simm.s32 @!p1 $0x0  }
0x14: {  	s2 =	sld [smem:$0x3F99];
	s0 =	simm.s32 @p1 $0x1  }
0x15: {  	[smem:$0x3FB6] =	sst s0;
	s0 =	simm.s32 @!p2 $0x0  }
0x16: {  	s3 =	sld [smem:$0x3FDB];
	s0 =	simm.s32 @p2 $0x1  }
0x17: {  	s4 =	simm.s32 $0x1BF5;
	[smem:$0x3FB8] =	sst s0  }
0x18: {  	s0 =	sld [smem:$0x3F9B];
	_ =	swait.ge [sflag:s4], $0x0  }
0x19: {  	s7 =	sld [smem:$0x3F9C]  }
0x1a: {  	s8 =	sadd.s32 $0xFFFFE003, lr  }
0x1b: {  	s9 =	sadd.s32 $0xFFFFFEF7, lr;
	s5 =	simm.s32 $0xFFFFFFFF;
	p2 =	slt.u32 s8, $0xFFFFF086  }
0x1c: {  	p1 =	slt.u32 s9, $0xF7A;
	s5 =	simm.s32 @!p2 $0x0  }
0x1d: {  	s5 =	simm.s32 @p1 $0x1;
	p0 =	seq.s32 s7, s2  }
0x1e: {  	s7 =	smul.u32 @!p0 $0xF7A, s2;
	p2 =	seq.s32 @!p0 s5, $0x0  }
0x1f: {  	s9 =	smul.u32 $0xF7A, s1;
	s8 =	simm.s32 @!p0 $0x1BF5;
	p2 =	por !p2, p0  }
0x20: {  	[sflag:s8] =	ssyncset.s32 @!p0 $0xFFFFF086;
	s6 =	sadd.s32 @!p0 s3, s7;
	s7 =	simm.s32 @!p0 $0x108  }
0x21: {  	s3 =	sadd.s32 s3, s9;
	s6 =	sadd.s32 @!p0 $0x88, s6;
	s7 =	simm.s32 @p2 $0x1082  }
0x22: {  	[simem:s7], [sflag:s8] =	dma.local @!p0 [hbm:s6], $0xF7A  }
0x23: {  	s9 =	sor.u32 $0xD0000000, s2;
	s6 =	simm.s32 $0x108;
	_ =	swait.ge @!p0 [sflag:s8], $0x0  }
0x24: {  	s3 =	sadd.s32 $0x88, s3;
	s6 =	simm.s32 @!p1 $0x1082;
	[sflag:s4] =	ssyncset.s32 $0xFFFFF086  }
0x25: {  	[simem:s6], [sflag:s4] =	dma.local [hbm:s3], $0xF7A  }
0x26: {  	[smem:$0x3F9C] =	sst s1;
	(tag) =	ssettag s2;
	_ =	strace s9  }
0x27: {  	s1 =	sld [smem:$0x3FAC]  }
0x28: {  	s2 =	sld [smem:$0x3FAD]  }
0x29: {  	s4 =	sld [smem:$0x3FAF]  }
0x2a: {  	p0 =	seq.s32 s5, $0x0;
	s5 =	sld [smem:$0x3FB0]  }
0x2b: {  	s6 =	sld [smem:$0x3FB1]  }
0x2c: {  	s7 =	sld [smem:$0x3FB2]  }
0x2d: {  	s3 =	simm.s32 $0x108;
	s8 =	sld [smem:$0x3FB3]  }
0x2e: {  	s3 =	simm.s32 @!p0 $0x1082;
	s9 =	sld [smem:$0x3FB4]  }
0x2f: {  	lr =	sadd.s32 s0, s3;
	s0 =	sld [smem:$0x3FAB]  }
0x30: {  	s3 =	sld [smem:$0x3FAE]  }
0x31: {  	[smem:$0x3FB7] =	sst s10  }
0x32: {  	s10 =	sld [smem:$0x3FB5];
	_ =	sdelay $0x3  }
0x33: {  	p0 =	seq.s32 s10, $0x1;
	s10 =	sld [smem:$0x3FB7];
	_ =	sdelay $0x3  }
0x34: {  	[smem:$0x3FB7] =	sst s10  }
0x35: {  	s10 =	sld [smem:$0x3FB6];
	_ =	sdelay $0x3  }
0x36: {  	p1 =	seq.s32 s10, $0x1;
	s10 =	sld [smem:$0x3FB7];
	_ =	sdelay $0x3  }
0x37: {  	[smem:$0x3FB7] =	sst s10  }
0x38: {  	s10 =	sld [smem:$0x3FB8]  }
0x39: {  	_ = 	snop;
	(pc) =	sbr.ind lr, $3  }
0x3a: {  	_ = 	snop  }
0x3b: {  	_ = 	snop  }
0x3c: {  	p2 =	seq.s32 s10, $0x1;
	s10 =	sld [smem:$0x3FB7]  }
0x3d: {  	_ =	shalt  }
0x3e: {  	_ =	shalt  }
0x3f: {  	_ =	shalt  }
0x40: {  	_ =	shalt  }
0x41: {  	_ =	shalt  }
0x42: {  	_ =	shalt  }
0x43: {  	_ =	shalt  }
0x44: {  	_ =	shalt  }
0x45: {  	_ =	shalt  }
0x46: {  	_ =	shalt  }
0x47: {  	_ =	shalt  }
0x48: {  	_ =	shalt  }
0x49: {  	_ =	shalt  }
0x4a: {  	_ =	shalt  }
0x4b: {  	_ =	shalt  }
0x4c: {  	_ =	shalt  }
0x4d: {  	_ =	shalt  }
0x4e: {  	_ =	shalt  }
0x4f: {  	_ =	shalt  }
0x50: {  	_ =	shalt  }
0x51: {  	_ =	shalt  }
0x52: {  	_ =	shalt  }
0x53: {  	_ =	shalt  }
0x54: {  	_ =	shalt  }
0x55: {  	_ =	shalt  }
0x56: {  	_ =	shalt  }
0x57: {  	_ =	shalt  }
0x58: {  	_ =	shalt  }
0x59: {  	_ =	shalt  }
0x5a: {  	_ =	shalt  }
0x5b: {  	_ =	shalt  }
0x5c: {  	_ =	shalt  }
0x5d: {  	_ =	shalt  }
0x5e: {  	_ =	shalt  }
0x5f: {  	_ =	shalt  }
0x60: {  	_ =	shalt  }
0x61: {  	_ =	shalt  }
0x62: {  	_ =	shalt  }
0x63: {  	_ =	shalt  }
0x64: {  	_ =	shalt  }
0x65: {  	_ =	shalt  }
0x66: {  	_ =	shalt  }
0x67: {  	_ =	shalt  }
0x68: {  	_ =	shalt  }
0x69: {  	_ =	shalt  }
0x6a: {  	_ =	shalt  }
0x6b: {  	_ =	shalt  }
0x6c: {  	_ =	shalt  }
0x6d: {  	_ =	shalt  }
0x6e: {  	_ =	shalt  }
0x6f: {  	_ =	shalt  }
0x70: {  	_ =	shalt  }
0x71: {  	_ =	shalt  }
0x72: {  	_ =	shalt  }
0x73: {  	_ =	shalt  }
0x74: {  	_ =	shalt  }
0x75: {  	_ =	shalt  }
0x76: {  	_ =	shalt  }
0x77: {  	_ =	shalt  }
0x78: {  	_ =	shalt  }
0x79: {  	_ =	shalt  }
0x7a: {  	_ =	shalt  }
0x7b: {  	_ =	shalt  }
0x7c: {  	_ =	shalt  }
0x7d: {  	_ =	shalt  }
0x7e: {  	_ =	shalt  }
0x7f: {  	_ =	shalt  }
0x80: {  	_ =	shalt  }
0x81: {  	_ =	shalt  }
0x82: {  	_ =	shalt  }
0x83: {  	_ =	shalt  }
0x84: {  	_ =	shalt  }
0x85: {  	_ =	shalt  }
0x86: {  	_ =	shalt  }
0x87: {  	_ =	shalt  }
.Lfunc_end0:
.L_simem_size_0:
called_computation_lowered:
.L_overlay_start_0:
0x88: {  	s2 =	sld [smem:$0x3FD9]  }
0x89: {  	s3 =	sld [smem:$0x3FFE];
	_ =	sdelay $0x1  }
0x8a: {  	s1 =	srdreg.scid  }
0x8b: {  	s0 =	sand.u32 $0x1, s1  }
0x8c: {  	s15 =	sshll.u32 s0, $0xA;
	s2 =	sadd.s32 s3, s2  }
0x8d: {  	s2 =	sadd.s32 s2, s15  }
0x8e: {  	[smem:$0x3FC3] =	sst s2  }
0x8f: {  	_ = 	snop  }
0x90: {  	s2 =	sld [smem:$0x3FC9]  }
0x91: {  	s16 =	sld [smem:$0x3FC8]  }
0x92: {  	s4 =	sld [smem:$0x3FD0]  }
0x93: {  	s5 =	sld [smem:$0x3FC7]  }
0x94: {  	s6 =	sld [smem:$0x3FC6]  }
0x95: {  	s8 =	simm.s32 $0xA;
	s9 =	simm.s32 $0x10;
	s7 =	sld [smem:$0x3FC5]  }
0x96: {  	[smem:s9], [sflag:s8] =	dma.local [hbm:s4], $0x1  }
0x97: {  	_ =	swait.eq [sflag:s8], $0x1  }
0x98: {  	s17 =	sld [smem:$0x10];
	[sflag:s8] =	ssyncset.done $0x0  }
0x99: {  	s18 =	sld [smem:$0x11];
	[sflag:s8] =	ssyncadd.s32 $0xFFFFFFFF  }
0x9a: {  	s19 =	sld [smem:$0x12];
	(tm) =	ssettm $0x1  }
0x9b: {  	s10 =	sld [smem:$0x3FFB];
	_ =	sdelay $0x3  }
0x9c: {  	_ =	strace s10  }
0x9d: {  	s10 =	sld [smem:$0x3FFC];
	_ =	sdelay $0x3  }
0x9e: {  	_ =	strace s10  }
0x9f: {  	s10 =	sld [smem:$0x3FFD];
	_ =	sdelay $0x3  }
0xa0: {  	_ =	strace s10  }
0xa1: {  	_ =	strace $0x8FFFFFFF  }
0xa2: {  	s20 =	sld [smem:$0x3FDB];
	_ =	sdelay $0x1  }
0xa3: {  	s11 =	simm.s32 $_scs_section_size  }
0xa4: {  	s12 =	simm.s32 $_size__tile_overlayer_lowered;
	s13 =	simm.s32 $_tile_overlayer_lowered  }
0xa5: {  	s23 =	simm.s32 $0x1BFF;
	s22 =	sshll.u32 s13, $0x1;
	s10 =	sadd.s32 s11, s20  }
0xa6: {  	s14 =	simm.s32 $0x0;
	s21 =	sshll.u32 s12, $0x1;
	s12 =	sadd.s32 s22, s10  }
0xa7: {  	[timem:s14], [sflag:s23] =	dma.local [hbm:s12], s21  }
0xa8: {  	_ =	swait.ge [sflag:s23], s21  }
0xa9: {  	s11 =	ssub.s32 $0x0, s21;
	[sflag:s23] =	ssyncset.done $0x0  }
0xaa: {  	[sflag:s23] =	ssyncadd.s32 s11;
	_ =	sdelay $0x1  }
0xab: {  	s24 =	simm.s32 $0x1B8B  }
0xac: {  	_ =	swait.ge [sflag:s24], $0x1  }
0xad: {  	[sflag:s24] =	ssyncset.done $0x0  }
0xae: {  	s25 =	simm.s32 $0x1B8E;
	[sflag:s24] =	ssyncadd.s32 $0xFFFFFFFF  }
0xaf: {  	s26 =	simm.s32 $execute0_lowered;
	[smem:$0x3FD2] =	sst s25  }
0xb0: {  	s11 =	sshll.u32 s26, $0x1;
	_ =	strace $0x80000046;
	[dreg:$0x1] =	wrdreg $0xFFFFFFFF  }
0xb1: {  	s28 =	simm.s32 $_size_execute0_lowered;
	s10 =	sadd.s32 s10, s11;
	[dreg:$0x0] =	wrdreg $0x0  }
0xb2: {  	s11 =	sshll.u32 s28, $0x1;
	[dreg:$0x2] =	wrdreg s10  }
0xb3: {  	[dreg:$0x3] =	wrdreg s11  }
0xb4: {  	[dreg:$0x4] =	wrdreg $0xC0  }
0xb5: {  	_ =	task [dreg:s14], $0x5FFFF  }
0xb6: {  	[dreg:$0x1] =	wrdreg $0xFFFFFFFF  }
0xb7: {  	[dreg:$0x0] =	wrdreg $0x60  }
0xb8: {  	[dreg:$0x2] =	wrdreg s2  }
0xb9: {  	[dreg:$0x3] =	wrdreg s16  }
0xba: {  	[dreg:$0x4] =	wrdreg s5  }
0xbb: {  	[dreg:$0x5] =	wrdreg s6  }
0xbc: {  	[dreg:$0x6] =	wrdreg s7  }
0xbd: {  	[dreg:$0x7] =	wrdreg s17  }
0xbe: {  	[dreg:$0x8] =	wrdreg s18  }
0xbf: {  	[dreg:$0x9] =	wrdreg s19  }
0xc0: {  	[dreg:$0xa] =	wrdreg $0x9  }
0xc1: {  	_ =	task.clear_ibuf [dreg:s14], $0xBFFFF;
	_ =	strace $0x90000046  }
0xc2: {  	s29 =	simm.s32 $0x9;
	_ =	strace $0x80000048  }
0xc3: {  	_ =	swait.ge [sflag:s29], $0x1  }
0xc4: {  	[sflag:s29] =	ssyncadd.s32 $0xFFFFFFFF  }
0xc5: {  	_ =	strace $0x90000048  }
0xc6: {  	_ =	sfence  }
0xc7: {  	s30 =	sld [smem:$0x0];
	_ =	sdelay $0x2  }
0xc8: {  	s31 =	sshll.u32 s1, $0xD;
	s1 =	sshrl.u32 s1, $0x2  }
0xc9: {  	s3 =	sand.u32 $0x4000, s31;
	s1 =	sadd.s32 s1, s30  }
0xca: {  	s0 =	sor.u32 s3, s0;
	s1 =	sshll.u32 s1, $0x11  }
0xcb: {  	s0 =	sor.u32 s1, s0  }
0xcc: {  	s0 =	sadd.s32 $0x8F2B, s0  }
0xcd: {  	[sflag:s0] =	ssyncadd.remote.s32 $0x1  }
0xce: {  	_ =	sfence.sel $0xFFFF  }
0xcf: {  	[dreg:$0x0] =	wrdreg $0xFFFFFFFF;
	(pc) =	sbr.abs _section_cstart, $3  }
0xd0: {  	[dreg:$0x1] =	wrdreg $0xFFFFFFFF  }
0xd1: {  	_ =	task.clear_ibuf [dreg:s14], $0x2FFFF;
	_ =	strace $0x9FFFFFFF  }
0xd2: {  	(tm) =	ssettm $0x7FFFFFFF  }
0xd3: {  	_ =	shalt  }
tec
execute0_lowered:
.L_overlay_start_1:
0x0: {  	(tag) =	ssettag $0x1  }
0x1: {  	s0 =	rddreg [dreg:$0x0]  }
0x2: {  	s5 =	rddreg [dreg:$0x1]  }
0x3: {  	s6 =	rddreg [dreg:$0x2]  }
0x4: {  	s1 =	rddreg [dreg:$0x3]  }
0x5: {  	s2 =	rddreg [dreg:$0x4]  }
0x6: {  	s7 =	rddreg [dreg:$0x5]  }
0x7: {  	s8 =	rddreg [dreg:$0x6]  }
0x8: {  	s9 =	rddreg [dreg:$0x7]  }
0x9: {  	s4 =	srdreg.scid;
	s3 =	stileid.u32;
	s28 =	simm.s32 $0xC  }
0xa: {  	s29 =	simm.s32 $0x6;
	s30 =	simm.s32 $0xD;
	s10 =	sand.u32 $0x1, s4  }
0xb: {  	s4 =	simm.s32 $0x0;
	s11 =	sshll.u32 s3, $0x7;
	s12 =	sshll.u32 s10, $0x6  }
0xc: {  	s31 =	simm.s32 $0x7;
	[smem:$0x7FF] =	sst s4;
	s11 =	sor.u32 s12, s11  }
0xd: {  	s19 =	sshll.u32 s3, $0x1;
	_ =	strace $0x80000047;
	s0 =	sadd.s32 s0, s11  }
0xe: {  	s12 =	sor.u32 s10, s19;
	s20 =	sadd.s32 s5, s11;
	[dreg:$0x9] =	wrdreg s0  }
0xf: {  	s21 =	sadd.s32 s6, s11;
	s22 =	sshll.u32 s12, $0xD;
	[dreg:$0xa] =	wrdreg s20  }
0x10: {  	s25 =	sshll.u32 s12, $0xE;
	[dreg:$0xb] =	wrdreg s21;
	s23 =	sadd.s32 s7, s22  }
0x11: {  	s26 =	sshll.u32 s12, $0x6;
	s24 =	sadd.s32 s8, s22;
	[dreg:$0xc] =	wrdreg s23  }
0x12: {  	s11 =	sadd.s32 $0x80, s9;
	s3 =	sadd.s32 s9, s25;
	[dreg:$0xd] =	wrdreg s24  }
0x13: {  	s12 =	sor.u32 $0x10, s26;
	s0 =	sadd.s32 s25, s11;
	[dreg:$0xe] =	wrdreg s3  }
0x14: {  	s18 =	sor.u32 $0x20, s26;
	s13 =	sshll.u32 s12, $0x7;
	[dreg:$0xf] =	wrdreg s0  }
0x15: {  	s20 =	sshll.u32 s18, $0x7;
	s23 =	sshll.u32 s18, $0x8;
	s18 =	simm.s32 $0x880  }
0x16: {  	s5 =	sor.u32 $0x30, s26;
	s14 =	sadd.s32 s7, s13;
	[dreg:$0x1f] =	wrdreg s18  }
0x17: {  	s16 =	sshll.u32 s12, $0x8;
	s15 =	sadd.s32 s8, s13;
	[dreg:$0x10] =	wrdreg s14  }
0x18: {  	s26 =	sshll.u32 s5, $0x7;
	s17 =	sadd.s32 s9, s16;
	[dreg:$0x11] =	wrdreg s15  }
0x19: {  	s5 =	sshll.u32 s5, $0x8;
	s19 =	sadd.s32 s16, s11;
	[dreg:$0x12] =	wrdreg s17  }
0x1a: {  	s0 =	simm.s32 $0xE;
	s21 =	sadd.s32 s7, s20;
	[dreg:$0x13] =	wrdreg s19  }
0x1b: {  	s22 =	sadd.s32 s8, s20;
	s24 =	sadd.s32 s9, s23;
	[dreg:$0x14] =	wrdreg s21  }
0x1c: {  	s25 =	sadd.s32 s23, s11;
	s3 =	sadd.s32 s7, s26;
	[dreg:$0x15] =	wrdreg s22  }
0x1d: {  	s7 =	sadd.s32 s8, s26;
	s8 =	ssub.s32 $0x2, s10;
	[dreg:$0x16] =	wrdreg s24  }
0x1e: {  	s10 =	sadd.s32 s9, s5;
	s13 =	sadd.s32 s5, s11;
	[dreg:$0x17] =	wrdreg s25  }
0x1f: {  	s9 =	simm.s32 $0x80;
	s11 =	simm.s32 $0x4A00;
	[dreg:$0x18] =	wrdreg s3  }
0x20: {  	s16 =	simm.s32 $0x280;
	s20 =	simm.s32 $0x300;
	[dreg:$0x19] =	wrdreg s7  }
0x21: {  	s18 =	simm.s32 $0x1;
	s23 =	simm.s32 $0x180;
	[dreg:$0x1a] =	wrdreg s10  }
0x22: {  	s26 =	simm.s32 $0x980;
	s12 =	sshrl.u32 s8, $0x1;
	[dreg:$0x1b] =	wrdreg s13  }
0x23: {  	s7 =	simm.s32 $0x400;
	s15 =	simm.s32 $0x600;
	[dreg:$0x1d] =	wrdreg s16  }
0x24: {  	s10 =	simm.s32 $0xA00;
	s13 =	simm.s32 $0x800;
	[smem:$0x7F7] =	sst s20  }
0x25: {  	s17 =	simm.s32 $0x680;
	s16 =	simm.s32 $0x14A00;
	[smem:$0x7FA] =	sst s23  }
0x26: {  	s19 =	simm.s32 $0x100;
	s21 =	simm.s32 $0x700;
	[smem:$0x7FD] =	sst s26  }
0x27: {  	s22 =	simm.s32 $0x900;
	s20 =	simm.s32 $0x2;
	[dreg:$0x1c] =	wrdreg s15  }
0x28: {  	s24 =	simm.s32 $0x380;
	s25 =	simm.s32 $0x780;
	[dreg:$0x1e] =	wrdreg s17  }
0x29: {  	s23 =	simm.s32 $0xA;
	s26 =	simm.s32 $0x5;
	[smem:$0x7F6] =	sst s19  }
0x2a: {  	s14 =	ssub.s32 s8, s12;
	s8 =	simm.s32 $0xF;
	[smem:$0x7F8] =	sst s21  }
0x2b: {  	s15 =	simm.s32 $0x10A00;
	s17 =	simm.s32 $0x18A00;
	[smem:$0x7F9] =	sst s22  }
0x2c: {  	s19 =	simm.s32 $0x8;
	s21 =	simm.s32 $0x9;
	[smem:$0x7FB] =	sst s24  }
0x2d: {  	s22 =	simm.s32 $0x3;
	[smem:$0x7FC] =	sst s25;
	s24 =	simm.s32 $0x4  }
0x2e: {  	s25 =	simm.s32 $0xB;
	s5 =	smax.u32 s14, $0x1;
	s14 =	simm.s32 $0xCA00  }
.LBB2_1:
0x2f: {  	s3 =	rddreg [dreg:$0x9]  }
0x30: {  	[tilespmem:s4], [sflag:$0xF] =	stream.linear.gather [hbm4b:s3+s4], $0x200, $0x38;
	[tilespmem:$0x1CA00] =	vst v63  }
0x31: {  	s6 =	rddreg [dreg:$0xa];
	s12 =	simm.s32 $0x200  }
0x32: {  	[tilespmem:s12], [sflag:$0xF] =	stream.linear.gather [hbm4b:s6+s4], $0x200, $0x38;
	[tilespmem:$0x1CA00] =	vst v63  }
0x33: {  	s3 =	rddreg [dreg:$0xb]  }
0x34: {  	[tilespmem:s7], [sflag:$0xF] =	stream.linear.gather [hbm4b:s3+s4], $0x200, $0x38;
	[tilespmem:$0x1CA00] =	vst v63  }
0x35: {  	_ =	swait.ge [sflag:s8], $0x200  }
0x36: {  	[sflag:s8] =	ssyncset.done $0x0  }
0x37: {  	[sflag:s8] =	ssyncadd.s32 $0xFFFFFE00  }
0x38: {  	_ =	swait.ge [sflag:s8], $0x200  }
0x39: {  	[sflag:s8] =	ssyncset.done $0x0  }
0x3a: {  	[sflag:s8] =	ssyncadd.s32 $0xFFFFFE00  }
0x3b: {  	[tilespmem:s10], [sflag:$0x1] =	stream.indirect.gather [hbm4b:s1+s9], $0x80, s4, s9, $0xb8;
	[tilespmem:$0x1CA00] =	vst v63  }
0x3c: {  	_ = 	snop  }
0x3d: {  	[tilespmem:s11], [sflag:$0x2] =	stream.indirect.gather [hbm4b:s1+s9], $0x80, s12, s9, $0xb8;
	[tilespmem:$0x1CA00] =	vst v63  }
0x3e: {  	_ =	swait.ge [sflag:s8], $0x200  }
0x3f: {  	[sflag:s8] =	ssyncset.done $0x0  }
0x40: {  	[sflag:s8] =	ssyncadd.s32 $0xFFFFFE00  }
0x41: {  	v0 =	vld [tilespmem:$0x400]  }
0x42: {  	v1 =	vld [tilespmem:$0x410]  }
0x43: {  	v2 =	vld [tilespmem:$0x420]  }
0x44: {  	v3 =	vld [tilespmem:$0x430]  }
0x45: {  	v6 =	vld [tilespmem:$0x440]  }
0x46: {  	v8 =	vld [tilespmem:$0x450];
	v0 =	vshll.u32 v0, $0x1  }
0x47: {  	v10 =	vld [tilespmem:$0x460];
	v5 =	vshll.u32 v1, $0x1;
	[tilespmem:$0x600] =	vst v0  }
0x48: {  	v12 =	vld [tilespmem:$0x470];
	v7 =	vshll.u32 v2, $0x1;
	[tilespmem:$0x610] =	vst v5  }
0x49: {  	v14 =	vld [tilespmem:$0x480];
	v9 =	vshll.u32 v3, $0x1;
	[tilespmem:$0x620] =	vst v7  }
0x4a: {  	v16 =	vld [tilespmem:$0x490];
	v11 =	vshll.u32 v6, $0x1;
	[tilespmem:$0x630] =	vst v9  }
0x4b: {  	v18 =	vld [tilespmem:$0x4A0];
	v13 =	vshll.u32 v8, $0x1;
	[tilespmem:$0x640] =	vst v11  }
0x4c: {  	v20 =	vld [tilespmem:$0x4B0];
	v15 =	vshll.u32 v10, $0x1;
	[tilespmem:$0x650] =	vst v13  }
0x4d: {  	v22 =	vld [tilespmem:$0x4C0];
	v17 =	vshll.u32 v12, $0x1;
	[tilespmem:$0x660] =	vst v15  }
0x4e: {  	v24 =	vld [tilespmem:$0x4D0];
	v19 =	vshll.u32 v14, $0x1;
	[tilespmem:$0x670] =	vst v17  }
0x4f: {  	v26 =	vld [tilespmem:$0x4E0];
	v21 =	vshll.u32 v16, $0x1;
	[tilespmem:$0x680] =	vst v19  }
0x50: {  	v28 =	vld [tilespmem:$0x4F0];
	v23 =	vshll.u32 v18, $0x1;
	[tilespmem:$0x690] =	vst v21  }
0x51: {  	v30 =	vld [tilespmem:$0x500];
	v25 =	vshll.u32 v20, $0x1;
	[tilespmem:$0x6A0] =	vst v23  }
0x52: {  	v32 =	vld [tilespmem:$0x510];
	v27 =	vshll.u32 v22, $0x1;
	[tilespmem:$0x6B0] =	vst v25  }
0x53: {  	v34 =	vld [tilespmem:$0x520];
	v29 =	vshll.u32 v24, $0x1;
	[tilespmem:$0x6C0] =	vst v27  }
0x54: {  	v36 =	vld [tilespmem:$0x530];
	v31 =	vshll.u32 v26, $0x1;
	[tilespmem:$0x6D0] =	vst v29  }
0x55: {  	v38 =	vld [tilespmem:$0x540];
	v33 =	vshll.u32 v28, $0x1;
	[tilespmem:$0x6E0] =	vst v31  }
0x56: {  	v40 =	vld [tilespmem:$0x550];
	v35 =	vshll.u32 v30, $0x1;
	[tilespmem:$0x6F0] =	vst v33  }
0x57: {  	v42 =	vld [tilespmem:$0x560];
	v37 =	vshll.u32 v32, $0x1;
	[tilespmem:$0x700] =	vst v35  }
0x58: {  	v44 =	vld [tilespmem:$0x570];
	v39 =	vshll.u32 v34, $0x1;
	[tilespmem:$0x710] =	vst v37  }
0x59: {  	v46 =	vld [tilespmem:$0x580];
	v41 =	vshll.u32 v36, $0x1;
	[tilespmem:$0x720] =	vst v39  }
0x5a: {  	v48 =	vld [tilespmem:$0x590];
	v43 =	vshll.u32 v38, $0x1;
	[tilespmem:$0x730] =	vst v41  }
0x5b: {  	v50 =	vld [tilespmem:$0x5A0];
	v45 =	vshll.u32 v40, $0x1;
	[tilespmem:$0x740] =	vst v43  }
0x5c: {  	v52 =	vld [tilespmem:$0x5B0];
	v47 =	vshll.u32 v42, $0x1;
	[tilespmem:$0x750] =	vst v45  }
0x5d: {  	v54 =	vld [tilespmem:$0x5C0];
	v49 =	vshll.u32 v44, $0x1;
	[tilespmem:$0x760] =	vst v47  }
0x5e: {  	v56 =	vld [tilespmem:$0x5D0];
	v51 =	vshll.u32 v46, $0x1;
	[tilespmem:$0x770] =	vst v49  }
0x5f: {  	v58 =	vld [tilespmem:$0x5E0];
	v53 =	vshll.u32 v48, $0x1;
	[tilespmem:$0x780] =	vst v51  }
0x60: {  	v60 =	vld [tilespmem:$0x5F0];
	v55 =	vshll.u32 v50, $0x1;
	[tilespmem:$0x790] =	vst v53  }
0x61: {  	v57 =	vshll.u32 v52, $0x1;
	[tilespmem:$0x7A0] =	vst v55  }
0x62: {  	v59 =	vshll.u32 v54, $0x1;
	[tilespmem:$0x7B0] =	vst v57  }
0x63: {  	v61 =	vshll.u32 v56, $0x1;
	[tilespmem:$0x7C0] =	vst v59  }
0x64: {  	v62 =	vshll.u32 v58, $0x1;
	[tilespmem:$0x7D0] =	vst v61  }
0x65: {  	v63 =	vshll.u32 v60, $0x1;
	[tilespmem:$0x7E0] =	vst v62  }
0x66: {  	v0 =	vor.u32 $0x1, v0;
	[tilespmem:$0x7F0] =	vst v63  }
0x67: {  	[tilespmem:$0x800] =	vst v0;
	v0 =	vor.u32 $0x1, v5  }
0x68: {  	[tilespmem:$0x810] =	vst v0;
	v0 =	vor.u32 $0x1, v7  }
0x69: {  	[tilespmem:$0x820] =	vst v0;
	v0 =	vor.u32 $0x1, v9  }
0x6a: {  	[tilespmem:$0x830] =	vst v0;
	v0 =	vor.u32 $0x1, v11  }
0x6b: {  	[tilespmem:$0x840] =	vst v0;
	v0 =	vor.u32 $0x1, v13  }
0x6c: {  	[tilespmem:$0x850] =	vst v0;
	v0 =	vor.u32 $0x1, v15  }
0x6d: {  	[tilespmem:$0x860] =	vst v0;
	v0 =	vor.u32 $0x1, v17  }
0x6e: {  	[tilespmem:$0x870] =	vst v0;
	v0 =	vor.u32 $0x1, v19  }
0x6f: {  	[tilespmem:$0x880] =	vst v0;
	v0 =	vor.u32 $0x1, v21  }
0x70: {  	[tilespmem:$0x890] =	vst v0;
	v0 =	vor.u32 $0x1, v23  }
0x71: {  	[tilespmem:$0x8A0] =	vst v0;
	v0 =	vor.u32 $0x1, v25  }
0x72: {  	[tilespmem:$0x8B0] =	vst v0;
	v0 =	vor.u32 $0x1, v27  }
0x73: {  	[tilespmem:$0x8C0] =	vst v0;
	v0 =	vor.u32 $0x1, v29  }
0x74: {  	[tilespmem:$0x8D0] =	vst v0;
	v0 =	vor.u32 $0x1, v31  }
0x75: {  	[tilespmem:$0x8E0] =	vst v0;
	v0 =	vor.u32 $0x1, v33  }
0x76: {  	[tilespmem:$0x8F0] =	vst v0;
	v0 =	vor.u32 $0x1, v35  }
0x77: {  	[tilespmem:$0x900] =	vst v0;
	v0 =	vor.u32 $0x1, v37  }
0x78: {  	[tilespmem:$0x910] =	vst v0;
	v0 =	vor.u32 $0x1, v39  }
0x79: {  	[tilespmem:$0x920] =	vst v0;
	v0 =	vor.u32 $0x1, v41  }
0x7a: {  	[tilespmem:$0x930] =	vst v0;
	v0 =	vor.u32 $0x1, v43  }
0x7b: {  	[tilespmem:$0x940] =	vst v0;
	v0 =	vor.u32 $0x1, v45  }
0x7c: {  	[tilespmem:$0x950] =	vst v0;
	v0 =	vor.u32 $0x1, v47  }
0x7d: {  	[tilespmem:$0x960] =	vst v0;
	v0 =	vor.u32 $0x1, v49  }
0x7e: {  	[tilespmem:$0x970] =	vst v0;
	v0 =	vor.u32 $0x1, v51  }
0x7f: {  	[tilespmem:$0x980] =	vst v0;
	v0 =	vor.u32 $0x1, v53  }
0x80: {  	[tilespmem:$0x990] =	vst v0;
	v0 =	vor.u32 $0x1, v55  }
0x81: {  	[tilespmem:$0x9A0] =	vst v0;
	v0 =	vor.u32 $0x1, v57  }
0x82: {  	[tilespmem:$0x9B0] =	vst v0;
	v0 =	vor.u32 $0x1, v59  }
0x83: {  	[tilespmem:$0x9C0] =	vst v0;
	v0 =	vor.u32 $0x1, v61  }
0x84: {  	[tilespmem:$0x9D0] =	vst v0;
	v0 =	vor.u32 $0x1, v62  }
0x85: {  	[tilespmem:$0x9E0] =	vst v0;
	v0 =	vor.u32 $0x1, v63  }
0x86: {  	s12 =	simm.s32 $0x8A00;
	s6 =	rddreg [dreg:$0x1c];
	[tilespmem:$0x9F0] =	vst v0  }
0x87: {  	[tilespmem:s12], [sflag:$0x3] =	stream.indirect.gather [hbm4b:s2+s9], $0x80, s6, s9, $0xb8;
	[tilespmem:$0x1CA00] =	vst v63  }
0x88: {  	_ = 	snop  }
0x89: {  	[tilespmem:s14], [sflag:$0x4] =	stream.indirect.gather [hbm4b:s2+s9], $0x80, s13, s9, $0xb8;
	[tilespmem:$0x1CA00] =	vst v63  }
0x8a: {  	_ = 	snop  }
0x8b: {  	[tilespmem:s15], [sflag:$0x5] =	stream.indirect.gather [hbm4b:s1+s9], $0x80, s9, s9, $0xb8;
	[tilespmem:$0x1CA00] =	vst v63  }
0x8c: {  	s3 =	rddreg [dreg:$0x1d]  }
0x8d: {  	[tilespmem:s16], [sflag:$0x6] =	stream.indirect.gather [hbm4b:s1+s9], $0x80, s3, s9, $0xb8;
	[tilespmem:$0x1CA00] =	vst v63  }
0x8e: {  	s6 =	rddreg [dreg:$0x1e]  }
0x8f: {  	[tilespmem:s17], [sflag:$0x7] =	stream.indirect.gather [hbm4b:s2+s9], $0x80, s6, s9, $0xb8;
	[tilespmem:$0x1CA00] =	vst v63  }
0x90: {  	_ =	swait.ge [sflag:s18], $0x4000  }
0x91: {  	[sflag:s18] =	ssyncset.done $0x0  }
0x92: {  	s6 =	rddreg [dreg:$0xc];
	[sflag:s18] =	ssyncadd.s32 $0xFFFFC000  }
0x93: {  	[hbm4b:s6+s4] =	stream.linear.scatter [tilespmem:s10], [sflag:$0x8], $0x4000, $0x38;
	[tilespmem:$0x1CA00] =	vst v63  }
0x94: {  	_ =	swait.ge [sflag:s19], $0x4000  }
0x95: {  	[sflag:s19] =	ssyncset.done $0x0  }
0x96: {  	s6 =	rddreg [dreg:$0x1f];
	[sflag:s19] =	ssyncadd.s32 $0xFFFFC000  }
0x97: {  	[tilespmem:s10], [sflag:$0x1] =	stream.indirect.gather [hbm4b:s2+s9], $0x80, s6, s9, $0xb8;
	[tilespmem:$0x1CA00] =	vst v63  }
0x98: {  	_ =	swait.ge [sflag:s20], $0x4000  }
0x99: {  	[sflag:s20] =	ssyncset.done $0x0  }
0x9a: {  	s6 =	rddreg [dreg:$0xd];
	[sflag:s20] =	ssyncadd.s32 $0xFFFFC000  }
0x9b: {  	[hbm4b:s6+s4] =	stream.linear.scatter [tilespmem:s11], [sflag:$0x9], $0x4000, $0x38;
	[tilespmem:$0x1CA00] =	vst v63  }
0x9c: {  	_ =	swait.ge [sflag:s21], $0x4000  }
0x9d: {  	s6 =	sld [smem:$0x7F6]  }
0x9e: {  	[sflag:s21] =	ssyncset.done $0x0  }
0x9f: {  	[sflag:s21] =	ssyncadd.s32 $0xFFFFC000  }
0xa0: {  	[tilespmem:s11], [sflag:$0x2] =	stream.indirect.gather [hbm4b:s1+s9], $0x80, s6, s9, $0xb8;
	[tilespmem:$0x1CA00] =	vst v63  }
0xa1: {  	_ =	swait.ge [sflag:s22], $0x4000  }
0xa2: {  	[sflag:s22] =	ssyncset.done $0x0  }
0xa3: {  	s6 =	rddreg [dreg:$0xe];
	[sflag:s22] =	ssyncadd.s32 $0xFFFFC000  }
0xa4: {  	[hbm4b:s6+s7] =	stream.strided.scatter [tilespmem:s12], [sflag:$0xA], $0x4000, s13, s7, $0x38;
	[tilespmem:$0x1CA00] =	vst v63  }
0xa5: {  	_ =	swait.ge [sflag:s23], $0x4000  }
0xa6: {  	s6 =	sld [smem:$0x7F7]  }
0xa7: {  	[sflag:s23] =	ssyncset.done $0x0  }
0xa8: {  	[sflag:s23] =	ssyncadd.s32 $0xFFFFC000  }
0xa9: {  	[tilespmem:s12], [sflag:$0x3] =	stream.indirect.gather [hbm4b:s1+s9], $0x80, s6, s9, $0xb8;
	[tilespmem:$0x1CA00] =	vst v63  }
0xaa: {  	_ =	swait.ge [sflag:s24], $0x4000  }
0xab: {  	[sflag:s24] =	ssyncset.done $0x0  }
0xac: {  	s6 =	rddreg [dreg:$0xf];
	[sflag:s24] =	ssyncadd.s32 $0xFFFFC000  }
0xad: {  	[hbm4b:s6+s7] =	stream.strided.scatter [tilespmem:s14], [sflag:$0xB], $0x4000, s13, s7, $0x38;
	[tilespmem:$0x1CA00] =	vst v63  }
0xae: {  	_ =	swait.ge [sflag:s25], $0x4000  }
0xaf: {  	s6 =	sld [smem:$0x7F8]  }
0xb0: {  	[sflag:s25] =	ssyncset.done $0x0  }
0xb1: {  	[sflag:s25] =	ssyncadd.s32 $0xFFFFC000  }
0xb2: {  	[tilespmem:s14], [sflag:$0x4] =	stream.indirect.gather [hbm4b:s2+s9], $0x80, s6, s9, $0xb8;
	[tilespmem:$0x1CA00] =	vst v63  }
0xb3: {  	_ =	swait.ge [sflag:s26], $0x4000  }
0xb4: {  	[sflag:s26] =	ssyncset.done $0x0  }
0xb5: {  	s6 =	rddreg [dreg:$0x10];
	[sflag:s26] =	ssyncadd.s32 $0xFFFFC000  }
0xb6: {  	[hbm4b:s6+s4] =	stream.linear.scatter [tilespmem:s15], [sflag:$0xC], $0x4000, $0x38;
	[tilespmem:$0x1CA00] =	vst v63  }
0xb7: {  	_ =	swait.ge [sflag:s28], $0x4000  }
0xb8: {  	s6 =	sld [smem:$0x7F9]  }
0xb9: {  	[sflag:s28] =	ssyncset.done $0x0  }
0xba: {  	[sflag:s28] =	ssyncadd.s32 $0xFFFFC000  }
0xbb: {  	[tilespmem:s15], [sflag:$0x5] =	stream.indirect.gather [hbm4b:s2+s9], $0x80, s6, s9, $0xb8;
	[tilespmem:$0x1CA00] =	vst v63  }
0xbc: {  	_ =	swait.ge [sflag:s29], $0x4000  }
0xbd: {  	[sflag:s29] =	ssyncset.done $0x0  }
0xbe: {  	s6 =	rddreg [dreg:$0x11];
	[sflag:s29] =	ssyncadd.s32 $0xFFFFC000  }
0xbf: {  	[hbm4b:s6+s4] =	stream.linear.scatter [tilespmem:s16], [sflag:$0xD], $0x4000, $0x38;
	[tilespmem:$0x1CA00] =	vst v63  }
0xc0: {  	_ =	swait.ge [sflag:s30], $0x4000  }
0xc1: {  	s6 =	sld [smem:$0x7FA]  }
0xc2: {  	[sflag:s30] =	ssyncset.done $0x0  }
0xc3: {  	[sflag:s30] =	ssyncadd.s32 $0xFFFFC000  }
0xc4: {  	[tilespmem:s16], [sflag:$0x6] =	stream.indirect.gather [hbm4b:s1+s9], $0x80, s6, s9, $0xb8;
	[tilespmem:$0x1CA00] =	vst v63  }
0xc5: {  	_ =	swait.ge [sflag:s31], $0x4000  }
0xc6: {  	[sflag:s31] =	ssyncset.done $0x0  }
0xc7: {  	s6 =	rddreg [dreg:$0x12];
	[sflag:s31] =	ssyncadd.s32 $0xFFFFC000  }
0xc8: {  	[hbm4b:s6+s7] =	stream.strided.scatter [tilespmem:s17], [sflag:$0xE], $0x4000, s13, s7, $0x38;
	[tilespmem:$0x1CA00] =	vst v63  }
0xc9: {  	_ =	swait.ge [sflag:s0], $0x4000  }
0xca: {  	s6 =	sld [smem:$0x7FB]  }
0xcb: {  	[sflag:s0] =	ssyncset.done $0x0  }
0xcc: {  	[sflag:s0] =	ssyncadd.s32 $0xFFFFC000  }
0xcd: {  	[tilespmem:s17], [sflag:$0x7] =	stream.indirect.gather [hbm4b:s1+s9], $0x80, s6, s9, $0xb8;
	[tilespmem:$0x1CA00] =	vst v63  }
0xce: {  	_ =	swait.ge [sflag:s18], $0x4000  }
0xcf: {  	[sflag:s18] =	ssyncset.done $0x0  }
0xd0: {  	s6 =	rddreg [dreg:$0x13];
	[sflag:s18] =	ssyncadd.s32 $0xFFFFC000  }
0xd1: {  	[hbm4b:s6+s7] =	stream.strided.scatter [tilespmem:s10], [sflag:$0x8], $0x4000, s13, s7, $0x38;
	[tilespmem:$0x1CA00] =	vst v63  }
0xd2: {  	_ =	swait.ge [sflag:s19], $0x4000  }
0xd3: {  	s6 =	sld [smem:$0x7FC]  }
0xd4: {  	[sflag:s19] =	ssyncset.done $0x0  }
0xd5: {  	[sflag:s19] =	ssyncadd.s32 $0xFFFFC000  }
0xd6: {  	[tilespmem:s10], [sflag:$0x1] =	stream.indirect.gather [hbm4b:s2+s9], $0x80, s6, s9, $0xb8;
	[tilespmem:$0x1CA00] =	vst v63  }
0xd7: {  	_ =	swait.ge [sflag:s20], $0x4000  }
0xd8: {  	[sflag:s20] =	ssyncset.done $0x0  }
0xd9: {  	s6 =	rddreg [dreg:$0x14];
	[sflag:s20] =	ssyncadd.s32 $0xFFFFC000  }
0xda: {  	[hbm4b:s6+s4] =	stream.linear.scatter [tilespmem:s11], [sflag:$0x9], $0x4000, $0x38;
	[tilespmem:$0x1CA00] =	vst v63  }
0xdb: {  	_ =	swait.ge [sflag:s21], $0x4000  }
0xdc: {  	s6 =	sld [smem:$0x7FD]  }
0xdd: {  	[sflag:s21] =	ssyncset.done $0x0  }
0xde: {  	[sflag:s21] =	ssyncadd.s32 $0xFFFFC000  }
0xdf: {  	[tilespmem:s11], [sflag:$0x2] =	stream.indirect.gather [hbm4b:s2+s9], $0x80, s6, s9, $0xb8;
	[tilespmem:$0x1CA00] =	vst v63  }
0xe0: {  	_ =	swait.ge [sflag:s22], $0x4000  }
0xe1: {  	[sflag:s22] =	ssyncset.done $0x0  }
0xe2: {  	s6 =	rddreg [dreg:$0x15];
	[sflag:s22] =	ssyncadd.s32 $0xFFFFC000  }
0xe3: {  	[hbm4b:s6+s4] =	stream.linear.scatter [tilespmem:s12], [sflag:$0xA], $0x4000, $0x38;
	[tilespmem:$0x1CA00] =	vst v63  }
0xe4: {  	_ =	swait.ge [sflag:s24], $0x4000  }
0xe5: {  	[sflag:s24] =	ssyncset.done $0x0  }
0xe6: {  	s6 =	rddreg [dreg:$0x16];
	[sflag:s24] =	ssyncadd.s32 $0xFFFFC000  }
0xe7: {  	[hbm4b:s6+s7] =	stream.strided.scatter [tilespmem:s14], [sflag:$0xB], $0x4000, s13, s7, $0x38;
	[tilespmem:$0x1CA00] =	vst v63  }
0xe8: {  	_ =	swait.ge [sflag:s26], $0x4000  }
0xe9: {  	[sflag:s26] =	ssyncset.done $0x0  }
0xea: {  	s12 =	rddreg [dreg:$0x17];
	[sflag:s26] =	ssyncadd.s32 $0xFFFFC000  }
0xeb: {  	[hbm4b:s12+s7] =	stream.strided.scatter [tilespmem:s15], [sflag:$0xC], $0x4000, s13, s7, $0x38;
	[tilespmem:$0x1CA00] =	vst v63  }
0xec: {  	_ =	swait.ge [sflag:s29], $0x4000  }
0xed: {  	[sflag:s29] =	ssyncset.done $0x0  }
0xee: {  	s6 =	rddreg [dreg:$0x18];
	[sflag:s29] =	ssyncadd.s32 $0xFFFFC000  }
0xef: {  	[hbm4b:s6+s4] =	stream.linear.scatter [tilespmem:s16], [sflag:$0xD], $0x4000, $0x38;
	[tilespmem:$0x1CA00] =	vst v63  }
0xf0: {  	_ =	swait.ge [sflag:s31], $0x4000  }
0xf1: {  	[sflag:s31] =	ssyncset.done $0x0  }
0xf2: {  	s12 =	rddreg [dreg:$0x19];
	[sflag:s31] =	ssyncadd.s32 $0xFFFFC000  }
0xf3: {  	[hbm4b:s12+s4] =	stream.linear.scatter [tilespmem:s17], [sflag:$0xE], $0x4000, $0x38;
	[tilespmem:$0x1CA00] =	vst v63  }
0xf4: {  	_ =	swait.ge [sflag:s18], $0x4000  }
0xf5: {  	[sflag:s18] =	ssyncset.done $0x0  }
0xf6: {  	s6 =	rddreg [dreg:$0x1a];
	[sflag:s18] =	ssyncadd.s32 $0xFFFFC000  }
0xf7: {  	[hbm4b:s6+s7] =	stream.strided.scatter [tilespmem:s10], [sflag:$0x8], $0x4000, s13, s7, $0x38;
	[tilespmem:$0x1CA00] =	vst v63  }
0xf8: {  	_ =	swait.ge [sflag:s20], $0x4000  }
0xf9: {  	[sflag:s20] =	ssyncset.done $0x0  }
0xfa: {  	s12 =	rddreg [dreg:$0x1b];
	[sflag:s20] =	ssyncadd.s32 $0xFFFFC000  }
0xfb: {  	[hbm4b:s12+s7] =	stream.strided.scatter [tilespmem:s11], [sflag:$0x9], $0x4000, s13, s7, $0x38;
	[tilespmem:$0x1CA00] =	vst v63  }
0xfc: {  	_ =	swait.ge [sflag:s23], $0x4000  }
0xfd: {  	[sflag:s23] =	ssyncset.done $0x0  }
0xfe: {  	[sflag:s23] =	ssyncadd.s32 $0xFFFFC000  }
0xff: {  	_ =	swait.ge [sflag:s25], $0x4000  }
0x100: {  	[sflag:s25] =	ssyncset.done $0x0  }
0x101: {  	[sflag:s25] =	ssyncadd.s32 $0xFFFFC000  }
0x102: {  	_ =	swait.ge [sflag:s28], $0x4000  }
0x103: {  	[sflag:s28] =	ssyncset.done $0x0  }
0x104: {  	[sflag:s28] =	ssyncadd.s32 $0xFFFFC000  }
0x105: {  	_ =	swait.ge [sflag:s30], $0x4000  }
0x106: {  	[sflag:s30] =	ssyncset.done $0x0  }
0x107: {  	[sflag:s30] =	ssyncadd.s32 $0xFFFFC000  }
0x108: {  	_ =	swait.ge [sflag:s0], $0x4000  }
0x109: {  	[sflag:s0] =	ssyncset.done $0x0  }
0x10a: {  	[sflag:s0] =	ssyncadd.s32 $0xFFFFC000  }
0x10b: {  	p0 =	sne.s32 s5, $0x1;
	_ =	swait.ge [sflag:s19], $0x4000  }
.Ltmp0:
0x10c: {  	[sflag:s19] =	ssyncset.done $0x0;
	(pc) =	sbr.rel @p0 .LBB2_1-.Ltmp0, $4  }
0x10d: {  	[sflag:s19] =	ssyncadd.s32 $0xFFFFC000  }
0x10e: {  	_ =	swait.ge [sflag:s21], $0x4000  }
0x10f: {  	[sflag:s21] =	ssyncset.done $0x0  }
0x110: {  	s5 =	sadd.s32 $0xFFFFFFFF, s5;
	[sflag:s21] =	ssyncadd.s32 $0xFFFFC000  }
0x111: {  	_ =	sfence.sel $0x180000  }
0x112: {  	[bflag:$0x0] =	sbarrier.arrive $0xFFFF  }
0x113: {  	_ =	strace $0x90000047  }
0x114: {  	s0 =	stileid.u32;
	[bflag:$0x2] =	sbarrier.arrive $0xFFFF  }
0x115: {  	p0 =	sne.s32 s0, $0x0;
	s0 =	rddreg [dreg:$0x8]  }
0x116: {  	s0 =	sadd.s32 @!p0 $0x100000, s0  }
0x117: {  	[sflag:s0] =	ssyncadd.tile.s32 @!p0 $0x1;
	_ =	shalt  }
.Lfunc_end2:
_tile_overlayer_lowered:
.L_overlay_start_2:
0x118: {  	(tag) =	ssettag $0x2  }
0x119: {  	s0 =	rddreg [dreg:$0x0];
	s2 =	stileid.u32  }
0x11a: {  	s1 =	rddreg [dreg:$0x1];
	p0 =	sne.s32 s2, $0x0  }
0x11b: {  	s3 =	rddreg [dreg:$0x2];
	[bflag:$0x3] =	sbarrier.arrive $0xFFFF;
	s2 =	simm.s32 @!p0 $0x1C10  }
0x11c: {  	[timem:s3], [sflag:s2] =	dma.local @!p0 [hbm:s0], s1  }
0x11d: {  	s0 =	simm.s32 @!p0 $0x10  }
0x11e: {  	_ =	swait.ge @!p0 [sflag:s0], s1  }
0x11f: {  	s1 =	ssub.s32 @!p0 $0x0, s1;
	[sflag:s0] =	ssyncset.done @!p0 $0x0  }
0x120: {  	[sflag:s0] =	ssyncadd.s32 @!p0 s1  }
0x121: {  	[bflag:$0x3] =	sbarrier.arrive $0xFFFF  }
0x122: {  	_ =	shalt  }

</sc_bundles>
